<compile_context>
chip_gen: v7x
topology: tpu7x:2x2x1
jax: 0.10.2.dev20260603
libtpu: 0.0.44.dev20260713+nightly
codegen_flags: <defaults>
</compile_context>

<pallas_src>
import functools

import jax
import jax.numpy as jnp
from jax import lax
from jax.experimental import pallas as pl
from jax.experimental.pallas import tpu as pltpu
from jax.experimental.pallas import tpu_sc as plsc

FAR_PLANE = 10.0
B = 16384
S = 256
NW = 32
RPW = B // NW
NC = 4
CR = RPW // NC


def _sc_body(w_hbm, s_hbm, e_hbm, o_hbm,
             w16, w240, idxb, cntb, svb, evb, outb, sem_w, sem_g):
    cid = lax.axis_index("c")
    sid = lax.axis_index("s")
    wid = sid * 2 + cid
    base = wid * RPW

    lanes = lax.iota(jnp.int32, 16)
    half = jnp.full((16,), 0.5, jnp.float32)
    one = jnp.full((16,), 1, jnp.int32)
    zero_i = jnp.full((16,), 0, jnp.int32)
    far = jnp.full((16,), FAR_PLANE, jnp.float32)

    stage = [
        pltpu.async_copy(
            w_hbm.at[pl.ds(base + c * CR, CR), pl.ds(0, 16)],
            w16.at[pl.ds(c * CR, CR)], sem_w)
        for c in range(NC)
    ]

    def group_body(gl, c):
        row0 = c * CR + gl * 16
        rows = row0 + lanes

        acc = plsc.load_gather(w16, [rows, jnp.full((16,), 0, jnp.int32)])
        cnt = jnp.where(acc < half, one, zero_i)
        for s in range(1, 16):
            w = plsc.load_gather(w16, [rows, jnp.full((16,), s, jnp.int32)])
            acc = acc + w
            cnt = cnt + jnp.where(acc < half, one, zero_i)

        c0 = gl * 16
        cntb[c, pl.ds(c0, 16)] = cnt
        idxb[c, pl.ds(c0, 16)] = (base + row0 + lanes) * S + cnt

        @pl.when(jnp.any(acc < half))
        def _slow():
            pltpu.sync_copy(
                w_hbm.at[pl.ds(base + row0, 16), pl.ds(16, S - 16)],
                w240)

            def step2(s, carry):
                acc2, cnt2 = carry
                w = plsc.load_gather(
                    w240, [lanes, jnp.full((16,), s, jnp.int32)])
                acc2 = acc2 + w
                cnt2 = cnt2 + jnp.where(acc2 < half, one, zero_i)
                return acc2, cnt2

            _, cnt2 = lax.fori_loop(0, S - 16, step2, (acc, cnt))
            cntb[c, pl.ds(c0, 16)] = cnt2
            idxb[c, pl.ds(c0, 16)] = (
                (base + row0 + lanes) * S + jnp.minimum(cnt2, S - 1))

        return c

    gathers = []
    for c in range(NC):
        stage[c].wait()
        lax.fori_loop(0, CR // 16, group_body, c)

        gathers.append(
            pltpu.async_copy(s_hbm.at[idxb.at[c]], svb.at[c], sem_g))
        gathers.append(
            pltpu.async_copy(e_hbm.at[idxb.at[c]], evb.at[c], sem_g))

    for g in gathers:
        g.wait()

    for c in range(NC):
        for k in range(CR // 16):
            c0 = k * 16
            sv = svb[c, pl.ds(c0, 16)]
            ev = evb[c, pl.ds(c0, 16)]
            cf = cntb[c, pl.ds(c0, 16)]
            d = (sv + ev) * 0.5
            d = jnp.where(cf >= S, far, d)
            outb[pl.ds(c * CR + c0, 16)] = d

    pltpu.sync_copy(outb, o_hbm.at[pl.ds(base, RPW)])


def kernel(weights, starts, ends):
    w2 = weights.reshape(B, S)
    sf = starts.reshape(B * S)
    ef = ends.reshape(B * S)
    mesh = plsc.VectorSubcoreMesh(core_axis_name="c", subcore_axis_name="s")
    k = functools.partial(
        pl.kernel,
        mesh=mesh,
        compiler_params=pltpu.CompilerParams(
            use_tc_tiling_on_sc=False, needs_layout_passes=False),
        out_type=jax.ShapeDtypeStruct((B,), jnp.float32),
        scratch_types=[
            pltpu.VMEM((RPW, 16), jnp.float32),
            pltpu.VMEM((16, S - 16), jnp.float32),
            pltpu.VMEM((NC, CR), jnp.int32),
            pltpu.VMEM((NC, CR), jnp.int32),
            pltpu.VMEM((NC, CR), jnp.float32),
            pltpu.VMEM((NC, CR), jnp.float32),
            pltpu.VMEM((RPW,), jnp.float32),
            pltpu.SemaphoreType.DMA,
            pltpu.SemaphoreType.DMA,
        ],
    )(_sc_body)
    out = k(w2, sf, ef)
    return out.reshape(B, 1)

# --- scband reference (transcript-rebuilt; emitter-appended) ---
"""Pipeline reference for scband-seathru-depth-renderer-54125177865159 (READ-ONLY COPY).

The authoritative reference and input builder live on the scoring server;
editing this copy changes nothing except your own understanding.
"""

import jax, jax.numpy as jnp
import numpy as np

FAR_PLANE = 10.0

def setup_inputs(seed: int = 0) -> dict:
    key = jax.random.key(seed)
    k1, k2, k3 = jax.random.split(key, 3)
    B, S = 16384, 256
    weights = jax.random.uniform(k1, (B, S, 1), dtype=jnp.float32)
    starts = jax.random.uniform(k2, (B, S, 1), dtype=jnp.float32)
    ends = jax.random.uniform(k3, (B, S, 1), dtype=jnp.float32)
    return {"weights": weights, "starts": starts, "ends": ends}

def reference(weights, starts, ends):
    # steps = midpoints of frustum intervals
    steps = (starts + ends) / 2.0  # [B, S, 1]
    acc_weights = jnp.sum(weights, axis=-2, keepdims=True)  # [B, 1, 1]
    bg_weight = 1.0 - acc_weights  # [B, 1, 1]
    weights_ext = jnp.concatenate([weights, bg_weight], axis=1)  # [B, S+1, 1]
    far = jnp.ones((steps.shape[0], 1, 1), dtype=steps.dtype) * FAR_PLANE
    steps_ext = jnp.concatenate([steps, far], axis=1)  # [B, S+1, 1]
    # median method
    cumulative_weights_ext = jnp.cumsum(weights_ext[..., 0], axis=-1)  # [B, S+1]
    split = 0.5
    # searchsorted(side='left') per row == count of entries strictly less than split
    median_index = jnp.sum(cumulative_weights_ext < split, axis=-1, keepdims=True)  # [B, 1] int
    median_index = jnp.clip(median_index, 0, steps_ext.shape[-2] - 1)
    median_depth = jnp.take_along_axis(steps_ext[..., 0], median_index, axis=-1)  # [B, 1]
    return median_depth

if __name__ == "__main__":
    import jax
    _d = setup_inputs()
    print(jax.jit(kernel)(*tuple(_d.values())))

</pallas_src>

<mosaic_0001>
#map = affine_map<(d0, d1) -> (0, 0)>
#map1 = affine_map<(d0, d1) -> (0)>
module attributes {stable_mosaic.version = 14 : i64} {
  func.func @_sc_body(%arg0: i32, %arg1: i32, %arg2: memref<16384x256xf32, #tpu.memory_space<hbm>>, %arg3: memref<4194304xf32, #tpu.memory_space<hbm>>, %arg4: memref<4194304xf32, #tpu.memory_space<hbm>>, %arg5: memref<16384xf32, #tpu.memory_space<hbm>>, %arg6: memref<512x16xf32, #tpu.memory_space<vmem>>, %arg7: memref<16x240xf32, #tpu.memory_space<vmem>>, %arg8: memref<4x128xi32, #tpu.memory_space<vmem>>, %arg9: memref<4x128xi32, #tpu.memory_space<vmem>>, %arg10: memref<4x128xf32, #tpu.memory_space<vmem>>, %arg11: memref<4x128xf32, #tpu.memory_space<vmem>>, %arg12: memref<512xf32, #tpu.memory_space<vmem>>, %arg13: memref<!tpu.dma_semaphore, #tpu.memory_space<semaphore_mem>>, %arg14: memref<!tpu.dma_semaphore, #tpu.memory_space<semaphore_mem>>) attributes {dimension_semantics = [#tpu.dimension_semantics<core_parallel>, #tpu.dimension_semantics<subcore_parallel>], iteration_bounds = array<i64: 2, 16>, scalar_prefetch = 0 : i64, scratch_operands = 9 : i64, tpu.core_type = #tpu.core_type<sc_vector_subcore>, window_params = [{transform_indices = #map}, {transform_indices = #map1}, {transform_indices = #map1}, {transform_indices = #map1}]} {
    %mul3A = arith.constant 2 : i32
    %mul3A_0 = arith.muli %arg1, %mul3A : i32
    %add3A = arith.addi %mul3A_0, %arg0 : i32
    %mul3A_1 = arith.constant 512 : i32
    %mul3A_2 = arith.muli %add3A, %mul3A_1 : i32
    %iota3A = tpu.iota {dimensions = array<i32: 0>} : vector<16xi32>
    %broadcast_in_dim3A = arith.constant 5.000000e-01 : f32
    %broadcast_in_dim3A_3 = vector.broadcast %broadcast_in_dim3A : f32 to vector<16xf32>
    %broadcast_in_dim3A_4 = arith.constant 1 : i32
    %broadcast_in_dim3A_5 = vector.broadcast %broadcast_in_dim3A_4 : i32 to vector<16xi32>
    %broadcast_in_dim3A_6 = arith.constant 0 : i32
    %broadcast_in_dim3A_7 = vector.broadcast %broadcast_in_dim3A_6 : i32 to vector<16xi32>
    %broadcast_in_dim3A_8 = arith.constant 1.000000e+01 : f32
    %broadcast_in_dim3A_9 = vector.broadcast %broadcast_in_dim3A_8 : f32 to vector<16xf32>
    %add3A_10 = arith.constant 0 : i32
    %add3A_11 = arith.addi %mul3A_2, %add3A_10 : i32
    %dma_start3A = arith.constant 0 : i32
    %dma_start3A_12 = arith.constant 0 : i32
    %dma_start3A_13 = tpu.memref_slice %arg6[%dma_start3A, %dma_start3A_12] : memref<512x16xf32, #tpu.memory_space<vmem>> -> memref<128x16xf32, #tpu.memory_space<vmem>>
    %dma_start3A_14 = arith.constant 0 : i32
    %dma_start3A_15 = tpu.memref_slice %arg2[%add3A_11, %dma_start3A_14] : memref<16384x256xf32, #tpu.memory_space<hbm>> -> memref<128x16xf32, #tpu.memory_space<hbm>>
    %dma_start3A_16 = arith.constant 0 : i32
    %dma_start3A_17 = arith.constant 0 : i32
    %dma_start3A_18 = tpu.memref_slice %arg6[%dma_start3A_16, %dma_start3A_17] : memref<512x16xf32, #tpu.memory_space<vmem>> -> memref<128x16xf32, #tpu.memory_space<vmem>>
    %dma_start3A_19 = arith.constant 0 : i32
    %dma_start3A_20 = tpu.memref_slice %arg2[%add3A_11, %dma_start3A_19] : memref<16384x256xf32, #tpu.memory_space<hbm>> -> memref<128x16xf32, #tpu.memory_space<hbm>>
    tpu.enqueue_dma source(%dma_start3A_20 : memref<128x16xf32, #tpu.memory_space<hbm>>) target(%dma_start3A_18 : memref<128x16xf32, #tpu.memory_space<vmem>>) target_semaphore(%arg13 : memref<!tpu.dma_semaphore, #tpu.memory_space<semaphore_mem>>)
    %add3A_21 = arith.constant 128 : i32
    %add3A_22 = arith.addi %mul3A_2, %add3A_21 : i32
    %dma_start3A_23 = arith.constant 128 : i32
    %dma_start3A_24 = arith.constant 0 : i32
    %dma_start3A_25 = tpu.memref_slice %arg6[%dma_start3A_23, %dma_start3A_24] : memref<512x16xf32, #tpu.memory_space<vmem>> -> memref<128x16xf32, #tpu.memory_space<vmem>>
    %dma_start3A_26 = arith.constant 0 : i32
    %dma_start3A_27 = tpu.memref_slice %arg2[%add3A_22, %dma_start3A_26] : memref<16384x256xf32, #tpu.memory_space<hbm>> -> memref<128x16xf32, #tpu.memory_space<hbm>>
    %dma_start3A_28 = arith.constant 128 : i32
    %dma_start3A_29 = arith.constant 0 : i32
    %dma_start3A_30 = tpu.memref_slice %arg6[%dma_start3A_28, %dma_start3A_29] : memref<512x16xf32, #tpu.memory_space<vmem>> -> memref<128x16xf32, #tpu.memory_space<vmem>>
    %dma_start3A_31 = arith.constant 0 : i32
    %dma_start3A_32 = tpu.memref_slice %arg2[%add3A_22, %dma_start3A_31] : memref<16384x256xf32, #tpu.memory_space<hbm>> -> memref<128x16xf32, #tpu.memory_space<hbm>>
    tpu.enqueue_dma source(%dma_start3A_32 : memref<128x16xf32, #tpu.memory_space<hbm>>) target(%dma_start3A_30 : memref<128x16xf32, #tpu.memory_space<vmem>>) target_semaphore(%arg13 : memref<!tpu.dma_semaphore, #tpu.memory_space<semaphore_mem>>)
    %add3A_33 = arith.constant 256 : i32
    %add3A_34 = arith.addi %mul3A_2, %add3A_33 : i32
    %dma_start3A_35 = arith.constant 256 : i32
    %dma_start3A_36 = arith.constant 0 : i32
    %dma_start3A_37 = tpu.memref_slice %arg6[%dma_start3A_35, %dma_start3A_36] : memref<512x16xf32, #tpu.memory_space<vmem>> -> memref<128x16xf32, #tpu.memory_space<vmem>>
    %dma_start3A_38 = arith.constant 0 : i32
    %dma_start3A_39 = tpu.memref_slice %arg2[%add3A_34, %dma_start3A_38] : memref<16384x256xf32, #tpu.memory_space<hbm>> -> memref<128x16xf32, #tpu.memory_space<hbm>>
    %dma_start3A_40 = arith.constant 256 : i32
    %dma_start3A_41 = arith.constant 0 : i32
    %dma_start3A_42 = tpu.memref_slice %arg6[%dma_start3A_40, %dma_start3A_41] : memref<512x16xf32, #tpu.memory_space<vmem>> -> memref<128x16xf32, #tpu.memory_space<vmem>>
    %dma_start3A_43 = arith.constant 0 : i32
    %dma_start3A_44 = tpu.memref_slice %arg2[%add3A_34, %dma_start3A_43] : memref<16384x256xf32, #tpu.memory_space<hbm>> -> memref<128x16xf32, #tpu.memory_space<hbm>>
    tpu.enqueue_dma source(%dma_start3A_44 : memref<128x16xf32, #tpu.memory_space<hbm>>) target(%dma_start3A_42 : memref<128x16xf32, #tpu.memory_space<vmem>>) target_semaphore(%arg13 : memref<!tpu.dma_semaphore, #tpu.memory_space<semaphore_mem>>)
    %add3A_45 = arith.constant 384 : i32
    %add3A_46 = arith.addi %mul3A_2, %add3A_45 : i32
    %dma_start3A_47 = arith.constant 384 : i32
    %dma_start3A_48 = arith.constant 0 : i32
    %dma_start3A_49 = tpu.memref_slice %arg6[%dma_start3A_47, %dma_start3A_48] : memref<512x16xf32, #tpu.memory_space<vmem>> -> memref<128x16xf32, #tpu.memory_space<vmem>>
    %dma_start3A_50 = arith.constant 0 : i32
    %dma_start3A_51 = tpu.memref_slice %arg2[%add3A_46, %dma_start3A_50] : memref<16384x256xf32, #tpu.memory_space<hbm>> -> memref<128x16xf32, #tpu.memory_space<hbm>>
    %dma_start3A_52 = arith.constant 384 : i32
    %dma_start3A_53 = arith.constant 0 : i32
    %dma_start3A_54 = tpu.memref_slice %arg6[%dma_start3A_52, %dma_start3A_53] : memref<512x16xf32, #tpu.memory_space<vmem>> -> memref<128x16xf32, #tpu.memory_space<vmem>>
    %dma_start3A_55 = arith.constant 0 : i32
    %dma_start3A_56 = tpu.memref_slice %arg2[%add3A_46, %dma_start3A_55] : memref<16384x256xf32, #tpu.memory_space<hbm>> -> memref<128x16xf32, #tpu.memory_space<hbm>>
    tpu.enqueue_dma source(%dma_start3A_56 : memref<128x16xf32, #tpu.memory_space<hbm>>) target(%dma_start3A_54 : memref<128x16xf32, #tpu.memory_space<vmem>>) target_semaphore(%arg13 : memref<!tpu.dma_semaphore, #tpu.memory_space<semaphore_mem>>)
    %dma_wait3A = arith.constant 0 : i32
    %dma_wait3A_57 = arith.constant 0 : i32
    %dma_wait3A_58 = tpu.memref_slice %arg6[%dma_wait3A, %dma_wait3A_57] : memref<512x16xf32, #tpu.memory_space<vmem>> -> memref<128x16xf32, #tpu.memory_space<vmem>>
    %dma_wait3A_59 = arith.constant 0 : i32
    %dma_wait3A_60 = tpu.memref_slice %arg2[%add3A_11, %dma_wait3A_59] : memref<16384x256xf32, #tpu.memory_space<hbm>> -> memref<128x16xf32, #tpu.memory_space<hbm>>
    %dma_wait3A_61 = arith.constant 0 : i32
    %dma_wait3A_62 = arith.constant 0 : i32
    %dma_wait3A_63 = tpu.memref_slice %arg6[%dma_wait3A_61, %dma_wait3A_62] : memref<512x16xf32, #tpu.memory_space<vmem>> -> memref<128x16xf32, #tpu.memory_space<vmem>>
    %dma_wait3A_64 = arith.constant 0 : i32
    %dma_wait3A_65 = tpu.memref_slice %arg2[%add3A_11, %dma_wait3A_64] : memref<16384x256xf32, #tpu.memory_space<hbm>> -> memref<128x16xf32, #tpu.memory_space<hbm>>
    tpu.wait_dma2 semaphore(%arg13 : memref<!tpu.dma_semaphore, #tpu.memory_space<semaphore_mem>>) src(%dma_wait3A_65 : memref<128x16xf32, #tpu.memory_space<hbm>>) dst(%dma_wait3A_63 : memref<128x16xf32, #tpu.memory_space<vmem>>)
    %scan3A = arith.constant 0 : i32
    %scan3A_66 = arith.constant 0 : i32
    %scan3A_67 = arith.constant 8 : i32
    %scan3A_68 = arith.addi %scan3A_66, %scan3A_67 : i32
    %scan3A_69 = arith.constant 1 : i32
    scf.for %scan3A_979 = %scan3A_66 to %scan3A_68 step %scan3A_69  : i32 {
      %mul3A_980 = arith.constant 128 : i32
      %mul3A_981 = arith.muli %scan3A, %mul3A_980 : i32
      %mul3A_982 = arith.constant 16 : i32
      %mul3A_983 = arith.muli %scan3A_979, %mul3A_982 : i32
      %add3A_984 = arith.addi %mul3A_981, %mul3A_983 : i32
      %add3A_985 = vector.broadcast %add3A_984 : i32 to vector<16xi32>
      %add3A_986 = arith.addi %add3A_985, %iota3A : vector<16xi32>
      %broadcast_in_dim3A_987 = arith.constant 0 : i32
      %broadcast_in_dim3A_988 = vector.broadcast %broadcast_in_dim3A_987 : i32 to vector<16xi32>
      %gather3A = tpu.vector_load_idx %arg6[%add3A_986, %broadcast_in_dim3A_988] : memref<512x16xf32, #tpu.memory_space<vmem>>[vector<16xi32>, vector<16xi32>], vector<16xf32>,
      %lt3A = arith.cmpf olt, %gather3A, %broadcast_in_dim3A_3 : vector<16xf32>
      %select_n3A_989 = arith.select %lt3A, %broadcast_in_dim3A_5, %broadcast_in_dim3A_7 : vector<16xi1>, vector<16xi32>
      %broadcast_in_dim3A_990 = arith.constant 1 : i32
      %broadcast_in_dim3A_991 = vector.broadcast %broadcast_in_dim3A_990 : i32 to vector<16xi32>
      %gather3A_992 = tpu.vector_load_idx %arg6[%add3A_986, %broadcast_in_dim3A_991] : memref<512x16xf32, #tpu.memory_space<vmem>>[vector<16xi32>, vector<16xi32>], vector<16xf32>,
      %add3A_993 = arith.addf %gather3A, %gather3A_992 : vector<16xf32>
      %lt3A_994 = arith.cmpf olt, %add3A_993, %broadcast_in_dim3A_3 : vector<16xf32>
      %select_n3A_995 = arith.select %lt3A_994, %broadcast_in_dim3A_5, %broadcast_in_dim3A_7 : vector<16xi1>, vector<16xi32>
      %add3A_996 = arith.addi %select_n3A_989, %select_n3A_995 : vector<16xi32>
      %broadcast_in_dim3A_997 = arith.constant 2 : i32
      %broadcast_in_dim3A_998 = vector.broadcast %broadcast_in_dim3A_997 : i32 to vector<16xi32>
      %gather3A_999 = tpu.vector_load_idx %arg6[%add3A_986, %broadcast_in_dim3A_998] : memref<512x16xf32, #tpu.memory_space<vmem>>[vector<16xi32>, vector<16xi32>], vector<16xf32>,
      %add3A_1000 = arith.addf %add3A_993, %gather3A_999 : vector<16xf32>
      %lt3A_1001 = arith.cmpf olt, %add3A_1000, %broadcast_in_dim3A_3 : vector<16xf32>
      %select_n3A_1002 = arith.select %lt3A_1001, %broadcast_in_dim3A_5, %broadcast_in_dim3A_7 : vector<16xi1>, vector<16xi32>
      %add3A_1003 = arith.addi %add3A_996, %select_n3A_1002 : vector<16xi32>
      %broadcast_in_dim3A_1004 = arith.constant 3 : i32
      %broadcast_in_dim3A_1005 = vector.broadcast %broadcast_in_dim3A_1004 : i32 to vector<16xi32>
      %gather3A_1006 = tpu.vector_load_idx %arg6[%add3A_986, %broadcast_in_dim3A_1005] : memref<512x16xf32, #tpu.memory_space<vmem>>[vector<16xi32>, vector<16xi32>], vector<16xf32>,
      %add3A_1007 = arith.addf %add3A_1000, %gather3A_1006 : vector<16xf32>
      %lt3A_1008 = arith.cmpf olt, %add3A_1007, %broadcast_in_dim3A_3 : vector<16xf32>
      %select_n3A_1009 = arith.select %lt3A_1008, %broadcast_in_dim3A_5, %broadcast_in_dim3A_7 : vector<16xi1>, vector<16xi32>
      %add3A_1010 = arith.addi %add3A_1003, %select_n3A_1009 : vector<16xi32>
      %broadcast_in_dim3A_1011 = arith.constant 4 : i32
      %broadcast_in_dim3A_1012 = vector.broadcast %broadcast_in_dim3A_1011 : i32 to vector<16xi32>
      %gather3A_1013 = tpu.vector_load_idx %arg6[%add3A_986, %broadcast_in_dim3A_1012] : memref<512x16xf32, #tpu.memory_space<vmem>>[vector<16xi32>, vector<16xi32>], vector<16xf32>,
      %add3A_1014 = arith.addf %add3A_1007, %gather3A_1013 : vector<16xf32>
      %lt3A_1015 = arith.cmpf olt, %add3A_1014, %broadcast_in_dim3A_3 : vector<16xf32>
      %select_n3A_1016 = arith.select %lt3A_1015, %broadcast_in_dim3A_5, %broadcast_in_dim3A_7 : vector<16xi1>, vector<16xi32>
      %add3A_1017 = arith.addi %add3A_1010, %select_n3A_1016 : vector<16xi32>
      %broadcast_in_dim3A_1018 = arith.constant 5 : i32
      %broadcast_in_dim3A_1019 = vector.broadcast %broadcast_in_dim3A_1018 : i32 to vector<16xi32>
      %gather3A_1020 = tpu.vector_load_idx %arg6[%add3A_986, %broadcast_in_dim3A_1019] : memref<512x16xf32, #tpu.memory_space<vmem>>[vector<16xi32>, vector<16xi32>], vector<16xf32>,
      %add3A_1021 = arith.addf %add3A_1014, %gather3A_1020 : vector<16xf32>
      %lt3A_1022 = arith.cmpf olt, %add3A_1021, %broadcast_in_dim3A_3 : vector<16xf32>
      %select_n3A_1023 = arith.select %lt3A_1022, %broadcast_in_dim3A_5, %broadcast_in_dim3A_7 : vector<16xi1>, vector<16xi32>
      %add3A_1024 = arith.addi %add3A_1017, %select_n3A_1023 : vector<16xi32>
      %broadcast_in_dim3A_1025 = arith.constant 6 : i32
      %broadcast_in_dim3A_1026 = vector.broadcast %broadcast_in_dim3A_1025 : i32 to vector<16xi32>
      %gather3A_1027 = tpu.vector_load_idx %arg6[%add3A_986, %broadcast_in_dim3A_1026] : memref<512x16xf32, #tpu.memory_space<vmem>>[vector<16xi32>, vector<16xi32>], vector<16xf32>,
      %add3A_1028 = arith.addf %add3A_1021, %gather3A_1027 : vector<16xf32>
      %lt3A_1029 = arith.cmpf olt, %add3A_1028, %broadcast_in_dim3A_3 : vector<16xf32>
      %select_n3A_1030 = arith.select %lt3A_1029, %broadcast_in_dim3A_5, %broadcast_in_dim3A_7 : vector<16xi1>, vector<16xi32>
      %add3A_1031 = arith.addi %add3A_1024, %select_n3A_1030 : vector<16xi32>
      %broadcast_in_dim3A_1032 = arith.constant 7 : i32
      %broadcast_in_dim3A_1033 = vector.broadcast %broadcast_in_dim3A_1032 : i32 to vector<16xi32>
      %gather3A_1034 = tpu.vector_load_idx %arg6[%add3A_986, %broadcast_in_dim3A_1033] : memref<512x16xf32, #tpu.memory_space<vmem>>[vector<16xi32>, vector<16xi32>], vector<16xf32>,
      %add3A_1035 = arith.addf %add3A_1028, %gather3A_1034 : vector<16xf32>
      %lt3A_1036 = arith.cmpf olt, %add3A_1035, %broadcast_in_dim3A_3 : vector<16xf32>
      %select_n3A_1037 = arith.select %lt3A_1036, %broadcast_in_dim3A_5, %broadcast_in_dim3A_7 : vector<16xi1>, vector<16xi32>
      %add3A_1038 = arith.addi %add3A_1031, %select_n3A_1037 : vector<16xi32>
      %broadcast_in_dim3A_1039 = arith.constant 8 : i32
      %broadcast_in_dim3A_1040 = vector.broadcast %broadcast_in_dim3A_1039 : i32 to vector<16xi32>
      %gather3A_1041 = tpu.vector_load_idx %arg6[%add3A_986, %broadcast_in_dim3A_1040] : memref<512x16xf32, #tpu.memory_space<vmem>>[vector<16xi32>, vector<16xi32>], vector<16xf32>,
      %add3A_1042 = arith.addf %add3A_1035, %gather3A_1041 : vector<16xf32>
      %lt3A_1043 = arith.cmpf olt, %add3A_1042, %broadcast_in_dim3A_3 : vector<16xf32>
      %select_n3A_1044 = arith.select %lt3A_1043, %broadcast_in_dim3A_5, %broadcast_in_dim3A_7 : vector<16xi1>, vector<16xi32>
      %add3A_1045 = arith.addi %add3A_1038, %select_n3A_1044 : vector<16xi32>
      %broadcast_in_dim3A_1046 = arith.constant 9 : i32
      %broadcast_in_dim3A_1047 = vector.broadcast %broadcast_in_dim3A_1046 : i32 to vector<16xi32>
      %gather3A_1048 = tpu.vector_load_idx %arg6[%add3A_986, %broadcast_in_dim3A_1047] : memref<512x16xf32, #tpu.memory_space<vmem>>[vector<16xi32>, vector<16xi32>], vector<16xf32>,
      %add3A_1049 = arith.addf %add3A_1042, %gather3A_1048 : vector<16xf32>
      %lt3A_1050 = arith.cmpf olt, %add3A_1049, %broadcast_in_dim3A_3 : vector<16xf32>
      %select_n3A_1051 = arith.select %lt3A_1050, %broadcast_in_dim3A_5, %broadcast_in_dim3A_7 : vector<16xi1>, vector<16xi32>
      %add3A_1052 = arith.addi %add3A_1045, %select_n3A_1051 : vector<16xi32>
      %broadcast_in_dim3A_1053 = arith.constant 10 : i32
      %broadcast_in_dim3A_1054 = vector.broadcast %broadcast_in_dim3A_1053 : i32 to vector<16xi32>
      %gather3A_1055 = tpu.vector_load_idx %arg6[%add3A_986, %broadcast_in_dim3A_1054] : memref<512x16xf32, #tpu.memory_space<vmem>>[vector<16xi32>, vector<16xi32>], vector<16xf32>,
      %add3A_1056 = arith.addf %add3A_1049, %gather3A_1055 : vector<16xf32>
      %lt3A_1057 = arith.cmpf olt, %add3A_1056, %broadcast_in_dim3A_3 : vector<16xf32>
      %select_n3A_1058 = arith.select %lt3A_1057, %broadcast_in_dim3A_5, %broadcast_in_dim3A_7 : vector<16xi1>, vector<16xi32>
      %add3A_1059 = arith.addi %add3A_1052, %select_n3A_1058 : vector<16xi32>
      %broadcast_in_dim3A_1060 = arith.constant 11 : i32
      %broadcast_in_dim3A_1061 = vector.broadcast %broadcast_in_dim3A_1060 : i32 to vector<16xi32>
      %gather3A_1062 = tpu.vector_load_idx %arg6[%add3A_986, %broadcast_in_dim3A_1061] : memref<512x16xf32, #tpu.memory_space<vmem>>[vector<16xi32>, vector<16xi32>], vector<16xf32>,
      %add3A_1063 = arith.addf %add3A_1056, %gather3A_1062 : vector<16xf32>
      %lt3A_1064 = arith.cmpf olt, %add3A_1063, %broadcast_in_dim3A_3 : vector<16xf32>
      %select_n3A_1065 = arith.select %lt3A_1064, %broadcast_in_dim3A_5, %broadcast_in_dim3A_7 : vector<16xi1>, vector<16xi32>
      %add3A_1066 = arith.addi %add3A_1059, %select_n3A_1065 : vector<16xi32>
      %broadcast_in_dim3A_1067 = arith.constant 12 : i32
      %broadcast_in_dim3A_1068 = vector.broadcast %broadcast_in_dim3A_1067 : i32 to vector<16xi32>
      %gather3A_1069 = tpu.vector_load_idx %arg6[%add3A_986, %broadcast_in_dim3A_1068] : memref<512x16xf32, #tpu.memory_space<vmem>>[vector<16xi32>, vector<16xi32>], vector<16xf32>,
      %add3A_1070 = arith.addf %add3A_1063, %gather3A_1069 : vector<16xf32>
      %lt3A_1071 = arith.cmpf olt, %add3A_1070, %broadcast_in_dim3A_3 : vector<16xf32>
      %select_n3A_1072 = arith.select %lt3A_1071, %broadcast_in_dim3A_5, %broadcast_in_dim3A_7 : vector<16xi1>, vector<16xi32>
      %add3A_1073 = arith.addi %add3A_1066, %select_n3A_1072 : vector<16xi32>
      %broadcast_in_dim3A_1074 = arith.constant 13 : i32
      %broadcast_in_dim3A_1075 = vector.broadcast %broadcast_in_dim3A_1074 : i32 to vector<16xi32>
      %gather3A_1076 = tpu.vector_load_idx %arg6[%add3A_986, %broadcast_in_dim3A_1075] : memref<512x16xf32, #tpu.memory_space<vmem>>[vector<16xi32>, vector<16xi32>], vector<16xf32>,
      %add3A_1077 = arith.addf %add3A_1070, %gather3A_1076 : vector<16xf32>
      %lt3A_1078 = arith.cmpf olt, %add3A_1077, %broadcast_in_dim3A_3 : vector<16xf32>
      %select_n3A_1079 = arith.select %lt3A_1078, %broadcast_in_dim3A_5, %broadcast_in_dim3A_7 : vector<16xi1>, vector<16xi32>
      %add3A_1080 = arith.addi %add3A_1073, %select_n3A_1079 : vector<16xi32>
      %broadcast_in_dim3A_1081 = arith.constant 14 : i32
      %broadcast_in_dim3A_1082 = vector.broadcast %broadcast_in_dim3A_1081 : i32 to vector<16xi32>
      %gather3A_1083 = tpu.vector_load_idx %arg6[%add3A_986, %broadcast_in_dim3A_1082] : memref<512x16xf32, #tpu.memory_space<vmem>>[vector<16xi32>, vector<16xi32>], vector<16xf32>,
      %add3A_1084 = arith.addf %add3A_1077, %gather3A_1083 : vector<16xf32>
      %lt3A_1085 = arith.cmpf olt, %add3A_1084, %broadcast_in_dim3A_3 : vector<16xf32>
      %select_n3A_1086 = arith.select %lt3A_1085, %broadcast_in_dim3A_5, %broadcast_in_dim3A_7 : vector<16xi1>, vector<16xi32>
      %add3A_1087 = arith.addi %add3A_1080, %select_n3A_1086 : vector<16xi32>
      %broadcast_in_dim3A_1088 = arith.constant 15 : i32
      %broadcast_in_dim3A_1089 = vector.broadcast %broadcast_in_dim3A_1088 : i32 to vector<16xi32>
      %gather3A_1090 = tpu.vector_load_idx %arg6[%add3A_986, %broadcast_in_dim3A_1089] : memref<512x16xf32, #tpu.memory_space<vmem>>[vector<16xi32>, vector<16xi32>], vector<16xf32>,
      %add3A_1091 = arith.addf %add3A_1084, %gather3A_1090 : vector<16xf32>
      %lt3A_1092 = arith.cmpf olt, %add3A_1091, %broadcast_in_dim3A_3 : vector<16xf32>
      %select_n3A_1093 = arith.select %lt3A_1092, %broadcast_in_dim3A_5, %broadcast_in_dim3A_7 : vector<16xi1>, vector<16xi32>
      %add3A_1094 = arith.addi %add3A_1087, %select_n3A_1093 : vector<16xi32>
      %mul3A_1095 = arith.constant 16 : i32
      %mul3A_1096 = arith.muli %scan3A_979, %mul3A_1095 : i32
      %swap3A_1097 = arith.index_cast %scan3A : i32 to index
      %swap3A_1098 = arith.index_cast %mul3A_1096 : i32 to index
      %swap3A_1099 = tpu.vector_load %arg9[%swap3A_1097, %swap3A_1098] {strides = array<i32>} : memref<4x128xi32, #tpu.memory_space<vmem>>, vector<16xi32>,
      tpu.vector_store %arg9[%swap3A_1097, %swap3A_1098], %add3A_1094 {strides = array<i32>} : memref<4x128xi32, #tpu.memory_space<vmem>>, vector<16xi32>,
      %add3A_1100 = arith.addi %mul3A_2, %add3A_984 : i32
      %add3A_1101 = vector.broadcast %add3A_1100 : i32 to vector<16xi32>
      %add3A_1102 = arith.addi %add3A_1101, %iota3A : vector<16xi32>
      %mul3A_1103 = arith.constant 256 : i32
      %mul3A_1104 = vector.broadcast %mul3A_1103 : i32 to vector<16xi32>
      %mul3A_1105 = arith.muli %add3A_1102, %mul3A_1104 : vector<16xi32>
      %add3A_1106 = arith.addi %mul3A_1105, %add3A_1094 : vector<16xi32>
      %swap3A_1107 = arith.index_cast %scan3A : i32 to index
      %swap3A_1108 = arith.index_cast %mul3A_1096 : i32 to index
      %swap3A_1109 = tpu.vector_load %arg8[%swap3A_1107, %swap3A_1108] {strides = array<i32>} : memref<4x128xi32, #tpu.memory_space<vmem>>, vector<16xi32>,
      tpu.vector_store %arg8[%swap3A_1107, %swap3A_1108], %add3A_1106 {strides = array<i32>} : memref<4x128xi32, #tpu.memory_space<vmem>>, vector<16xi32>,
      %lt3A_1110 = arith.cmpf olt, %add3A_1091, %broadcast_in_dim3A_3 : vector<16xf32>
      %reduce_or3A = arith.constant 1.000000e+00 : f32
      %reduce_or3A_1111 = arith.constant 0.000000e+00 : f32
      %reduce_or3A_1112 = vector.broadcast %reduce_or3A : f32 to vector<16xf32>
      %reduce_or3A_1113 = vector.broadcast %reduce_or3A_1111 : f32 to vector<16xf32>
      %reduce_or3A_1114 = arith.select %lt3A_1110, %reduce_or3A_1112, %reduce_or3A_1113 : vector<16xi1>, vector<16xf32>
      %reduce_or3A_1115 = arith.constant true
      %reduce_or3A_1116 = vector.broadcast %reduce_or3A_1115 : i1 to vector<16xi1>
      %reduce_or3A_1117 = tpu.scan <max>, %reduce_or3A_1114 masked %reduce_or3A_1116 : vector<16xf32>, vector<16xi1> -> vector<16xf32>
      %reduce_or3A_1118 = vector.extract %reduce_or3A_1117[15] : f32 from vector<16xf32>
      %reduce_or3A_1119 = arith.constant 0.000000e+00 : f32
      %reduce_or3A_1120 = arith.cmpf ogt, %reduce_or3A_1118, %reduce_or3A_1119 : f32
      %convert_element_type3A = arith.extui %reduce_or3A_1120 : i1 to i32
      %cond3A = arith.constant 0 : i32
      %cond3A_1121 = arith.cmpi ne, %convert_element_type3A, %cond3A : i32
      scf.if %cond3A_1121 {
        %add3A_1122 = arith.addi %mul3A_2, %add3A_984 : i32
        "tpu.region"() ({
          %run_scoped3A = tpu.sem_alloc : memref<!tpu.dma_semaphore, #tpu.memory_space<semaphore_mem>>
          %dma_start3A_1144 = arith.constant 16 : i32
          %dma_start3A_1145 = tpu.memref_slice %arg2[%add3A_1122, %dma_start3A_1144] : memref<16384x256xf32, #tpu.memory_space<hbm>> -> memref<16x240xf32, #tpu.memory_space<hbm>>
          %dma_start3A_1146 = arith.constant 16 : i32
          %dma_start3A_1147 = tpu.memref_slice %arg2[%add3A_1122, %dma_start3A_1146] : memref<16384x256xf32, #tpu.memory_space<hbm>> -> memref<16x240xf32, #tpu.memory_space<hbm>>
          tpu.enqueue_dma source(%dma_start3A_1147 : memref<16x240xf32, #tpu.memory_space<hbm>>) target(%arg7 : memref<16x240xf32, #tpu.memory_space<vmem>>) target_semaphore(%run_scoped3A : memref<!tpu.dma_semaphore, #tpu.memory_space<semaphore_mem>>)
          %dma_wait3A_1148 = arith.constant 16 : i32
          %dma_wait3A_1149 = tpu.memref_slice %arg2[%add3A_1122, %dma_wait3A_1148] : memref<16384x256xf32, #tpu.memory_space<hbm>> -> memref<16x240xf32, #tpu.memory_space<hbm>>
          %dma_wait3A_1150 = arith.constant 16 : i32
          %dma_wait3A_1151 = tpu.memref_slice %arg2[%add3A_1122, %dma_wait3A_1150] : memref<16384x256xf32, #tpu.memory_space<hbm>> -> memref<16x240xf32, #tpu.memory_space<hbm>>
          tpu.wait_dma2 semaphore(%run_scoped3A : memref<!tpu.dma_semaphore, #tpu.memory_space<semaphore_mem>>) src(%dma_wait3A_1151 : memref<16x240xf32, #tpu.memory_space<hbm>>) dst(%arg7 : memref<16x240xf32, #tpu.memory_space<vmem>>)
          tpu.yield
        }) : () -> ()
        %scan3A_1123 = arith.constant 0 : i32
        %scan3A_1124 = arith.constant 240 : i32
        %scan3A_1125 = arith.addi %scan3A_1123, %scan3A_1124 : i32
        %scan3A_1126 = arith.constant 1 : i32
        %scan3A_1127:2 = scf.for %scan3A_1144 = %scan3A_1123 to %scan3A_1125 step %scan3A_1126 iter_args(%scan3A_1145 = %add3A_1091, %scan3A_1146 = %add3A_1094) -> (vector<16xf32>, vector<16xi32>)  : i32 {
          %broadcast_in_dim3A_1147 = vector.broadcast %scan3A_1144 : i32 to vector<16xi32>
          %gather3A_1148 = tpu.vector_load_idx %arg7[%iota3A, %broadcast_in_dim3A_1147] : memref<16x240xf32, #tpu.memory_space<vmem>>[vector<16xi32>, vector<16xi32>], vector<16xf32>,
          %add3A_1149 = arith.addf %scan3A_1145, %gather3A_1148 : vector<16xf32>
          %lt3A_1150 = arith.cmpf olt, %add3A_1149, %broadcast_in_dim3A_3 : vector<16xf32>
          %select_n3A_1151 = arith.select %lt3A_1150, %broadcast_in_dim3A_5, %broadcast_in_dim3A_7 : vector<16xi1>, vector<16xi32>
          %add3A_1152 = arith.addi %scan3A_1146, %select_n3A_1151 : vector<16xi32>
          scf.yield %add3A_1149, %add3A_1152 : vector<16xf32>, vector<16xi32>
        }
        %scan3A_1128 = arith.constant 240 : i32
        %swap3A_1129 = arith.index_cast %scan3A : i32 to index
        %swap3A_1130 = arith.index_cast %mul3A_1096 : i32 to index
        %swap3A_1131 = tpu.vector_load %arg9[%swap3A_1129, %swap3A_1130] {strides = array<i32>} : memref<4x128xi32, #tpu.memory_space<vmem>>, vector<16xi32>,
        tpu.vector_store %arg9[%swap3A_1129, %swap3A_1130], %scan3A_1127#1 {strides = array<i32>} : memref<4x128xi32, #tpu.memory_space<vmem>>, vector<16xi32>,
        %add3A_1132 = arith.addi %mul3A_2, %add3A_984 : i32
        %add3A_1133 = vector.broadcast %add3A_1132 : i32 to vector<16xi32>
        %add3A_1134 = arith.addi %add3A_1133, %iota3A : vector<16xi32>
        %mul3A_1135 = arith.constant 256 : i32
        %mul3A_1136 = vector.broadcast %mul3A_1135 : i32 to vector<16xi32>
        %mul3A_1137 = arith.muli %add3A_1134, %mul3A_1136 : vector<16xi32>
        %min3A = arith.constant 255 : i32
        %min3A_1138 = vector.broadcast %min3A : i32 to vector<16xi32>
        %min3A_1139 = arith.minsi %scan3A_1127#1, %min3A_1138 : vector<16xi32>
        %add3A_1140 = arith.addi %mul3A_1137, %min3A_1139 : vector<16xi32>
        %swap3A_1141 = arith.index_cast %scan3A : i32 to index
        %swap3A_1142 = arith.index_cast %mul3A_1096 : i32 to index
        %swap3A_1143 = tpu.vector_load %arg8[%swap3A_1141, %swap3A_1142] {strides = array<i32>} : memref<4x128xi32, #tpu.memory_space<vmem>>, vector<16xi32>,
        tpu.vector_store %arg8[%swap3A_1141, %swap3A_1142], %add3A_1140 {strides = array<i32>} : memref<4x128xi32, #tpu.memory_space<vmem>>, vector<16xi32>,
      } else {
      }
    }
    %scan3A_70 = arith.constant 8 : i32
    %dma_start3A_71 = arith.constant 0 : i32
    %dma_start3A_72 = arith.constant 0 : i32
    %dma_start3A_73 = arith.constant 0 : i32
    %dma_start3A_74 = tpu.memref_slice %arg10[%dma_start3A_72, %dma_start3A_73] : memref<4x128xf32, #tpu.memory_space<vmem>> -> memref<1x128xf32, #tpu.memory_space<vmem>>
    %dma_start3A_75 = tpu.memref_squeeze %dma_start3A_74 : memref<1x128xf32, #tpu.memory_space<vmem>> -> memref<128xf32, #tpu.memory_space<vmem>>
    %dma_start3A_76 = arith.constant 0 : i32
    %dma_start3A_77 = tpu.memref_slice %arg8[%dma_start3A_71, %dma_start3A_76] : memref<4x128xi32, #tpu.memory_space<vmem>> -> memref<1x128xi32, #tpu.memory_space<vmem>>
    %dma_start3A_78 = tpu.memref_squeeze %dma_start3A_77 : memref<1x128xi32, #tpu.memory_space<vmem>> -> memref<128xi32, #tpu.memory_space<vmem>>
    %dma_start3A_79 = arith.constant 0 : i32
    %dma_start3A_80 = tpu.memref_slice %arg3[%dma_start3A_79] : memref<4194304xf32, #tpu.memory_space<hbm>> -> memref<4194304xf32, #tpu.memory_space<hbm>>
    tpu.enqueue_indirect_dma source(%dma_start3A_80 : memref<4194304xf32, #tpu.memory_space<hbm>>) target(%dma_start3A_75 : memref<128xf32, #tpu.memory_space<vmem>>) offsets(%dma_start3A_78 : memref<128xi32, #tpu.memory_space<vmem>>) semaphore(%arg14 : memref<!tpu.dma_semaphore, #tpu.memory_space<semaphore_mem>>)
    %dma_start3A_81 = arith.constant 0 : i32
    %dma_start3A_82 = arith.constant 0 : i32
    %dma_start3A_83 = arith.constant 0 : i32
    %dma_start3A_84 = tpu.memref_slice %arg11[%dma_start3A_82, %dma_start3A_83] : memref<4x128xf32, #tpu.memory_space<vmem>> -> memref<1x128xf32, #tpu.memory_space<vmem>>
    %dma_start3A_85 = tpu.memref_squeeze %dma_start3A_84 : memref<1x128xf32, #tpu.memory_space<vmem>> -> memref<128xf32, #tpu.memory_space<vmem>>
    %dma_start3A_86 = arith.constant 0 : i32
    %dma_start3A_87 = tpu.memref_slice %arg8[%dma_start3A_81, %dma_start3A_86] : memref<4x128xi32, #tpu.memory_space<vmem>> -> memref<1x128xi32, #tpu.memory_space<vmem>>
    %dma_start3A_88 = tpu.memref_squeeze %dma_start3A_87 : memref<1x128xi32, #tpu.memory_space<vmem>> -> memref<128xi32, #tpu.memory_space<vmem>>
    %dma_start3A_89 = arith.constant 0 : i32
    %dma_start3A_90 = tpu.memref_slice %arg4[%dma_start3A_89] : memref<4194304xf32, #tpu.memory_space<hbm>> -> memref<4194304xf32, #tpu.memory_space<hbm>>
    tpu.enqueue_indirect_dma source(%dma_start3A_90 : memref<4194304xf32, #tpu.memory_space<hbm>>) target(%dma_start3A_85 : memref<128xf32, #tpu.memory_space<vmem>>) offsets(%dma_start3A_88 : memref<128xi32, #tpu.memory_space<vmem>>) semaphore(%arg14 : memref<!tpu.dma_semaphore, #tpu.memory_space<semaphore_mem>>)
    %dma_wait3A_91 = arith.constant 128 : i32
    %dma_wait3A_92 = arith.constant 0 : i32
    %dma_wait3A_93 = tpu.memref_slice %arg6[%dma_wait3A_91, %dma_wait3A_92] : memref<512x16xf32, #tpu.memory_space<vmem>> -> memref<128x16xf32, #tpu.memory_space<vmem>>
    %dma_wait3A_94 = arith.constant 0 : i32
    %dma_wait3A_95 = tpu.memref_slice %arg2[%add3A_22, %dma_wait3A_94] : memref<16384x256xf32, #tpu.memory_space<hbm>> -> memref<128x16xf32, #tpu.memory_space<hbm>>
    %dma_wait3A_96 = arith.constant 128 : i32
    %dma_wait3A_97 = arith.constant 0 : i32
    %dma_wait3A_98 = tpu.memref_slice %arg6[%dma_wait3A_96, %dma_wait3A_97] : memref<512x16xf32, #tpu.memory_space<vmem>> -> memref<128x16xf32, #tpu.memory_space<vmem>>
    %dma_wait3A_99 = arith.constant 0 : i32
    %dma_wait3A_100 = tpu.memref_slice %arg2[%add3A_22, %dma_wait3A_99] : memref<16384x256xf32, #tpu.memory_space<hbm>> -> memref<128x16xf32, #tpu.memory_space<hbm>>
    tpu.wait_dma2 semaphore(%arg13 : memref<!tpu.dma_semaphore, #tpu.memory_space<semaphore_mem>>) src(%dma_wait3A_100 : memref<128x16xf32, #tpu.memory_space<hbm>>) dst(%dma_wait3A_98 : memref<128x16xf32, #tpu.memory_space<vmem>>)
    %scan3A_101 = arith.constant 1 : i32
    %scan3A_102 = arith.constant 0 : i32
    %scan3A_103 = arith.constant 8 : i32
    %scan3A_104 = arith.addi %scan3A_102, %scan3A_103 : i32
    %scan3A_105 = arith.constant 1 : i32
    scf.for %scan3A_979 = %scan3A_102 to %scan3A_104 step %scan3A_105  : i32 {
      %mul3A_980 = arith.constant 128 : i32
      %mul3A_981 = arith.muli %scan3A_101, %mul3A_980 : i32
      %mul3A_982 = arith.constant 16 : i32
      %mul3A_983 = arith.muli %scan3A_979, %mul3A_982 : i32
      %add3A_984 = arith.addi %mul3A_981, %mul3A_983 : i32
      %add3A_985 = vector.broadcast %add3A_984 : i32 to vector<16xi32>
      %add3A_986 = arith.addi %add3A_985, %iota3A : vector<16xi32>
      %broadcast_in_dim3A_987 = arith.constant 0 : i32
      %broadcast_in_dim3A_988 = vector.broadcast %broadcast_in_dim3A_987 : i32 to vector<16xi32>
      %gather3A = tpu.vector_load_idx %arg6[%add3A_986, %broadcast_in_dim3A_988] : memref<512x16xf32, #tpu.memory_space<vmem>>[vector<16xi32>, vector<16xi32>], vector<16xf32>,
      %lt3A = arith.cmpf olt, %gather3A, %broadcast_in_dim3A_3 : vector<16xf32>
      %select_n3A_989 = arith.select %lt3A, %broadcast_in_dim3A_5, %broadcast_in_dim3A_7 : vector<16xi1>, vector<16xi32>
      %broadcast_in_dim3A_990 = arith.constant 1 : i32
      %broadcast_in_dim3A_991 = vector.broadcast %broadcast_in_dim3A_990 : i32 to vector<16xi32>
      %gather3A_992 = tpu.vector_load_idx %arg6[%add3A_986, %broadcast_in_dim3A_991] : memref<512x16xf32, #tpu.memory_space<vmem>>[vector<16xi32>, vector<16xi32>], vector<16xf32>,
      %add3A_993 = arith.addf %gather3A, %gather3A_992 : vector<16xf32>
      %lt3A_994 = arith.cmpf olt, %add3A_993, %broadcast_in_dim3A_3 : vector<16xf32>
      %select_n3A_995 = arith.select %lt3A_994, %broadcast_in_dim3A_5, %broadcast_in_dim3A_7 : vector<16xi1>, vector<16xi32>
      %add3A_996 = arith.addi %select_n3A_989, %select_n3A_995 : vector<16xi32>
      %broadcast_in_dim3A_997 = arith.constant 2 : i32
      %broadcast_in_dim3A_998 = vector.broadcast %broadcast_in_dim3A_997 : i32 to vector<16xi32>
      %gather3A_999 = tpu.vector_load_idx %arg6[%add3A_986, %broadcast_in_dim3A_998] : memref<512x16xf32, #tpu.memory_space<vmem>>[vector<16xi32>, vector<16xi32>], vector<16xf32>,
      %add3A_1000 = arith.addf %add3A_993, %gather3A_999 : vector<16xf32>
      %lt3A_1001 = arith.cmpf olt, %add3A_1000, %broadcast_in_dim3A_3 : vector<16xf32>
      %select_n3A_1002 = arith.select %lt3A_1001, %broadcast_in_dim3A_5, %broadcast_in_dim3A_7 : vector<16xi1>, vector<16xi32>
      %add3A_1003 = arith.addi %add3A_996, %select_n3A_1002 : vector<16xi32>
      %broadcast_in_dim3A_1004 = arith.constant 3 : i32
      %broadcast_in_dim3A_1005 = vector.broadcast %broadcast_in_dim3A_1004 : i32 to vector<16xi32>
      %gather3A_1006 = tpu.vector_load_idx %arg6[%add3A_986, %broadcast_in_dim3A_1005] : memref<512x16xf32, #tpu.memory_space<vmem>>[vector<16xi32>, vector<16xi32>], vector<16xf32>,
      %add3A_1007 = arith.addf %add3A_1000, %gather3A_1006 : vector<16xf32>
      %lt3A_1008 = arith.cmpf olt, %add3A_1007, %broadcast_in_dim3A_3 : vector<16xf32>
      %select_n3A_1009 = arith.select %lt3A_1008, %broadcast_in_dim3A_5, %broadcast_in_dim3A_7 : vector<16xi1>, vector<16xi32>
      %add3A_1010 = arith.addi %add3A_1003, %select_n3A_1009 : vector<16xi32>
      %broadcast_in_dim3A_1011 = arith.constant 4 : i32
      %broadcast_in_dim3A_1012 = vector.broadcast %broadcast_in_dim3A_1011 : i32 to vector<16xi32>
      %gather3A_1013 = tpu.vector_load_idx %arg6[%add3A_986, %broadcast_in_dim3A_1012] : memref<512x16xf32, #tpu.memory_space<vmem>>[vector<16xi32>, vector<16xi32>], vector<16xf32>,
      %add3A_1014 = arith.addf %add3A_1007, %gather3A_1013 : vector<16xf32>
      %lt3A_1015 = arith.cmpf olt, %add3A_1014, %broadcast_in_dim3A_3 : vector<16xf32>
      %select_n3A_1016 = arith.select %lt3A_1015, %broadcast_in_dim3A_5, %broadcast_in_dim3A_7 : vector<16xi1>, vector<16xi32>
      %add3A_1017 = arith.addi %add3A_1010, %select_n3A_1016 : vector<16xi32>
      %broadcast_in_dim3A_1018 = arith.constant 5 : i32
      %broadcast_in_dim3A_1019 = vector.broadcast %broadcast_in_dim3A_1018 : i32 to vector<16xi32>
      %gather3A_1020 = tpu.vector_load_idx %arg6[%add3A_986, %broadcast_in_dim3A_1019] : memref<512x16xf32, #tpu.memory_space<vmem>>[vector<16xi32>, vector<16xi32>], vector<16xf32>,
      %add3A_1021 = arith.addf %add3A_1014, %gather3A_1020 : vector<16xf32>
      %lt3A_1022 = arith.cmpf olt, %add3A_1021, %broadcast_in_dim3A_3 : vector<16xf32>
      %select_n3A_1023 = arith.select %lt3A_1022, %broadcast_in_dim3A_5, %broadcast_in_dim3A_7 : vector<16xi1>, vector<16xi32>
      %add3A_1024 = arith.addi %add3A_1017, %select_n3A_1023 : vector<16xi32>
      %broadcast_in_dim3A_1025 = arith.constant 6 : i32
      %broadcast_in_dim3A_1026 = vector.broadcast %broadcast_in_dim3A_1025 : i32 to vector<16xi32>
      %gather3A_1027 = tpu.vector_load_idx %arg6[%add3A_986, %broadcast_in_dim3A_1026] : memref<512x16xf32, #tpu.memory_space<vmem>>[vector<16xi32>, vector<16xi32>], vector<16xf32>,
      %add3A_1028 = arith.addf %add3A_1021, %gather3A_1027 : vector<16xf32>
      %lt3A_1029 = arith.cmpf olt, %add3A_1028, %broadcast_in_dim3A_3 : vector<16xf32>
      %select_n3A_1030 = arith.select %lt3A_1029, %broadcast_in_dim3A_5, %broadcast_in_dim3A_7 : vector<16xi1>, vector<16xi32>
      %add3A_1031 = arith.addi %add3A_1024, %select_n3A_1030 : vector<16xi32>
      %broadcast_in_dim3A_1032 = arith.constant 7 : i32
      %broadcast_in_dim3A_1033 = vector.broadcast %broadcast_in_dim3A_1032 : i32 to vector<16xi32>
      %gather3A_1034 = tpu.vector_load_idx %arg6[%add3A_986, %broadcast_in_dim3A_1033] : memref<512x16xf32, #tpu.memory_space<vmem>>[vector<16xi32>, vector<16xi32>], vector<16xf32>,
      %add3A_1035 = arith.addf %add3A_1028, %gather3A_1034 : vector<16xf32>
      %lt3A_1036 = arith.cmpf olt, %add3A_1035, %broadcast_in_dim3A_3 : vector<16xf32>
      %select_n3A_1037 = arith.select %lt3A_1036, %broadcast_in_dim3A_5, %broadcast_in_dim3A_7 : vector<16xi1>, vector<16xi32>
      %add3A_1038 = arith.addi %add3A_1031, %select_n3A_1037 : vector<16xi32>
      %broadcast_in_dim3A_1039 = arith.constant 8 : i32
      %broadcast_in_dim3A_1040 = vector.broadcast %broadcast_in_dim3A_1039 : i32 to vector<16xi32>
      %gather3A_1041 = tpu.vector_load_idx %arg6[%add3A_986, %broadcast_in_dim3A_1040] : memref<512x16xf32, #tpu.memory_space<vmem>>[vector<16xi32>, vector<16xi32>], vector<16xf32>,
      %add3A_1042 = arith.addf %add3A_1035, %gather3A_1041 : vector<16xf32>
      %lt3A_1043 = arith.cmpf olt, %add3A_1042, %broadcast_in_dim3A_3 : vector<16xf32>
      %select_n3A_1044 = arith.select %lt3A_1043, %broadcast_in_dim3A_5, %broadcast_in_dim3A_7 : vector<16xi1>, vector<16xi32>
      %add3A_1045 = arith.addi %add3A_1038, %select_n3A_1044 : vector<16xi32>
      %broadcast_in_dim3A_1046 = arith.constant 9 : i32
      %broadcast_in_dim3A_1047 = vector.broadcast %broadcast_in_dim3A_1046 : i32 to vector<16xi32>
      %gather3A_1048 = tpu.vector_load_idx %arg6[%add3A_986, %broadcast_in_dim3A_1047] : memref<512x16xf32, #tpu.memory_space<vmem>>[vector<16xi32>, vector<16xi32>], vector<16xf32>,
      %add3A_1049 = arith.addf %add3A_1042, %gather3A_1048 : vector<16xf32>
      %lt3A_1050 = arith.cmpf olt, %add3A_1049, %broadcast_in_dim3A_3 : vector<16xf32>
      %select_n3A_1051 = arith.select %lt3A_1050, %broadcast_in_dim3A_5, %broadcast_in_dim3A_7 : vector<16xi1>, vector<16xi32>
      %add3A_1052 = arith.addi %add3A_1045, %select_n3A_1051 : vector<16xi32>
      %broadcast_in_dim3A_1053 = arith.constant 10 : i32
      %broadcast_in_dim3A_1054 = vector.broadcast %broadcast_in_dim3A_1053 : i32 to vector<16xi32>
      %gather3A_1055 = tpu.vector_load_idx %arg6[%add3A_986, %broadcast_in_dim3A_1054] : memref<512x16xf32, #tpu.memory_space<vmem>>[vector<16xi32>, vector<16xi32>], vector<16xf32>,
      %add3A_1056 = arith.addf %add3A_1049, %gather3A_1055 : vector<16xf32>
      %lt3A_1057 = arith.cmpf olt, %add3A_1056, %broadcast_in_dim3A_3 : vector<16xf32>
      %select_n3A_1058 = arith.select %lt3A_1057, %broadcast_in_dim3A_5, %broadcast_in_dim3A_7 : vector<16xi1>, vector<16xi32>
      %add3A_1059 = arith.addi %add3A_1052, %select_n3A_1058 : vector<16xi32>
      %broadcast_in_dim3A_1060 = arith.constant 11 : i32
      %broadcast_in_dim3A_1061 = vector.broadcast %broadcast_in_dim3A_1060 : i32 to vector<16xi32>
      %gather3A_1062 = tpu.vector_load_idx %arg6[%add3A_986, %broadcast_in_dim3A_1061] : memref<512x16xf32, #tpu.memory_space<vmem>>[vector<16xi32>, vector<16xi32>], vector<16xf32>,
      %add3A_1063 = arith.addf %add3A_1056, %gather3A_1062 : vector<16xf32>
      %lt3A_1064 = arith.cmpf olt, %add3A_1063, %broadcast_in_dim3A_3 : vector<16xf32>
      %select_n3A_1065 = arith.select %lt3A_1064, %broadcast_in_dim3A_5, %broadcast_in_dim3A_7 : vector<16xi1>, vector<16xi32>
      %add3A_1066 = arith.addi %add3A_1059, %select_n3A_1065 : vector<16xi32>
      %broadcast_in_dim3A_1067 = arith.constant 12 : i32
      %broadcast_in_dim3A_1068 = vector.broadcast %broadcast_in_dim3A_1067 : i32 to vector<16xi32>
      %gather3A_1069 = tpu.vector_load_idx %arg6[%add3A_986, %broadcast_in_dim3A_1068] : memref<512x16xf32, #tpu.memory_space<vmem>>[vector<16xi32>, vector<16xi32>], vector<16xf32>,
      %add3A_1070 = arith.addf %add3A_1063, %gather3A_1069 : vector<16xf32>
      %lt3A_1071 = arith.cmpf olt, %add3A_1070, %broadcast_in_dim3A_3 : vector<16xf32>
      %select_n3A_1072 = arith.select %lt3A_1071, %broadcast_in_dim3A_5, %broadcast_in_dim3A_7 : vector<16xi1>, vector<16xi32>
      %add3A_1073 = arith.addi %add3A_1066, %select_n3A_1072 : vector<16xi32>
      %broadcast_in_dim3A_1074 = arith.constant 13 : i32
      %broadcast_in_dim3A_1075 = vector.broadcast %broadcast_in_dim3A_1074 : i32 to vector<16xi32>
      %gather3A_1076 = tpu.vector_load_idx %arg6[%add3A_986, %broadcast_in_dim3A_1075] : memref<512x16xf32, #tpu.memory_space<vmem>>[vector<16xi32>, vector<16xi32>], vector<16xf32>,
      %add3A_1077 = arith.addf %add3A_1070, %gather3A_1076 : vector<16xf32>
      %lt3A_1078 = arith.cmpf olt, %add3A_1077, %broadcast_in_dim3A_3 : vector<16xf32>
      %select_n3A_1079 = arith.select %lt3A_1078, %broadcast_in_dim3A_5, %broadcast_in_dim3A_7 : vector<16xi1>, vector<16xi32>
      %add3A_1080 = arith.addi %add3A_1073, %select_n3A_1079 : vector<16xi32>
      %broadcast_in_dim3A_1081 = arith.constant 14 : i32
      %broadcast_in_dim3A_1082 = vector.broadcast %broadcast_in_dim3A_1081 : i32 to vector<16xi32>
      %gather3A_1083 = tpu.vector_load_idx %arg6[%add3A_986, %broadcast_in_dim3A_1082] : memref<512x16xf32, #tpu.memory_space<vmem>>[vector<16xi32>, vector<16xi32>], vector<16xf32>,
      %add3A_1084 = arith.addf %add3A_1077, %gather3A_1083 : vector<16xf32>
      %lt3A_1085 = arith.cmpf olt, %add3A_1084, %broadcast_in_dim3A_3 : vector<16xf32>
      %select_n3A_1086 = arith.select %lt3A_1085, %broadcast_in_dim3A_5, %broadcast_in_dim3A_7 : vector<16xi1>, vector<16xi32>
      %add3A_1087 = arith.addi %add3A_1080, %select_n3A_1086 : vector<16xi32>
      %broadcast_in_dim3A_1088 = arith.constant 15 : i32
      %broadcast_in_dim3A_1089 = vector.broadcast %broadcast_in_dim3A_1088 : i32 to vector<16xi32>
      %gather3A_1090 = tpu.vector_load_idx %arg6[%add3A_986, %broadcast_in_dim3A_1089] : memref<512x16xf32, #tpu.memory_space<vmem>>[vector<16xi32>, vector<16xi32>], vector<16xf32>,
      %add3A_1091 = arith.addf %add3A_1084, %gather3A_1090 : vector<16xf32>
      %lt3A_1092 = arith.cmpf olt, %add3A_1091, %broadcast_in_dim3A_3 : vector<16xf32>
      %select_n3A_1093 = arith.select %lt3A_1092, %broadcast_in_dim3A_5, %broadcast_in_dim3A_7 : vector<16xi1>, vector<16xi32>
      %add3A_1094 = arith.addi %add3A_1087, %select_n3A_1093 : vector<16xi32>
      %mul3A_1095 = arith.constant 16 : i32
      %mul3A_1096 = arith.muli %scan3A_979, %mul3A_1095 : i32
      %swap3A_1097 = arith.index_cast %scan3A_101 : i32 to index
      %swap3A_1098 = arith.index_cast %mul3A_1096 : i32 to index
      %swap3A_1099 = tpu.vector_load %arg9[%swap3A_1097, %swap3A_1098] {strides = array<i32>} : memref<4x128xi32, #tpu.memory_space<vmem>>, vector<16xi32>,
      tpu.vector_store %arg9[%swap3A_1097, %swap3A_1098], %add3A_1094 {strides = array<i32>} : memref<4x128xi32, #tpu.memory_space<vmem>>, vector<16xi32>,
      %add3A_1100 = arith.addi %mul3A_2, %add3A_984 : i32
      %add3A_1101 = vector.broadcast %add3A_1100 : i32 to vector<16xi32>
      %add3A_1102 = arith.addi %add3A_1101, %iota3A : vector<16xi32>
      %mul3A_1103 = arith.constant 256 : i32
      %mul3A_1104 = vector.broadcast %mul3A_1103 : i32 to vector<16xi32>
      %mul3A_1105 = arith.muli %add3A_1102, %mul3A_1104 : vector<16xi32>
      %add3A_1106 = arith.addi %mul3A_1105, %add3A_1094 : vector<16xi32>
      %swap3A_1107 = arith.index_cast %scan3A_101 : i32 to index
      %swap3A_1108 = arith.index_cast %mul3A_1096 : i32 to index
      %swap3A_1109 = tpu.vector_load %arg8[%swap3A_1107, %swap3A_1108] {strides = array<i32>} : memref<4x128xi32, #tpu.memory_space<vmem>>, vector<16xi32>,
      tpu.vector_store %arg8[%swap3A_1107, %swap3A_1108], %add3A_1106 {strides = array<i32>} : memref<4x128xi32, #tpu.memory_space<vmem>>, vector<16xi32>,
      %lt3A_1110 = arith.cmpf olt, %add3A_1091, %broadcast_in_dim3A_3 : vector<16xf32>
      %reduce_or3A = arith.constant 1.000000e+00 : f32
      %reduce_or3A_1111 = arith.constant 0.000000e+00 : f32
      %reduce_or3A_1112 = vector.broadcast %reduce_or3A : f32 to vector<16xf32>
      %reduce_or3A_1113 = vector.broadcast %reduce_or3A_1111 : f32 to vector<16xf32>
      %reduce_or3A_1114 = arith.select %lt3A_1110, %reduce_or3A_1112, %reduce_or3A_1113 : vector<16xi1>, vector<16xf32>
      %reduce_or3A_1115 = arith.constant true
      %reduce_or3A_1116 = vector.broadcast %reduce_or3A_1115 : i1 to vector<16xi1>
      %reduce_or3A_1117 = tpu.scan <max>, %reduce_or3A_1114 masked %reduce_or3A_1116 : vector<16xf32>, vector<16xi1> -> vector<16xf32>
      %reduce_or3A_1118 = vector.extract %reduce_or3A_1117[15] : f32 from vector<16xf32>
      %reduce_or3A_1119 = arith.constant 0.000000e+00 : f32
      %reduce_or3A_1120 = arith.cmpf ogt, %reduce_or3A_1118, %reduce_or3A_1119 : f32
      %convert_element_type3A = arith.extui %reduce_or3A_1120 : i1 to i32
      %cond3A = arith.constant 0 : i32
      %cond3A_1121 = arith.cmpi ne, %convert_element_type3A, %cond3A : i32
      scf.if %cond3A_1121 {
        %add3A_1122 = arith.addi %mul3A_2, %add3A_984 : i32
        "tpu.region"() ({
          %run_scoped3A = tpu.sem_alloc : memref<!tpu.dma_semaphore, #tpu.memory_space<semaphore_mem>>
          %dma_start3A_1144 = arith.constant 16 : i32
          %dma_start3A_1145 = tpu.memref_slice %arg2[%add3A_1122, %dma_start3A_1144] : memref<16384x256xf32, #tpu.memory_space<hbm>> -> memref<16x240xf32, #tpu.memory_space<hbm>>
          %dma_start3A_1146 = arith.constant 16 : i32
          %dma_start3A_1147 = tpu.memref_slice %arg2[%add3A_1122, %dma_start3A_1146] : memref<16384x256xf32, #tpu.memory_space<hbm>> -> memref<16x240xf32, #tpu.memory_space<hbm>>
          tpu.enqueue_dma source(%dma_start3A_1147 : memref<16x240xf32, #tpu.memory_space<hbm>>) target(%arg7 : memref<16x240xf32, #tpu.memory_space<vmem>>) target_semaphore(%run_scoped3A : memref<!tpu.dma_semaphore, #tpu.memory_space<semaphore_mem>>)
          %dma_wait3A_1148 = arith.constant 16 : i32
          %dma_wait3A_1149 = tpu.memref_slice %arg2[%add3A_1122, %dma_wait3A_1148] : memref<16384x256xf32, #tpu.memory_space<hbm>> -> memref<16x240xf32, #tpu.memory_space<hbm>>
          %dma_wait3A_1150 = arith.constant 16 : i32
          %dma_wait3A_1151 = tpu.memref_slice %arg2[%add3A_1122, %dma_wait3A_1150] : memref<16384x256xf32, #tpu.memory_space<hbm>> -> memref<16x240xf32, #tpu.memory_space<hbm>>
          tpu.wait_dma2 semaphore(%run_scoped3A : memref<!tpu.dma_semaphore, #tpu.memory_space<semaphore_mem>>) src(%dma_wait3A_1151 : memref<16x240xf32, #tpu.memory_space<hbm>>) dst(%arg7 : memref<16x240xf32, #tpu.memory_space<vmem>>)
          tpu.yield
        }) : () -> ()
        %scan3A_1123 = arith.constant 0 : i32
        %scan3A_1124 = arith.constant 240 : i32
        %scan3A_1125 = arith.addi %scan3A_1123, %scan3A_1124 : i32
        %scan3A_1126 = arith.constant 1 : i32
        %scan3A_1127:2 = scf.for %scan3A_1144 = %scan3A_1123 to %scan3A_1125 step %scan3A_1126 iter_args(%scan3A_1145 = %add3A_1091, %scan3A_1146 = %add3A_1094) -> (vector<16xf32>, vector<16xi32>)  : i32 {
          %broadcast_in_dim3A_1147 = vector.broadcast %scan3A_1144 : i32 to vector<16xi32>
          %gather3A_1148 = tpu.vector_load_idx %arg7[%iota3A, %broadcast_in_dim3A_1147] : memref<16x240xf32, #tpu.memory_space<vmem>>[vector<16xi32>, vector<16xi32>], vector<16xf32>,
          %add3A_1149 = arith.addf %scan3A_1145, %gather3A_1148 : vector<16xf32>
          %lt3A_1150 = arith.cmpf olt, %add3A_1149, %broadcast_in_dim3A_3 : vector<16xf32>
          %select_n3A_1151 = arith.select %lt3A_1150, %broadcast_in_dim3A_5, %broadcast_in_dim3A_7 : vector<16xi1>, vector<16xi32>
          %add3A_1152 = arith.addi %scan3A_1146, %select_n3A_1151 : vector<16xi32>
          scf.yield %add3A_1149, %add3A_1152 : vector<16xf32>, vector<16xi32>
        }
        %scan3A_1128 = arith.constant 240 : i32
        %swap3A_1129 = arith.index_cast %scan3A_101 : i32 to index
        %swap3A_1130 = arith.index_cast %mul3A_1096 : i32 to index
        %swap3A_1131 = tpu.vector_load %arg9[%swap3A_1129, %swap3A_1130] {strides = array<i32>} : memref<4x128xi32, #tpu.memory_space<vmem>>, vector<16xi32>,
        tpu.vector_store %arg9[%swap3A_1129, %swap3A_1130], %scan3A_1127#1 {strides = array<i32>} : memref<4x128xi32, #tpu.memory_space<vmem>>, vector<16xi32>,
        %add3A_1132 = arith.addi %mul3A_2, %add3A_984 : i32
        %add3A_1133 = vector.broadcast %add3A_1132 : i32 to vector<16xi32>
        %add3A_1134 = arith.addi %add3A_1133, %iota3A : vector<16xi32>
        %mul3A_1135 = arith.constant 256 : i32
        %mul3A_1136 = vector.broadcast %mul3A_1135 : i32 to vector<16xi32>
        %mul3A_1137 = arith.muli %add3A_1134, %mul3A_1136 : vector<16xi32>
        %min3A = arith.constant 255 : i32
        %min3A_1138 = vector.broadcast %min3A : i32 to vector<16xi32>
        %min3A_1139 = arith.minsi %scan3A_1127#1, %min3A_1138 : vector<16xi32>
        %add3A_1140 = arith.addi %mul3A_1137, %min3A_1139 : vector<16xi32>
        %swap3A_1141 = arith.index_cast %scan3A_101 : i32 to index
        %swap3A_1142 = arith.index_cast %mul3A_1096 : i32 to index
        %swap3A_1143 = tpu.vector_load %arg8[%swap3A_1141, %swap3A_1142] {strides = array<i32>} : memref<4x128xi32, #tpu.memory_space<vmem>>, vector<16xi32>,
        tpu.vector_store %arg8[%swap3A_1141, %swap3A_1142], %add3A_1140 {strides = array<i32>} : memref<4x128xi32, #tpu.memory_space<vmem>>, vector<16xi32>,
      } else {
      }
    }
    %scan3A_106 = arith.constant 8 : i32
    %dma_start3A_107 = arith.constant 1 : i32
    %dma_start3A_108 = arith.constant 1 : i32
    %dma_start3A_109 = arith.constant 0 : i32
    %dma_start3A_110 = tpu.memref_slice %arg10[%dma_start3A_108, %dma_start3A_109] : memref<4x128xf32, #tpu.memory_space<vmem>> -> memref<1x128xf32, #tpu.memory_space<vmem>>
    %dma_start3A_111 = tpu.memref_squeeze %dma_start3A_110 : memref<1x128xf32, #tpu.memory_space<vmem>> -> memref<128xf32, #tpu.memory_space<vmem>>
    %dma_start3A_112 = arith.constant 0 : i32
    %dma_start3A_113 = tpu.memref_slice %arg8[%dma_start3A_107, %dma_start3A_112] : memref<4x128xi32, #tpu.memory_space<vmem>> -> memref<1x128xi32, #tpu.memory_space<vmem>>
    %dma_start3A_114 = tpu.memref_squeeze %dma_start3A_113 : memref<1x128xi32, #tpu.memory_space<vmem>> -> memref<128xi32, #tpu.memory_space<vmem>>
    %dma_start3A_115 = arith.constant 0 : i32
    %dma_start3A_116 = tpu.memref_slice %arg3[%dma_start3A_115] : memref<4194304xf32, #tpu.memory_space<hbm>> -> memref<4194304xf32, #tpu.memory_space<hbm>>
    tpu.enqueue_indirect_dma source(%dma_start3A_116 : memref<4194304xf32, #tpu.memory_space<hbm>>) target(%dma_start3A_111 : memref<128xf32, #tpu.memory_space<vmem>>) offsets(%dma_start3A_114 : memref<128xi32, #tpu.memory_space<vmem>>) semaphore(%arg14 : memref<!tpu.dma_semaphore, #tpu.memory_space<semaphore_mem>>)
    %dma_start3A_117 = arith.constant 1 : i32
    %dma_start3A_118 = arith.constant 1 : i32
    %dma_start3A_119 = arith.constant 0 : i32
    %dma_start3A_120 = tpu.memref_slice %arg11[%dma_start3A_118, %dma_start3A_119] : memref<4x128xf32, #tpu.memory_space<vmem>> -> memref<1x128xf32, #tpu.memory_space<vmem>>
    %dma_start3A_121 = tpu.memref_squeeze %dma_start3A_120 : memref<1x128xf32, #tpu.memory_space<vmem>> -> memref<128xf32, #tpu.memory_space<vmem>>
    %dma_start3A_122 = arith.constant 0 : i32
    %dma_start3A_123 = tpu.memref_slice %arg8[%dma_start3A_117, %dma_start3A_122] : memref<4x128xi32, #tpu.memory_space<vmem>> -> memref<1x128xi32, #tpu.memory_space<vmem>>
    %dma_start3A_124 = tpu.memref_squeeze %dma_start3A_123 : memref<1x128xi32, #tpu.memory_space<vmem>> -> memref<128xi32, #tpu.memory_space<vmem>>
    %dma_start3A_125 = arith.constant 0 : i32
    %dma_start3A_126 = tpu.memref_slice %arg4[%dma_start3A_125] : memref<4194304xf32, #tpu.memory_space<hbm>> -> memref<4194304xf32, #tpu.memory_space<hbm>>
    tpu.enqueue_indirect_dma source(%dma_start3A_126 : memref<4194304xf32, #tpu.memory_space<hbm>>) target(%dma_start3A_121 : memref<128xf32, #tpu.memory_space<vmem>>) offsets(%dma_start3A_124 : memref<128xi32, #tpu.memory_space<vmem>>) semaphore(%arg14 : memref<!tpu.dma_semaphore, #tpu.memory_space<semaphore_mem>>)
    %dma_wait3A_127 = arith.constant 256 : i32
    %dma_wait3A_128 = arith.constant 0 : i32
    %dma_wait3A_129 = tpu.memref_slice %arg6[%dma_wait3A_127, %dma_wait3A_128] : memref<512x16xf32, #tpu.memory_space<vmem>> -> memref<128x16xf32, #tpu.memory_space<vmem>>
    %dma_wait3A_130 = arith.constant 0 : i32
    %dma_wait3A_131 = tpu.memref_slice %arg2[%add3A_34, %dma_wait3A_130] : memref<16384x256xf32, #tpu.memory_space<hbm>> -> memref<128x16xf32, #tpu.memory_space<hbm>>
    %dma_wait3A_132 = arith.constant 256 : i32
    %dma_wait3A_133 = arith.constant 0 : i32
    %dma_wait3A_134 = tpu.memref_slice %arg6[%dma_wait3A_132, %dma_wait3A_133] : memref<512x16xf32, #tpu.memory_space<vmem>> -> memref<128x16xf32, #tpu.memory_space<vmem>>
    %dma_wait3A_135 = arith.constant 0 : i32
    %dma_wait3A_136 = tpu.memref_slice %arg2[%add3A_34, %dma_wait3A_135] : memref<16384x256xf32, #tpu.memory_space<hbm>> -> memref<128x16xf32, #tpu.memory_space<hbm>>
    tpu.wait_dma2 semaphore(%arg13 : memref<!tpu.dma_semaphore, #tpu.memory_space<semaphore_mem>>) src(%dma_wait3A_136 : memref<128x16xf32, #tpu.memory_space<hbm>>) dst(%dma_wait3A_134 : memref<128x16xf32, #tpu.memory_space<vmem>>)
    %scan3A_137 = arith.constant 2 : i32
    %scan3A_138 = arith.constant 0 : i32
    %scan3A_139 = arith.constant 8 : i32
    %scan3A_140 = arith.addi %scan3A_138, %scan3A_139 : i32
    %scan3A_141 = arith.constant 1 : i32
    scf.for %scan3A_979 = %scan3A_138 to %scan3A_140 step %scan3A_141  : i32 {
      %mul3A_980 = arith.constant 128 : i32
      %mul3A_981 = arith.muli %scan3A_137, %mul3A_980 : i32
      %mul3A_982 = arith.constant 16 : i32
      %mul3A_983 = arith.muli %scan3A_979, %mul3A_982 : i32
      %add3A_984 = arith.addi %mul3A_981, %mul3A_983 : i32
      %add3A_985 = vector.broadcast %add3A_984 : i32 to vector<16xi32>
      %add3A_986 = arith.addi %add3A_985, %iota3A : vector<16xi32>
      %broadcast_in_dim3A_987 = arith.constant 0 : i32
      %broadcast_in_dim3A_988 = vector.broadcast %broadcast_in_dim3A_987 : i32 to vector<16xi32>
      %gather3A = tpu.vector_load_idx %arg6[%add3A_986, %broadcast_in_dim3A_988] : memref<512x16xf32, #tpu.memory_space<vmem>>[vector<16xi32>, vector<16xi32>], vector<16xf32>,
      %lt3A = arith.cmpf olt, %gather3A, %broadcast_in_dim3A_3 : vector<16xf32>
      %select_n3A_989 = arith.select %lt3A, %broadcast_in_dim3A_5, %broadcast_in_dim3A_7 : vector<16xi1>, vector<16xi32>
      %broadcast_in_dim3A_990 = arith.constant 1 : i32
      %broadcast_in_dim3A_991 = vector.broadcast %broadcast_in_dim3A_990 : i32 to vector<16xi32>
      %gather3A_992 = tpu.vector_load_idx %arg6[%add3A_986, %broadcast_in_dim3A_991] : memref<512x16xf32, #tpu.memory_space<vmem>>[vector<16xi32>, vector<16xi32>], vector<16xf32>,
      %add3A_993 = arith.addf %gather3A, %gather3A_992 : vector<16xf32>
      %lt3A_994 = arith.cmpf olt, %add3A_993, %broadcast_in_dim3A_3 : vector<16xf32>
      %select_n3A_995 = arith.select %lt3A_994, %broadcast_in_dim3A_5, %broadcast_in_dim3A_7 : vector<16xi1>, vector<16xi32>
      %add3A_996 = arith.addi %select_n3A_989, %select_n3A_995 : vector<16xi32>
      %broadcast_in_dim3A_997 = arith.constant 2 : i32
      %broadcast_in_dim3A_998 = vector.broadcast %broadcast_in_dim3A_997 : i32 to vector<16xi32>
      %gather3A_999 = tpu.vector_load_idx %arg6[%add3A_986, %broadcast_in_dim3A_998] : memref<512x16xf32, #tpu.memory_space<vmem>>[vector<16xi32>, vector<16xi32>], vector<16xf32>,
      %add3A_1000 = arith.addf %add3A_993, %gather3A_999 : vector<16xf32>
      %lt3A_1001 = arith.cmpf olt, %add3A_1000, %broadcast_in_dim3A_3 : vector<16xf32>
      %select_n3A_1002 = arith.select %lt3A_1001, %broadcast_in_dim3A_5, %broadcast_in_dim3A_7 : vector<16xi1>, vector<16xi32>
      %add3A_1003 = arith.addi %add3A_996, %select_n3A_1002 : vector<16xi32>
      %broadcast_in_dim3A_1004 = arith.constant 3 : i32
      %broadcast_in_dim3A_1005 = vector.broadcast %broadcast_in_dim3A_1004 : i32 to vector<16xi32>
      %gather3A_1006 = tpu.vector_load_idx %arg6[%add3A_986, %broadcast_in_dim3A_1005] : memref<512x16xf32, #tpu.memory_space<vmem>>[vector<16xi32>, vector<16xi32>], vector<16xf32>,
      %add3A_1007 = arith.addf %add3A_1000, %gather3A_1006 : vector<16xf32>
      %lt3A_1008 = arith.cmpf olt, %add3A_1007, %broadcast_in_dim3A_3 : vector<16xf32>
      %select_n3A_1009 = arith.select %lt3A_1008, %broadcast_in_dim3A_5, %broadcast_in_dim3A_7 : vector<16xi1>, vector<16xi32>
      %add3A_1010 = arith.addi %add3A_1003, %select_n3A_1009 : vector<16xi32>
      %broadcast_in_dim3A_1011 = arith.constant 4 : i32
      %broadcast_in_dim3A_1012 = vector.broadcast %broadcast_in_dim3A_1011 : i32 to vector<16xi32>
      %gather3A_1013 = tpu.vector_load_idx %arg6[%add3A_986, %broadcast_in_dim3A_1012] : memref<512x16xf32, #tpu.memory_space<vmem>>[vector<16xi32>, vector<16xi32>], vector<16xf32>,
      %add3A_1014 = arith.addf %add3A_1007, %gather3A_1013 : vector<16xf32>
      %lt3A_1015 = arith.cmpf olt, %add3A_1014, %broadcast_in_dim3A_3 : vector<16xf32>
      %select_n3A_1016 = arith.select %lt3A_1015, %broadcast_in_dim3A_5, %broadcast_in_dim3A_7 : vector<16xi1>, vector<16xi32>
      %add3A_1017 = arith.addi %add3A_1010, %select_n3A_1016 : vector<16xi32>
      %broadcast_in_dim3A_1018 = arith.constant 5 : i32
      %broadcast_in_dim3A_1019 = vector.broadcast %broadcast_in_dim3A_1018 : i32 to vector<16xi32>
      %gather3A_1020 = tpu.vector_load_idx %arg6[%add3A_986, %broadcast_in_dim3A_1019] : memref<512x16xf32, #tpu.memory_space<vmem>>[vector<16xi32>, vector<16xi32>], vector<16xf32>,
      %add3A_1021 = arith.addf %add3A_1014, %gather3A_1020 : vector<16xf32>
      %lt3A_1022 = arith.cmpf olt, %add3A_1021, %broadcast_in_dim3A_3 : vector<16xf32>
      %select_n3A_1023 = arith.select %lt3A_1022, %broadcast_in_dim3A_5, %broadcast_in_dim3A_7 : vector<16xi1>, vector<16xi32>
      %add3A_1024 = arith.addi %add3A_1017, %select_n3A_1023 : vector<16xi32>
      %broadcast_in_dim3A_1025 = arith.constant 6 : i32
      %broadcast_in_dim3A_1026 = vector.broadcast %broadcast_in_dim3A_1025 : i32 to vector<16xi32>
      %gather3A_1027 = tpu.vector_load_idx %arg6[%add3A_986, %broadcast_in_dim3A_1026] : memref<512x16xf32, #tpu.memory_space<vmem>>[vector<16xi32>, vector<16xi32>], vector<16xf32>,
      %add3A_1028 = arith.addf %add3A_1021, %gather3A_1027 : vector<16xf32>
      %lt3A_1029 = arith.cmpf olt, %add3A_1028, %broadcast_in_dim3A_3 : vector<16xf32>
      %select_n3A_1030 = arith.select %lt3A_1029, %broadcast_in_dim3A_5, %broadcast_in_dim3A_7 : vector<16xi1>, vector<16xi32>
      %add3A_1031 = arith.addi %add3A_1024, %select_n3A_1030 : vector<16xi32>
      %broadcast_in_dim3A_1032 = arith.constant 7 : i32
      %broadcast_in_dim3A_1033 = vector.broadcast %broadcast_in_dim3A_1032 : i32 to vector<16xi32>
      %gather3A_1034 = tpu.vector_load_idx %arg6[%add3A_986, %broadcast_in_dim3A_1033] : memref<512x16xf32, #tpu.memory_space<vmem>>[vector<16xi32>, vector<16xi32>], vector<16xf32>,
      %add3A_1035 = arith.addf %add3A_1028, %gather3A_1034 : vector<16xf32>
      %lt3A_1036 = arith.cmpf olt, %add3A_1035, %broadcast_in_dim3A_3 : vector<16xf32>
      %select_n3A_1037 = arith.select %lt3A_1036, %broadcast_in_dim3A_5, %broadcast_in_dim3A_7 : vector<16xi1>, vector<16xi32>
      %add3A_1038 = arith.addi %add3A_1031, %select_n3A_1037 : vector<16xi32>
      %broadcast_in_dim3A_1039 = arith.constant 8 : i32
      %broadcast_in_dim3A_1040 = vector.broadcast %broadcast_in_dim3A_1039 : i32 to vector<16xi32>
      %gather3A_1041 = tpu.vector_load_idx %arg6[%add3A_986, %broadcast_in_dim3A_1040] : memref<512x16xf32, #tpu.memory_space<vmem>>[vector<16xi32>, vector<16xi32>], vector<16xf32>,
      %add3A_1042 = arith.addf %add3A_1035, %gather3A_1041 : vector<16xf32>
      %lt3A_1043 = arith.cmpf olt, %add3A_1042, %broadcast_in_dim3A_3 : vector<16xf32>
      %select_n3A_1044 = arith.select %lt3A_1043, %broadcast_in_dim3A_5, %broadcast_in_dim3A_7 : vector<16xi1>, vector<16xi32>
      %add3A_1045 = arith.addi %add3A_1038, %select_n3A_1044 : vector<16xi32>
      %broadcast_in_dim3A_1046 = arith.constant 9 : i32
      %broadcast_in_dim3A_1047 = vector.broadcast %broadcast_in_dim3A_1046 : i32 to vector<16xi32>
      %gather3A_1048 = tpu.vector_load_idx %arg6[%add3A_986, %broadcast_in_dim3A_1047] : memref<512x16xf32, #tpu.memory_space<vmem>>[vector<16xi32>, vector<16xi32>], vector<16xf32>,
      %add3A_1049 = arith.addf %add3A_1042, %gather3A_1048 : vector<16xf32>
      %lt3A_1050 = arith.cmpf olt, %add3A_1049, %broadcast_in_dim3A_3 : vector<16xf32>
      %select_n3A_1051 = arith.select %lt3A_1050, %broadcast_in_dim3A_5, %broadcast_in_dim3A_7 : vector<16xi1>, vector<16xi32>
      %add3A_1052 = arith.addi %add3A_1045, %select_n3A_1051 : vector<16xi32>
      %broadcast_in_dim3A_1053 = arith.constant 10 : i32
      %broadcast_in_dim3A_1054 = vector.broadcast %broadcast_in_dim3A_1053 : i32 to vector<16xi32>
      %gather3A_1055 = tpu.vector_load_idx %arg6[%add3A_986, %broadcast_in_dim3A_1054] : memref<512x16xf32, #tpu.memory_space<vmem>>[vector<16xi32>, vector<16xi32>], vector<16xf32>,
      %add3A_1056 = arith.addf %add3A_1049, %gather3A_1055 : vector<16xf32>
      %lt3A_1057 = arith.cmpf olt, %add3A_1056, %broadcast_in_dim3A_3 : vector<16xf32>
      %select_n3A_1058 = arith.select %lt3A_1057, %broadcast_in_dim3A_5, %broadcast_in_dim3A_7 : vector<16xi1>, vector<16xi32>
      %add3A_1059 = arith.addi %add3A_1052, %select_n3A_1058 : vector<16xi32>
      %broadcast_in_dim3A_1060 = arith.constant 11 : i32
      %broadcast_in_dim3A_1061 = vector.broadcast %broadcast_in_dim3A_1060 : i32 to vector<16xi32>
      %gather3A_1062 = tpu.vector_load_idx %arg6[%add3A_986, %broadcast_in_dim3A_1061] : memref<512x16xf32, #tpu.memory_space<vmem>>[vector<16xi32>, vector<16xi32>], vector<16xf32>,
      %add3A_1063 = arith.addf %add3A_1056, %gather3A_1062 : vector<16xf32>
      %lt3A_1064 = arith.cmpf olt, %add3A_1063, %broadcast_in_dim3A_3 : vector<16xf32>
      %select_n3A_1065 = arith.select %lt3A_1064, %broadcast_in_dim3A_5, %broadcast_in_dim3A_7 : vector<16xi1>, vector<16xi32>
      %add3A_1066 = arith.addi %add3A_1059, %select_n3A_1065 : vector<16xi32>
      %broadcast_in_dim3A_1067 = arith.constant 12 : i32
      %broadcast_in_dim3A_1068 = vector.broadcast %broadcast_in_dim3A_1067 : i32 to vector<16xi32>
      %gather3A_1069 = tpu.vector_load_idx %arg6[%add3A_986, %broadcast_in_dim3A_1068] : memref<512x16xf32, #tpu.memory_space<vmem>>[vector<16xi32>, vector<16xi32>], vector<16xf32>,
      %add3A_1070 = arith.addf %add3A_1063, %gather3A_1069 : vector<16xf32>
      %lt3A_1071 = arith.cmpf olt, %add3A_1070, %broadcast_in_dim3A_3 : vector<16xf32>
      %select_n3A_1072 = arith.select %lt3A_1071, %broadcast_in_dim3A_5, %broadcast_in_dim3A_7 : vector<16xi1>, vector<16xi32>
      %add3A_1073 = arith.addi %add3A_1066, %select_n3A_1072 : vector<16xi32>
      %broadcast_in_dim3A_1074 = arith.constant 13 : i32
      %broadcast_in_dim3A_1075 = vector.broadcast %broadcast_in_dim3A_1074 : i32 to vector<16xi32>
      %gather3A_1076 = tpu.vector_load_idx %arg6[%add3A_986, %broadcast_in_dim3A_1075] : memref<512x16xf32, #tpu.memory_space<vmem>>[vector<16xi32>, vector<16xi32>], vector<16xf32>,
      %add3A_1077 = arith.addf %add3A_1070, %gather3A_1076 : vector<16xf32>
      %lt3A_1078 = arith.cmpf olt, %add3A_1077, %broadcast_in_dim3A_3 : vector<16xf32>
      %select_n3A_1079 = arith.select %lt3A_1078, %broadcast_in_dim3A_5, %broadcast_in_dim3A_7 : vector<16xi1>, vector<16xi32>
      %add3A_1080 = arith.addi %add3A_1073, %select_n3A_1079 : vector<16xi32>
      %broadcast_in_dim3A_1081 = arith.constant 14 : i32
      %broadcast_in_dim3A_1082 = vector.broadcast %broadcast_in_dim3A_1081 : i32 to vector<16xi32>
      %gather3A_1083 = tpu.vector_load_idx %arg6[%add3A_986, %broadcast_in_dim3A_1082] : memref<512x16xf32, #tpu.memory_space<vmem>>[vector<16xi32>, vector<16xi32>], vector<16xf32>,
      %add3A_1084 = arith.addf %add3A_1077, %gather3A_1083 : vector<16xf32>
      %lt3A_1085 = arith.cmpf olt, %add3A_1084, %broadcast_in_dim3A_3 : vector<16xf32>
      %select_n3A_1086 = arith.select %lt3A_1085, %broadcast_in_dim3A_5, %broadcast_in_dim3A_7 : vector<16xi1>, vector<16xi32>
      %add3A_1087 = arith.addi %add3A_1080, %select_n3A_1086 : vector<16xi32>
      %broadcast_in_dim3A_1088 = arith.constant 15 : i32
      %broadcast_in_dim3A_1089 = vector.broadcast %broadcast_in_dim3A_1088 : i32 to vector<16xi32>
      %gather3A_1090 = tpu.vector_load_idx %arg6[%add3A_986, %broadcast_in_dim3A_1089] : memref<512x16xf32, #tpu.memory_space<vmem>>[vector<16xi32>, vector<16xi32>], vector<16xf32>,
      %add3A_1091 = arith.addf %add3A_1084, %gather3A_1090 : vector<16xf32>
      %lt3A_1092 = arith.cmpf olt, %add3A_1091, %broadcast_in_dim3A_3 : vector<16xf32>
      %select_n3A_1093 = arith.select %lt3A_1092, %broadcast_in_dim3A_5, %broadcast_in_dim3A_7 : vector<16xi1>, vector<16xi32>
      %add3A_1094 = arith.addi %add3A_1087, %select_n3A_1093 : vector<16xi32>
      %mul3A_1095 = arith.constant 16 : i32
      %mul3A_1096 = arith.muli %scan3A_979, %mul3A_1095 : i32
      %swap3A_1097 = arith.index_cast %scan3A_137 : i32 to index
      %swap3A_1098 = arith.index_cast %mul3A_1096 : i32 to index
      %swap3A_1099 = tpu.vector_load %arg9[%swap3A_1097, %swap3A_1098] {strides = array<i32>} : memref<4x128xi32, #tpu.memory_space<vmem>>, vector<16xi32>,
      tpu.vector_store %arg9[%swap3A_1097, %swap3A_1098], %add3A_1094 {strides = array<i32>} : memref<4x128xi32, #tpu.memory_space<vmem>>, vector<16xi32>,
      %add3A_1100 = arith.addi %mul3A_2, %add3A_984 : i32
      %add3A_1101 = vector.broadcast %add3A_1100 : i32 to vector<16xi32>
      %add3A_1102 = arith.addi %add3A_1101, %iota3A : vector<16xi32>
      %mul3A_1103 = arith.constant 256 : i32
      %mul3A_1104 = vector.broadcast %mul3A_1103 : i32 to vector<16xi32>
      %mul3A_1105 = arith.muli %add3A_1102, %mul3A_1104 : vector<16xi32>
      %add3A_1106 = arith.addi %mul3A_1105, %add3A_1094 : vector<16xi32>
      %swap3A_1107 = arith.index_cast %scan3A_137 : i32 to index
      %swap3A_1108 = arith.index_cast %mul3A_1096 : i32 to index
      %swap3A_1109 = tpu.vector_load %arg8[%swap3A_1107, %swap3A_1108] {strides = array<i32>} : memref<4x128xi32, #tpu.memory_space<vmem>>, vector<16xi32>,
      tpu.vector_store %arg8[%swap3A_1107, %swap3A_1108], %add3A_1106 {strides = array<i32>} : memref<4x128xi32, #tpu.memory_space<vmem>>, vector<16xi32>,
      %lt3A_1110 = arith.cmpf olt, %add3A_1091, %broadcast_in_dim3A_3 : vector<16xf32>
      %reduce_or3A = arith.constant 1.000000e+00 : f32
      %reduce_or3A_1111 = arith.constant 0.000000e+00 : f32
      %reduce_or3A_1112 = vector.broadcast %reduce_or3A : f32 to vector<16xf32>
      %reduce_or3A_1113 = vector.broadcast %reduce_or3A_1111 : f32 to vector<16xf32>
      %reduce_or3A_1114 = arith.select %lt3A_1110, %reduce_or3A_1112, %reduce_or3A_1113 : vector<16xi1>, vector<16xf32>
      %reduce_or3A_1115 = arith.constant true
      %reduce_or3A_1116 = vector.broadcast %reduce_or3A_1115 : i1 to vector<16xi1>
      %reduce_or3A_1117 = tpu.scan <max>, %reduce_or3A_1114 masked %reduce_or3A_1116 : vector<16xf32>, vector<16xi1> -> vector<16xf32>
      %reduce_or3A_1118 = vector.extract %reduce_or3A_1117[15] : f32 from vector<16xf32>
      %reduce_or3A_1119 = arith.constant 0.000000e+00 : f32
      %reduce_or3A_1120 = arith.cmpf ogt, %reduce_or3A_1118, %reduce_or3A_1119 : f32
      %convert_element_type3A = arith.extui %reduce_or3A_1120 : i1 to i32
      %cond3A = arith.constant 0 : i32
      %cond3A_1121 = arith.cmpi ne, %convert_element_type3A, %cond3A : i32
      scf.if %cond3A_1121 {
        %add3A_1122 = arith.addi %mul3A_2, %add3A_984 : i32
        "tpu.region"() ({
          %run_scoped3A = tpu.sem_alloc : memref<!tpu.dma_semaphore, #tpu.memory_space<semaphore_mem>>
          %dma_start3A_1144 = arith.constant 16 : i32
          %dma_start3A_1145 = tpu.memref_slice %arg2[%add3A_1122, %dma_start3A_1144] : memref<16384x256xf32, #tpu.memory_space<hbm>> -> memref<16x240xf32, #tpu.memory_space<hbm>>
          %dma_start3A_1146 = arith.constant 16 : i32
          %dma_start3A_1147 = tpu.memref_slice %arg2[%add3A_1122, %dma_start3A_1146] : memref<16384x256xf32, #tpu.memory_space<hbm>> -> memref<16x240xf32, #tpu.memory_space<hbm>>
          tpu.enqueue_dma source(%dma_start3A_1147 : memref<16x240xf32, #tpu.memory_space<hbm>>) target(%arg7 : memref<16x240xf32, #tpu.memory_space<vmem>>) target_semaphore(%run_scoped3A : memref<!tpu.dma_semaphore, #tpu.memory_space<semaphore_mem>>)
          %dma_wait3A_1148 = arith.constant 16 : i32
          %dma_wait3A_1149 = tpu.memref_slice %arg2[%add3A_1122, %dma_wait3A_1148] : memref<16384x256xf32, #tpu.memory_space<hbm>> -> memref<16x240xf32, #tpu.memory_space<hbm>>
          %dma_wait3A_1150 = arith.constant 16 : i32
          %dma_wait3A_1151 = tpu.memref_slice %arg2[%add3A_1122, %dma_wait3A_1150] : memref<16384x256xf32, #tpu.memory_space<hbm>> -> memref<16x240xf32, #tpu.memory_space<hbm>>
          tpu.wait_dma2 semaphore(%run_scoped3A : memref<!tpu.dma_semaphore, #tpu.memory_space<semaphore_mem>>) src(%dma_wait3A_1151 : memref<16x240xf32, #tpu.memory_space<hbm>>) dst(%arg7 : memref<16x240xf32, #tpu.memory_space<vmem>>)
          tpu.yield
        }) : () -> ()
        %scan3A_1123 = arith.constant 0 : i32
        %scan3A_1124 = arith.constant 240 : i32
        %scan3A_1125 = arith.addi %scan3A_1123, %scan3A_1124 : i32
        %scan3A_1126 = arith.constant 1 : i32
        %scan3A_1127:2 = scf.for %scan3A_1144 = %scan3A_1123 to %scan3A_1125 step %scan3A_1126 iter_args(%scan3A_1145 = %add3A_1091, %scan3A_1146 = %add3A_1094) -> (vector<16xf32>, vector<16xi32>)  : i32 {
          %broadcast_in_dim3A_1147 = vector.broadcast %scan3A_1144 : i32 to vector<16xi32>
          %gather3A_1148 = tpu.vector_load_idx %arg7[%iota3A, %broadcast_in_dim3A_1147] : memref<16x240xf32, #tpu.memory_space<vmem>>[vector<16xi32>, vector<16xi32>], vector<16xf32>,
          %add3A_1149 = arith.addf %scan3A_1145, %gather3A_1148 : vector<16xf32>
          %lt3A_1150 = arith.cmpf olt, %add3A_1149, %broadcast_in_dim3A_3 : vector<16xf32>
          %select_n3A_1151 = arith.select %lt3A_1150, %broadcast_in_dim3A_5, %broadcast_in_dim3A_7 : vector<16xi1>, vector<16xi32>
          %add3A_1152 = arith.addi %scan3A_1146, %select_n3A_1151 : vector<16xi32>
          scf.yield %add3A_1149, %add3A_1152 : vector<16xf32>, vector<16xi32>
        }
        %scan3A_1128 = arith.constant 240 : i32
        %swap3A_1129 = arith.index_cast %scan3A_137 : i32 to index
        %swap3A_1130 = arith.index_cast %mul3A_1096 : i32 to index
        %swap3A_1131 = tpu.vector_load %arg9[%swap3A_1129, %swap3A_1130] {strides = array<i32>} : memref<4x128xi32, #tpu.memory_space<vmem>>, vector<16xi32>,
        tpu.vector_store %arg9[%swap3A_1129, %swap3A_1130], %scan3A_1127#1 {strides = array<i32>} : memref<4x128xi32, #tpu.memory_space<vmem>>, vector<16xi32>,
        %add3A_1132 = arith.addi %mul3A_2, %add3A_984 : i32
        %add3A_1133 = vector.broadcast %add3A_1132 : i32 to vector<16xi32>
        %add3A_1134 = arith.addi %add3A_1133, %iota3A : vector<16xi32>
        %mul3A_1135 = arith.constant 256 : i32
        %mul3A_1136 = vector.broadcast %mul3A_1135 : i32 to vector<16xi32>
        %mul3A_1137 = arith.muli %add3A_1134, %mul3A_1136 : vector<16xi32>
        %min3A = arith.constant 255 : i32
        %min3A_1138 = vector.broadcast %min3A : i32 to vector<16xi32>
        %min3A_1139 = arith.minsi %scan3A_1127#1, %min3A_1138 : vector<16xi32>
        %add3A_1140 = arith.addi %mul3A_1137, %min3A_1139 : vector<16xi32>
        %swap3A_1141 = arith.index_cast %scan3A_137 : i32 to index
        %swap3A_1142 = arith.index_cast %mul3A_1096 : i32 to index
        %swap3A_1143 = tpu.vector_load %arg8[%swap3A_1141, %swap3A_1142] {strides = array<i32>} : memref<4x128xi32, #tpu.memory_space<vmem>>, vector<16xi32>,
        tpu.vector_store %arg8[%swap3A_1141, %swap3A_1142], %add3A_1140 {strides = array<i32>} : memref<4x128xi32, #tpu.memory_space<vmem>>, vector<16xi32>,
      } else {
      }
    }
    %scan3A_142 = arith.constant 8 : i32
    %dma_start3A_143 = arith.constant 2 : i32
    %dma_start3A_144 = arith.constant 2 : i32
    %dma_start3A_145 = arith.constant 0 : i32
    %dma_start3A_146 = tpu.memref_slice %arg10[%dma_start3A_144, %dma_start3A_145] : memref<4x128xf32, #tpu.memory_space<vmem>> -> memref<1x128xf32, #tpu.memory_space<vmem>>
    %dma_start3A_147 = tpu.memref_squeeze %dma_start3A_146 : memref<1x128xf32, #tpu.memory_space<vmem>> -> memref<128xf32, #tpu.memory_space<vmem>>
    %dma_start3A_148 = arith.constant 0 : i32
    %dma_start3A_149 = tpu.memref_slice %arg8[%dma_start3A_143, %dma_start3A_148] : memref<4x128xi32, #tpu.memory_space<vmem>> -> memref<1x128xi32, #tpu.memory_space<vmem>>
    %dma_start3A_150 = tpu.memref_squeeze %dma_start3A_149 : memref<1x128xi32, #tpu.memory_space<vmem>> -> memref<128xi32, #tpu.memory_space<vmem>>
    %dma_start3A_151 = arith.constant 0 : i32
    %dma_start3A_152 = tpu.memref_slice %arg3[%dma_start3A_151] : memref<4194304xf32, #tpu.memory_space<hbm>> -> memref<4194304xf32, #tpu.memory_space<hbm>>
    tpu.enqueue_indirect_dma source(%dma_start3A_152 : memref<4194304xf32, #tpu.memory_space<hbm>>) target(%dma_start3A_147 : memref<128xf32, #tpu.memory_space<vmem>>) offsets(%dma_start3A_150 : memref<128xi32, #tpu.memory_space<vmem>>) semaphore(%arg14 : memref<!tpu.dma_semaphore, #tpu.memory_space<semaphore_mem>>)
    %dma_start3A_153 = arith.constant 2 : i32
    %dma_start3A_154 = arith.constant 2 : i32
    %dma_start3A_155 = arith.constant 0 : i32
    %dma_start3A_156 = tpu.memref_slice %arg11[%dma_start3A_154, %dma_start3A_155] : memref<4x128xf32, #tpu.memory_space<vmem>> -> memref<1x128xf32, #tpu.memory_space<vmem>>
    %dma_start3A_157 = tpu.memref_squeeze %dma_start3A_156 : memref<1x128xf32, #tpu.memory_space<vmem>> -> memref<128xf32, #tpu.memory_space<vmem>>
    %dma_start3A_158 = arith.constant 0 : i32
    %dma_start3A_159 = tpu.memref_slice %arg8[%dma_start3A_153, %dma_start3A_158] : memref<4x128xi32, #tpu.memory_space<vmem>> -> memref<1x128xi32, #tpu.memory_space<vmem>>
    %dma_start3A_160 = tpu.memref_squeeze %dma_start3A_159 : memref<1x128xi32, #tpu.memory_space<vmem>> -> memref<128xi32, #tpu.memory_space<vmem>>
    %dma_start3A_161 = arith.constant 0 : i32
    %dma_start3A_162 = tpu.memref_slice %arg4[%dma_start3A_161] : memref<4194304xf32, #tpu.memory_space<hbm>> -> memref<4194304xf32, #tpu.memory_space<hbm>>
    tpu.enqueue_indirect_dma source(%dma_start3A_162 : memref<4194304xf32, #tpu.memory_space<hbm>>) target(%dma_start3A_157 : memref<128xf32, #tpu.memory_space<vmem>>) offsets(%dma_start3A_160 : memref<128xi32, #tpu.memory_space<vmem>>) semaphore(%arg14 : memref<!tpu.dma_semaphore, #tpu.memory_space<semaphore_mem>>)
    %dma_wait3A_163 = arith.constant 384 : i32
    %dma_wait3A_164 = arith.constant 0 : i32
    %dma_wait3A_165 = tpu.memref_slice %arg6[%dma_wait3A_163, %dma_wait3A_164] : memref<512x16xf32, #tpu.memory_space<vmem>> -> memref<128x16xf32, #tpu.memory_space<vmem>>
    %dma_wait3A_166 = arith.constant 0 : i32
    %dma_wait3A_167 = tpu.memref_slice %arg2[%add3A_46, %dma_wait3A_166] : memref<16384x256xf32, #tpu.memory_space<hbm>> -> memref<128x16xf32, #tpu.memory_space<hbm>>
    %dma_wait3A_168 = arith.constant 384 : i32
    %dma_wait3A_169 = arith.constant 0 : i32
    %dma_wait3A_170 = tpu.memref_slice %arg6[%dma_wait3A_168, %dma_wait3A_169] : memref<512x16xf32, #tpu.memory_space<vmem>> -> memref<128x16xf32, #tpu.memory_space<vmem>>
    %dma_wait3A_171 = arith.constant 0 : i32
    %dma_wait3A_172 = tpu.memref_slice %arg2[%add3A_46, %dma_wait3A_171] : memref<16384x256xf32, #tpu.memory_space<hbm>> -> memref<128x16xf32, #tpu.memory_space<hbm>>
    tpu.wait_dma2 semaphore(%arg13 : memref<!tpu.dma_semaphore, #tpu.memory_space<semaphore_mem>>) src(%dma_wait3A_172 : memref<128x16xf32, #tpu.memory_space<hbm>>) dst(%dma_wait3A_170 : memref<128x16xf32, #tpu.memory_space<vmem>>)
    %scan3A_173 = arith.constant 3 : i32
    %scan3A_174 = arith.constant 0 : i32
    %scan3A_175 = arith.constant 8 : i32
    %scan3A_176 = arith.addi %scan3A_174, %scan3A_175 : i32
    %scan3A_177 = arith.constant 1 : i32
    scf.for %scan3A_979 = %scan3A_174 to %scan3A_176 step %scan3A_177  : i32 {
      %mul3A_980 = arith.constant 128 : i32
      %mul3A_981 = arith.muli %scan3A_173, %mul3A_980 : i32
      %mul3A_982 = arith.constant 16 : i32
      %mul3A_983 = arith.muli %scan3A_979, %mul3A_982 : i32
      %add3A_984 = arith.addi %mul3A_981, %mul3A_983 : i32
      %add3A_985 = vector.broadcast %add3A_984 : i32 to vector<16xi32>
      %add3A_986 = arith.addi %add3A_985, %iota3A : vector<16xi32>
      %broadcast_in_dim3A_987 = arith.constant 0 : i32
      %broadcast_in_dim3A_988 = vector.broadcast %broadcast_in_dim3A_987 : i32 to vector<16xi32>
      %gather3A = tpu.vector_load_idx %arg6[%add3A_986, %broadcast_in_dim3A_988] : memref<512x16xf32, #tpu.memory_space<vmem>>[vector<16xi32>, vector<16xi32>], vector<16xf32>,
      %lt3A = arith.cmpf olt, %gather3A, %broadcast_in_dim3A_3 : vector<16xf32>
      %select_n3A_989 = arith.select %lt3A, %broadcast_in_dim3A_5, %broadcast_in_dim3A_7 : vector<16xi1>, vector<16xi32>
      %broadcast_in_dim3A_990 = arith.constant 1 : i32
      %broadcast_in_dim3A_991 = vector.broadcast %broadcast_in_dim3A_990 : i32 to vector<16xi32>
      %gather3A_992 = tpu.vector_load_idx %arg6[%add3A_986, %broadcast_in_dim3A_991] : memref<512x16xf32, #tpu.memory_space<vmem>>[vector<16xi32>, vector<16xi32>], vector<16xf32>,
      %add3A_993 = arith.addf %gather3A, %gather3A_992 : vector<16xf32>
      %lt3A_994 = arith.cmpf olt, %add3A_993, %broadcast_in_dim3A_3 : vector<16xf32>
      %select_n3A_995 = arith.select %lt3A_994, %broadcast_in_dim3A_5, %broadcast_in_dim3A_7 : vector<16xi1>, vector<16xi32>
      %add3A_996 = arith.addi %select_n3A_989, %select_n3A_995 : vector<16xi32>
      %broadcast_in_dim3A_997 = arith.constant 2 : i32
      %broadcast_in_dim3A_998 = vector.broadcast %broadcast_in_dim3A_997 : i32 to vector<16xi32>
      %gather3A_999 = tpu.vector_load_idx %arg6[%add3A_986, %broadcast_in_dim3A_998] : memref<512x16xf32, #tpu.memory_space<vmem>>[vector<16xi32>, vector<16xi32>], vector<16xf32>,
      %add3A_1000 = arith.addf %add3A_993, %gather3A_999 : vector<16xf32>
      %lt3A_1001 = arith.cmpf olt, %add3A_1000, %broadcast_in_dim3A_3 : vector<16xf32>
      %select_n3A_1002 = arith.select %lt3A_1001, %broadcast_in_dim3A_5, %broadcast_in_dim3A_7 : vector<16xi1>, vector<16xi32>
      %add3A_1003 = arith.addi %add3A_996, %select_n3A_1002 : vector<16xi32>
      %broadcast_in_dim3A_1004 = arith.constant 3 : i32
      %broadcast_in_dim3A_1005 = vector.broadcast %broadcast_in_dim3A_1004 : i32 to vector<16xi32>
      %gather3A_1006 = tpu.vector_load_idx %arg6[%add3A_986, %broadcast_in_dim3A_1005] : memref<512x16xf32, #tpu.memory_space<vmem>>[vector<16xi32>, vector<16xi32>], vector<16xf32>,
      %add3A_1007 = arith.addf %add3A_1000, %gather3A_1006 : vector<16xf32>
      %lt3A_1008 = arith.cmpf olt, %add3A_1007, %broadcast_in_dim3A_3 : vector<16xf32>
      %select_n3A_1009 = arith.select %lt3A_1008, %broadcast_in_dim3A_5, %broadcast_in_dim3A_7 : vector<16xi1>, vector<16xi32>
      %add3A_1010 = arith.addi %add3A_1003, %select_n3A_1009 : vector<16xi32>
      %broadcast_in_dim3A_1011 = arith.constant 4 : i32
      %broadcast_in_dim3A_1012 = vector.broadcast %broadcast_in_dim3A_1011 : i32 to vector<16xi32>
      %gather3A_1013 = tpu.vector_load_idx %arg6[%add3A_986, %broadcast_in_dim3A_1012] : memref<512x16xf32, #tpu.memory_space<vmem>>[vector<16xi32>, vector<16xi32>], vector<16xf32>,
      %add3A_1014 = arith.addf %add3A_1007, %gather3A_1013 : vector<16xf32>
      %lt3A_1015 = arith.cmpf olt, %add3A_1014, %broadcast_in_dim3A_3 : vector<16xf32>
      %select_n3A_1016 = arith.select %lt3A_1015, %broadcast_in_dim3A_5, %broadcast_in_dim3A_7 : vector<16xi1>, vector<16xi32>
      %add3A_1017 = arith.addi %add3A_1010, %select_n3A_1016 : vector<16xi32>
      %broadcast_in_dim3A_1018 = arith.constant 5 : i32
      %broadcast_in_dim3A_1019 = vector.broadcast %broadcast_in_dim3A_1018 : i32 to vector<16xi32>
      %gather3A_1020 = tpu.vector_load_idx %arg6[%add3A_986, %broadcast_in_dim3A_1019] : memref<512x16xf32, #tpu.memory_space<vmem>>[vector<16xi32>, vector<16xi32>], vector<16xf32>,
      %add3A_1021 = arith.addf %add3A_1014, %gather3A_1020 : vector<16xf32>
      %lt3A_1022 = arith.cmpf olt, %add3A_1021, %broadcast_in_dim3A_3 : vector<16xf32>
      %select_n3A_1023 = arith.select %lt3A_1022, %broadcast_in_dim3A_5, %broadcast_in_dim3A_7 : vector<16xi1>, vector<16xi32>
      %add3A_1024 = arith.addi %add3A_1017, %select_n3A_1023 : vector<16xi32>
      %broadcast_in_dim3A_1025 = arith.constant 6 : i32
      %broadcast_in_dim3A_1026 = vector.broadcast %broadcast_in_dim3A_1025 : i32 to vector<16xi32>
      %gather3A_1027 = tpu.vector_load_idx %arg6[%add3A_986, %broadcast_in_dim3A_1026] : memref<512x16xf32, #tpu.memory_space<vmem>>[vector<16xi32>, vector<16xi32>], vector<16xf32>,
      %add3A_1028 = arith.addf %add3A_1021, %gather3A_1027 : vector<16xf32>
      %lt3A_1029 = arith.cmpf olt, %add3A_1028, %broadcast_in_dim3A_3 : vector<16xf32>
      %select_n3A_1030 = arith.select %lt3A_1029, %broadcast_in_dim3A_5, %broadcast_in_dim3A_7 : vector<16xi1>, vector<16xi32>
      %add3A_1031 = arith.addi %add3A_1024, %select_n3A_1030 : vector<16xi32>
      %broadcast_in_dim3A_1032 = arith.constant 7 : i32
      %broadcast_in_dim3A_1033 = vector.broadcast %broadcast_in_dim3A_1032 : i32 to vector<16xi32>
      %gather3A_1034 = tpu.vector_load_idx %arg6[%add3A_986, %broadcast_in_dim3A_1033] : memref<512x16xf32, #tpu.memory_space<vmem>>[vector<16xi32>, vector<16xi32>], vector<16xf32>,
      %add3A_1035 = arith.addf %add3A_1028, %gather3A_1034 : vector<16xf32>
      %lt3A_1036 = arith.cmpf olt, %add3A_1035, %broadcast_in_dim3A_3 : vector<16xf32>
      %select_n3A_1037 = arith.select %lt3A_1036, %broadcast_in_dim3A_5, %broadcast_in_dim3A_7 : vector<16xi1>, vector<16xi32>
      %add3A_1038 = arith.addi %add3A_1031, %select_n3A_1037 : vector<16xi32>
      %broadcast_in_dim3A_1039 = arith.constant 8 : i32
      %broadcast_in_dim3A_1040 = vector.broadcast %broadcast_in_dim3A_1039 : i32 to vector<16xi32>
      %gather3A_1041 = tpu.vector_load_idx %arg6[%add3A_986, %broadcast_in_dim3A_1040] : memref<512x16xf32, #tpu.memory_space<vmem>>[vector<16xi32>, vector<16xi32>], vector<16xf32>,
      %add3A_1042 = arith.addf %add3A_1035, %gather3A_1041 : vector<16xf32>
      %lt3A_1043 = arith.cmpf olt, %add3A_1042, %broadcast_in_dim3A_3 : vector<16xf32>
      %select_n3A_1044 = arith.select %lt3A_1043, %broadcast_in_dim3A_5, %broadcast_in_dim3A_7 : vector<16xi1>, vector<16xi32>
      %add3A_1045 = arith.addi %add3A_1038, %select_n3A_1044 : vector<16xi32>
      %broadcast_in_dim3A_1046 = arith.constant 9 : i32
      %broadcast_in_dim3A_1047 = vector.broadcast %broadcast_in_dim3A_1046 : i32 to vector<16xi32>
      %gather3A_1048 = tpu.vector_load_idx %arg6[%add3A_986, %broadcast_in_dim3A_1047] : memref<512x16xf32, #tpu.memory_space<vmem>>[vector<16xi32>, vector<16xi32>], vector<16xf32>,
      %add3A_1049 = arith.addf %add3A_1042, %gather3A_1048 : vector<16xf32>
      %lt3A_1050 = arith.cmpf olt, %add3A_1049, %broadcast_in_dim3A_3 : vector<16xf32>
      %select_n3A_1051 = arith.select %lt3A_1050, %broadcast_in_dim3A_5, %broadcast_in_dim3A_7 : vector<16xi1>, vector<16xi32>
      %add3A_1052 = arith.addi %add3A_1045, %select_n3A_1051 : vector<16xi32>
      %broadcast_in_dim3A_1053 = arith.constant 10 : i32
      %broadcast_in_dim3A_1054 = vector.broadcast %broadcast_in_dim3A_1053 : i32 to vector<16xi32>
      %gather3A_1055 = tpu.vector_load_idx %arg6[%add3A_986, %broadcast_in_dim3A_1054] : memref<512x16xf32, #tpu.memory_space<vmem>>[vector<16xi32>, vector<16xi32>], vector<16xf32>,
      %add3A_1056 = arith.addf %add3A_1049, %gather3A_1055 : vector<16xf32>
      %lt3A_1057 = arith.cmpf olt, %add3A_1056, %broadcast_in_dim3A_3 : vector<16xf32>
      %select_n3A_1058 = arith.select %lt3A_1057, %broadcast_in_dim3A_5, %broadcast_in_dim3A_7 : vector<16xi1>, vector<16xi32>
      %add3A_1059 = arith.addi %add3A_1052, %select_n3A_1058 : vector<16xi32>
      %broadcast_in_dim3A_1060 = arith.constant 11 : i32
      %broadcast_in_dim3A_1061 = vector.broadcast %broadcast_in_dim3A_1060 : i32 to vector<16xi32>
      %gather3A_1062 = tpu.vector_load_idx %arg6[%add3A_986, %broadcast_in_dim3A_1061] : memref<512x16xf32, #tpu.memory_space<vmem>>[vector<16xi32>, vector<16xi32>], vector<16xf32>,
      %add3A_1063 = arith.addf %add3A_1056, %gather3A_1062 : vector<16xf32>
      %lt3A_1064 = arith.cmpf olt, %add3A_1063, %broadcast_in_dim3A_3 : vector<16xf32>
      %select_n3A_1065 = arith.select %lt3A_1064, %broadcast_in_dim3A_5, %broadcast_in_dim3A_7 : vector<16xi1>, vector<16xi32>
      %add3A_1066 = arith.addi %add3A_1059, %select_n3A_1065 : vector<16xi32>
      %broadcast_in_dim3A_1067 = arith.constant 12 : i32
      %broadcast_in_dim3A_1068 = vector.broadcast %broadcast_in_dim3A_1067 : i32 to vector<16xi32>
      %gather3A_1069 = tpu.vector_load_idx %arg6[%add3A_986, %broadcast_in_dim3A_1068] : memref<512x16xf32, #tpu.memory_space<vmem>>[vector<16xi32>, vector<16xi32>], vector<16xf32>,
      %add3A_1070 = arith.addf %add3A_1063, %gather3A_1069 : vector<16xf32>
      %lt3A_1071 = arith.cmpf olt, %add3A_1070, %broadcast_in_dim3A_3 : vector<16xf32>
      %select_n3A_1072 = arith.select %lt3A_1071, %broadcast_in_dim3A_5, %broadcast_in_dim3A_7 : vector<16xi1>, vector<16xi32>
      %add3A_1073 = arith.addi %add3A_1066, %select_n3A_1072 : vector<16xi32>
      %broadcast_in_dim3A_1074 = arith.constant 13 : i32
      %broadcast_in_dim3A_1075 = vector.broadcast %broadcast_in_dim3A_1074 : i32 to vector<16xi32>
      %gather3A_1076 = tpu.vector_load_idx %arg6[%add3A_986, %broadcast_in_dim3A_1075] : memref<512x16xf32, #tpu.memory_space<vmem>>[vector<16xi32>, vector<16xi32>], vector<16xf32>,
      %add3A_1077 = arith.addf %add3A_1070, %gather3A_1076 : vector<16xf32>
      %lt3A_1078 = arith.cmpf olt, %add3A_1077, %broadcast_in_dim3A_3 : vector<16xf32>
      %select_n3A_1079 = arith.select %lt3A_1078, %broadcast_in_dim3A_5, %broadcast_in_dim3A_7 : vector<16xi1>, vector<16xi32>
      %add3A_1080 = arith.addi %add3A_1073, %select_n3A_1079 : vector<16xi32>
      %broadcast_in_dim3A_1081 = arith.constant 14 : i32
      %broadcast_in_dim3A_1082 = vector.broadcast %broadcast_in_dim3A_1081 : i32 to vector<16xi32>
      %gather3A_1083 = tpu.vector_load_idx %arg6[%add3A_986, %broadcast_in_dim3A_1082] : memref<512x16xf32, #tpu.memory_space<vmem>>[vector<16xi32>, vector<16xi32>], vector<16xf32>,
      %add3A_1084 = arith.addf %add3A_1077, %gather3A_1083 : vector<16xf32>
      %lt3A_1085 = arith.cmpf olt, %add3A_1084, %broadcast_in_dim3A_3 : vector<16xf32>
      %select_n3A_1086 = arith.select %lt3A_1085, %broadcast_in_dim3A_5, %broadcast_in_dim3A_7 : vector<16xi1>, vector<16xi32>
      %add3A_1087 = arith.addi %add3A_1080, %select_n3A_1086 : vector<16xi32>
      %broadcast_in_dim3A_1088 = arith.constant 15 : i32
      %broadcast_in_dim3A_1089 = vector.broadcast %broadcast_in_dim3A_1088 : i32 to vector<16xi32>
      %gather3A_1090 = tpu.vector_load_idx %arg6[%add3A_986, %broadcast_in_dim3A_1089] : memref<512x16xf32, #tpu.memory_space<vmem>>[vector<16xi32>, vector<16xi32>], vector<16xf32>,
      %add3A_1091 = arith.addf %add3A_1084, %gather3A_1090 : vector<16xf32>
      %lt3A_1092 = arith.cmpf olt, %add3A_1091, %broadcast_in_dim3A_3 : vector<16xf32>
      %select_n3A_1093 = arith.select %lt3A_1092, %broadcast_in_dim3A_5, %broadcast_in_dim3A_7 : vector<16xi1>, vector<16xi32>
      %add3A_1094 = arith.addi %add3A_1087, %select_n3A_1093 : vector<16xi32>
      %mul3A_1095 = arith.constant 16 : i32
      %mul3A_1096 = arith.muli %scan3A_979, %mul3A_1095 : i32
      %swap3A_1097 = arith.index_cast %scan3A_173 : i32 to index
      %swap3A_1098 = arith.index_cast %mul3A_1096 : i32 to index
      %swap3A_1099 = tpu.vector_load %arg9[%swap3A_1097, %swap3A_1098] {strides = array<i32>} : memref<4x128xi32, #tpu.memory_space<vmem>>, vector<16xi32>,
      tpu.vector_store %arg9[%swap3A_1097, %swap3A_1098], %add3A_1094 {strides = array<i32>} : memref<4x128xi32, #tpu.memory_space<vmem>>, vector<16xi32>,
      %add3A_1100 = arith.addi %mul3A_2, %add3A_984 : i32
      %add3A_1101 = vector.broadcast %add3A_1100 : i32 to vector<16xi32>
      %add3A_1102 = arith.addi %add3A_1101, %iota3A : vector<16xi32>
      %mul3A_1103 = arith.constant 256 : i32
      %mul3A_1104 = vector.broadcast %mul3A_1103 : i32 to vector<16xi32>
      %mul3A_1105 = arith.muli %add3A_1102, %mul3A_1104 : vector<16xi32>
      %add3A_1106 = arith.addi %mul3A_1105, %add3A_1094 : vector<16xi32>
      %swap3A_1107 = arith.index_cast %scan3A_173 : i32 to index
      %swap3A_1108 = arith.index_cast %mul3A_1096 : i32 to index
      %swap3A_1109 = tpu.vector_load %arg8[%swap3A_1107, %swap3A_1108] {strides = array<i32>} : memref<4x128xi32, #tpu.memory_space<vmem>>, vector<16xi32>,
      tpu.vector_store %arg8[%swap3A_1107, %swap3A_1108], %add3A_1106 {strides = array<i32>} : memref<4x128xi32, #tpu.memory_space<vmem>>, vector<16xi32>,
      %lt3A_1110 = arith.cmpf olt, %add3A_1091, %broadcast_in_dim3A_3 : vector<16xf32>
      %reduce_or3A = arith.constant 1.000000e+00 : f32
      %reduce_or3A_1111 = arith.constant 0.000000e+00 : f32
      %reduce_or3A_1112 = vector.broadcast %reduce_or3A : f32 to vector<16xf32>
      %reduce_or3A_1113 = vector.broadcast %reduce_or3A_1111 : f32 to vector<16xf32>
      %reduce_or3A_1114 = arith.select %lt3A_1110, %reduce_or3A_1112, %reduce_or3A_1113 : vector<16xi1>, vector<16xf32>
      %reduce_or3A_1115 = arith.constant true
      %reduce_or3A_1116 = vector.broadcast %reduce_or3A_1115 : i1 to vector<16xi1>
      %reduce_or3A_1117 = tpu.scan <max>, %reduce_or3A_1114 masked %reduce_or3A_1116 : vector<16xf32>, vector<16xi1> -> vector<16xf32>
      %reduce_or3A_1118 = vector.extract %reduce_or3A_1117[15] : f32 from vector<16xf32>
      %reduce_or3A_1119 = arith.constant 0.000000e+00 : f32
      %reduce_or3A_1120 = arith.cmpf ogt, %reduce_or3A_1118, %reduce_or3A_1119 : f32
      %convert_element_type3A = arith.extui %reduce_or3A_1120 : i1 to i32
      %cond3A = arith.constant 0 : i32
      %cond3A_1121 = arith.cmpi ne, %convert_element_type3A, %cond3A : i32
      scf.if %cond3A_1121 {
        %add3A_1122 = arith.addi %mul3A_2, %add3A_984 : i32
        "tpu.region"() ({
          %run_scoped3A = tpu.sem_alloc : memref<!tpu.dma_semaphore, #tpu.memory_space<semaphore_mem>>
          %dma_start3A_1144 = arith.constant 16 : i32
          %dma_start3A_1145 = tpu.memref_slice %arg2[%add3A_1122, %dma_start3A_1144] : memref<16384x256xf32, #tpu.memory_space<hbm>> -> memref<16x240xf32, #tpu.memory_space<hbm>>
          %dma_start3A_1146 = arith.constant 16 : i32
          %dma_start3A_1147 = tpu.memref_slice %arg2[%add3A_1122, %dma_start3A_1146] : memref<16384x256xf32, #tpu.memory_space<hbm>> -> memref<16x240xf32, #tpu.memory_space<hbm>>
          tpu.enqueue_dma source(%dma_start3A_1147 : memref<16x240xf32, #tpu.memory_space<hbm>>) target(%arg7 : memref<16x240xf32, #tpu.memory_space<vmem>>) target_semaphore(%run_scoped3A : memref<!tpu.dma_semaphore, #tpu.memory_space<semaphore_mem>>)
          %dma_wait3A_1148 = arith.constant 16 : i32
          %dma_wait3A_1149 = tpu.memref_slice %arg2[%add3A_1122, %dma_wait3A_1148] : memref<16384x256xf32, #tpu.memory_space<hbm>> -> memref<16x240xf32, #tpu.memory_space<hbm>>
          %dma_wait3A_1150 = arith.constant 16 : i32
          %dma_wait3A_1151 = tpu.memref_slice %arg2[%add3A_1122, %dma_wait3A_1150] : memref<16384x256xf32, #tpu.memory_space<hbm>> -> memref<16x240xf32, #tpu.memory_space<hbm>>
          tpu.wait_dma2 semaphore(%run_scoped3A : memref<!tpu.dma_semaphore, #tpu.memory_space<semaphore_mem>>) src(%dma_wait3A_1151 : memref<16x240xf32, #tpu.memory_space<hbm>>) dst(%arg7 : memref<16x240xf32, #tpu.memory_space<vmem>>)
          tpu.yield
        }) : () -> ()
        %scan3A_1123 = arith.constant 0 : i32
        %scan3A_1124 = arith.constant 240 : i32
        %scan3A_1125 = arith.addi %scan3A_1123, %scan3A_1124 : i32
        %scan3A_1126 = arith.constant 1 : i32
        %scan3A_1127:2 = scf.for %scan3A_1144 = %scan3A_1123 to %scan3A_1125 step %scan3A_1126 iter_args(%scan3A_1145 = %add3A_1091, %scan3A_1146 = %add3A_1094) -> (vector<16xf32>, vector<16xi32>)  : i32 {
          %broadcast_in_dim3A_1147 = vector.broadcast %scan3A_1144 : i32 to vector<16xi32>
          %gather3A_1148 = tpu.vector_load_idx %arg7[%iota3A, %broadcast_in_dim3A_1147] : memref<16x240xf32, #tpu.memory_space<vmem>>[vector<16xi32>, vector<16xi32>], vector<16xf32>,
          %add3A_1149 = arith.addf %scan3A_1145, %gather3A_1148 : vector<16xf32>
          %lt3A_1150 = arith.cmpf olt, %add3A_1149, %broadcast_in_dim3A_3 : vector<16xf32>
          %select_n3A_1151 = arith.select %lt3A_1150, %broadcast_in_dim3A_5, %broadcast_in_dim3A_7 : vector<16xi1>, vector<16xi32>
          %add3A_1152 = arith.addi %scan3A_1146, %select_n3A_1151 : vector<16xi32>
          scf.yield %add3A_1149, %add3A_1152 : vector<16xf32>, vector<16xi32>
        }
        %scan3A_1128 = arith.constant 240 : i32
        %swap3A_1129 = arith.index_cast %scan3A_173 : i32 to index
        %swap3A_1130 = arith.index_cast %mul3A_1096 : i32 to index
        %swap3A_1131 = tpu.vector_load %arg9[%swap3A_1129, %swap3A_1130] {strides = array<i32>} : memref<4x128xi32, #tpu.memory_space<vmem>>, vector<16xi32>,
        tpu.vector_store %arg9[%swap3A_1129, %swap3A_1130], %scan3A_1127#1 {strides = array<i32>} : memref<4x128xi32, #tpu.memory_space<vmem>>, vector<16xi32>,
        %add3A_1132 = arith.addi %mul3A_2, %add3A_984 : i32
        %add3A_1133 = vector.broadcast %add3A_1132 : i32 to vector<16xi32>
        %add3A_1134 = arith.addi %add3A_1133, %iota3A : vector<16xi32>
        %mul3A_1135 = arith.constant 256 : i32
        %mul3A_1136 = vector.broadcast %mul3A_1135 : i32 to vector<16xi32>
        %mul3A_1137 = arith.muli %add3A_1134, %mul3A_1136 : vector<16xi32>
        %min3A = arith.constant 255 : i32
        %min3A_1138 = vector.broadcast %min3A : i32 to vector<16xi32>
        %min3A_1139 = arith.minsi %scan3A_1127#1, %min3A_1138 : vector<16xi32>
        %add3A_1140 = arith.addi %mul3A_1137, %min3A_1139 : vector<16xi32>
        %swap3A_1141 = arith.index_cast %scan3A_173 : i32 to index
        %swap3A_1142 = arith.index_cast %mul3A_1096 : i32 to index
        %swap3A_1143 = tpu.vector_load %arg8[%swap3A_1141, %swap3A_1142] {strides = array<i32>} : memref<4x128xi32, #tpu.memory_space<vmem>>, vector<16xi32>,
        tpu.vector_store %arg8[%swap3A_1141, %swap3A_1142], %add3A_1140 {strides = array<i32>} : memref<4x128xi32, #tpu.memory_space<vmem>>, vector<16xi32>,
      } else {
      }
    }
    %scan3A_178 = arith.constant 8 : i32
    %dma_start3A_179 = arith.constant 3 : i32
    %dma_start3A_180 = arith.constant 3 : i32
    %dma_start3A_181 = arith.constant 0 : i32
    %dma_start3A_182 = tpu.memref_slice %arg10[%dma_start3A_180, %dma_start3A_181] : memref<4x128xf32, #tpu.memory_space<vmem>> -> memref<1x128xf32, #tpu.memory_space<vmem>>
    %dma_start3A_183 = tpu.memref_squeeze %dma_start3A_182 : memref<1x128xf32, #tpu.memory_space<vmem>> -> memref<128xf32, #tpu.memory_space<vmem>>
    %dma_start3A_184 = arith.constant 0 : i32
    %dma_start3A_185 = tpu.memref_slice %arg8[%dma_start3A_179, %dma_start3A_184] : memref<4x128xi32, #tpu.memory_space<vmem>> -> memref<1x128xi32, #tpu.memory_space<vmem>>
    %dma_start3A_186 = tpu.memref_squeeze %dma_start3A_185 : memref<1x128xi32, #tpu.memory_space<vmem>> -> memref<128xi32, #tpu.memory_space<vmem>>
    %dma_start3A_187 = arith.constant 0 : i32
    %dma_start3A_188 = tpu.memref_slice %arg3[%dma_start3A_187] : memref<4194304xf32, #tpu.memory_space<hbm>> -> memref<4194304xf32, #tpu.memory_space<hbm>>
    tpu.enqueue_indirect_dma source(%dma_start3A_188 : memref<4194304xf32, #tpu.memory_space<hbm>>) target(%dma_start3A_183 : memref<128xf32, #tpu.memory_space<vmem>>) offsets(%dma_start3A_186 : memref<128xi32, #tpu.memory_space<vmem>>) semaphore(%arg14 : memref<!tpu.dma_semaphore, #tpu.memory_space<semaphore_mem>>)
    %dma_start3A_189 = arith.constant 3 : i32
    %dma_start3A_190 = arith.constant 3 : i32
    %dma_start3A_191 = arith.constant 0 : i32
    %dma_start3A_192 = tpu.memref_slice %arg11[%dma_start3A_190, %dma_start3A_191] : memref<4x128xf32, #tpu.memory_space<vmem>> -> memref<1x128xf32, #tpu.memory_space<vmem>>
    %dma_start3A_193 = tpu.memref_squeeze %dma_start3A_192 : memref<1x128xf32, #tpu.memory_space<vmem>> -> memref<128xf32, #tpu.memory_space<vmem>>
    %dma_start3A_194 = arith.constant 0 : i32
    %dma_start3A_195 = tpu.memref_slice %arg8[%dma_start3A_189, %dma_start3A_194] : memref<4x128xi32, #tpu.memory_space<vmem>> -> memref<1x128xi32, #tpu.memory_space<vmem>>
    %dma_start3A_196 = tpu.memref_squeeze %dma_start3A_195 : memref<1x128xi32, #tpu.memory_space<vmem>> -> memref<128xi32, #tpu.memory_space<vmem>>
    %dma_start3A_197 = arith.constant 0 : i32
    %dma_start3A_198 = tpu.memref_slice %arg4[%dma_start3A_197] : memref<4194304xf32, #tpu.memory_space<hbm>> -> memref<4194304xf32, #tpu.memory_space<hbm>>
    tpu.enqueue_indirect_dma source(%dma_start3A_198 : memref<4194304xf32, #tpu.memory_space<hbm>>) target(%dma_start3A_193 : memref<128xf32, #tpu.memory_space<vmem>>) offsets(%dma_start3A_196 : memref<128xi32, #tpu.memory_space<vmem>>) semaphore(%arg14 : memref<!tpu.dma_semaphore, #tpu.memory_space<semaphore_mem>>)
    %dma_wait3A_199 = arith.constant 0 : i32
    %dma_wait3A_200 = arith.constant 0 : i32
    %dma_wait3A_201 = arith.constant 0 : i32
    %dma_wait3A_202 = tpu.memref_slice %arg10[%dma_wait3A_200, %dma_wait3A_201] : memref<4x128xf32, #tpu.memory_space<vmem>> -> memref<1x128xf32, #tpu.memory_space<vmem>>
    %dma_wait3A_203 = tpu.memref_squeeze %dma_wait3A_202 : memref<1x128xf32, #tpu.memory_space<vmem>> -> memref<128xf32, #tpu.memory_space<vmem>>
    %dma_wait3A_204 = arith.constant 0 : i32
    %dma_wait3A_205 = tpu.memref_slice %arg8[%dma_wait3A_199, %dma_wait3A_204] : memref<4x128xi32, #tpu.memory_space<vmem>> -> memref<1x128xi32, #tpu.memory_space<vmem>>
    %dma_wait3A_206 = tpu.memref_squeeze %dma_wait3A_205 : memref<1x128xi32, #tpu.memory_space<vmem>> -> memref<128xi32, #tpu.memory_space<vmem>>
    %dma_wait3A_207 = arith.constant 0 : i32
    %dma_wait3A_208 = tpu.memref_slice %arg3[%dma_wait3A_207] : memref<4194304xf32, #tpu.memory_space<hbm>> -> memref<4194304xf32, #tpu.memory_space<hbm>>
    tpu.wait_indirect_dma semaphore(%arg14 : memref<!tpu.dma_semaphore, #tpu.memory_space<semaphore_mem>>) src(%dma_wait3A_208 : memref<4194304xf32, #tpu.memory_space<hbm>>) dst(%dma_wait3A_203 : memref<128xf32, #tpu.memory_space<vmem>>)
    %dma_wait3A_209 = arith.constant 0 : i32
    %dma_wait3A_210 = arith.constant 0 : i32
    %dma_wait3A_211 = arith.constant 0 : i32
    %dma_wait3A_212 = tpu.memref_slice %arg11[%dma_wait3A_210, %dma_wait3A_211] : memref<4x128xf32, #tpu.memory_space<vmem>> -> memref<1x128xf32, #tpu.memory_space<vmem>>
    %dma_wait3A_213 = tpu.memref_squeeze %dma_wait3A_212 : memref<1x128xf32, #tpu.memory_space<vmem>> -> memref<128xf32, #tpu.memory_space<vmem>>
    %dma_wait3A_214 = arith.constant 0 : i32
    %dma_wait3A_215 = tpu.memref_slice %arg8[%dma_wait3A_209, %dma_wait3A_214] : memref<4x128xi32, #tpu.memory_space<vmem>> -> memref<1x128xi32, #tpu.memory_space<vmem>>
    %dma_wait3A_216 = tpu.memref_squeeze %dma_wait3A_215 : memref<1x128xi32, #tpu.memory_space<vmem>> -> memref<128xi32, #tpu.memory_space<vmem>>
    %dma_wait3A_217 = arith.constant 0 : i32
    %dma_wait3A_218 = tpu.memref_slice %arg4[%dma_wait3A_217] : memref<4194304xf32, #tpu.memory_space<hbm>> -> memref<4194304xf32, #tpu.memory_space<hbm>>
    tpu.wait_indirect_dma semaphore(%arg14 : memref<!tpu.dma_semaphore, #tpu.memory_space<semaphore_mem>>) src(%dma_wait3A_218 : memref<4194304xf32, #tpu.memory_space<hbm>>) dst(%dma_wait3A_213 : memref<128xf32, #tpu.memory_space<vmem>>)
    %dma_wait3A_219 = arith.constant 1 : i32
    %dma_wait3A_220 = arith.constant 1 : i32
    %dma_wait3A_221 = arith.constant 0 : i32
    %dma_wait3A_222 = tpu.memref_slice %arg10[%dma_wait3A_220, %dma_wait3A_221] : memref<4x128xf32, #tpu.memory_space<vmem>> -> memref<1x128xf32, #tpu.memory_space<vmem>>
    %dma_wait3A_223 = tpu.memref_squeeze %dma_wait3A_222 : memref<1x128xf32, #tpu.memory_space<vmem>> -> memref<128xf32, #tpu.memory_space<vmem>>
    %dma_wait3A_224 = arith.constant 0 : i32
    %dma_wait3A_225 = tpu.memref_slice %arg8[%dma_wait3A_219, %dma_wait3A_224] : memref<4x128xi32, #tpu.memory_space<vmem>> -> memref<1x128xi32, #tpu.memory_space<vmem>>
    %dma_wait3A_226 = tpu.memref_squeeze %dma_wait3A_225 : memref<1x128xi32, #tpu.memory_space<vmem>> -> memref<128xi32, #tpu.memory_space<vmem>>
    %dma_wait3A_227 = arith.constant 0 : i32
    %dma_wait3A_228 = tpu.memref_slice %arg3[%dma_wait3A_227] : memref<4194304xf32, #tpu.memory_space<hbm>> -> memref<4194304xf32, #tpu.memory_space<hbm>>
    tpu.wait_indirect_dma semaphore(%arg14 : memref<!tpu.dma_semaphore, #tpu.memory_space<semaphore_mem>>) src(%dma_wait3A_228 : memref<4194304xf32, #tpu.memory_space<hbm>>) dst(%dma_wait3A_223 : memref<128xf32, #tpu.memory_space<vmem>>)
    %dma_wait3A_229 = arith.constant 1 : i32
    %dma_wait3A_230 = arith.constant 1 : i32
    %dma_wait3A_231 = arith.constant 0 : i32
    %dma_wait3A_232 = tpu.memref_slice %arg11[%dma_wait3A_230, %dma_wait3A_231] : memref<4x128xf32, #tpu.memory_space<vmem>> -> memref<1x128xf32, #tpu.memory_space<vmem>>
    %dma_wait3A_233 = tpu.memref_squeeze %dma_wait3A_232 : memref<1x128xf32, #tpu.memory_space<vmem>> -> memref<128xf32, #tpu.memory_space<vmem>>
    %dma_wait3A_234 = arith.constant 0 : i32
    %dma_wait3A_235 = tpu.memref_slice %arg8[%dma_wait3A_229, %dma_wait3A_234] : memref<4x128xi32, #tpu.memory_space<vmem>> -> memref<1x128xi32, #tpu.memory_space<vmem>>
    %dma_wait3A_236 = tpu.memref_squeeze %dma_wait3A_235 : memref<1x128xi32, #tpu.memory_space<vmem>> -> memref<128xi32, #tpu.memory_space<vmem>>
    %dma_wait3A_237 = arith.constant 0 : i32
    %dma_wait3A_238 = tpu.memref_slice %arg4[%dma_wait3A_237] : memref<4194304xf32, #tpu.memory_space<hbm>> -> memref<4194304xf32, #tpu.memory_space<hbm>>
    tpu.wait_indirect_dma semaphore(%arg14 : memref<!tpu.dma_semaphore, #tpu.memory_space<semaphore_mem>>) src(%dma_wait3A_238 : memref<4194304xf32, #tpu.memory_space<hbm>>) dst(%dma_wait3A_233 : memref<128xf32, #tpu.memory_space<vmem>>)
    %dma_wait3A_239 = arith.constant 2 : i32
    %dma_wait3A_240 = arith.constant 2 : i32
    %dma_wait3A_241 = arith.constant 0 : i32
    %dma_wait3A_242 = tpu.memref_slice %arg10[%dma_wait3A_240, %dma_wait3A_241] : memref<4x128xf32, #tpu.memory_space<vmem>> -> memref<1x128xf32, #tpu.memory_space<vmem>>
    %dma_wait3A_243 = tpu.memref_squeeze %dma_wait3A_242 : memref<1x128xf32, #tpu.memory_space<vmem>> -> memref<128xf32, #tpu.memory_space<vmem>>
    %dma_wait3A_244 = arith.constant 0 : i32
    %dma_wait3A_245 = tpu.memref_slice %arg8[%dma_wait3A_239, %dma_wait3A_244] : memref<4x128xi32, #tpu.memory_space<vmem>> -> memref<1x128xi32, #tpu.memory_space<vmem>>
    %dma_wait3A_246 = tpu.memref_squeeze %dma_wait3A_245 : memref<1x128xi32, #tpu.memory_space<vmem>> -> memref<128xi32, #tpu.memory_space<vmem>>
    %dma_wait3A_247 = arith.constant 0 : i32
    %dma_wait3A_248 = tpu.memref_slice %arg3[%dma_wait3A_247] : memref<4194304xf32, #tpu.memory_space<hbm>> -> memref<4194304xf32, #tpu.memory_space<hbm>>
    tpu.wait_indirect_dma semaphore(%arg14 : memref<!tpu.dma_semaphore, #tpu.memory_space<semaphore_mem>>) src(%dma_wait3A_248 : memref<4194304xf32, #tpu.memory_space<hbm>>) dst(%dma_wait3A_243 : memref<128xf32, #tpu.memory_space<vmem>>)
    %dma_wait3A_249 = arith.constant 2 : i32
    %dma_wait3A_250 = arith.constant 2 : i32
    %dma_wait3A_251 = arith.constant 0 : i32
    %dma_wait3A_252 = tpu.memref_slice %arg11[%dma_wait3A_250, %dma_wait3A_251] : memref<4x128xf32, #tpu.memory_space<vmem>> -> memref<1x128xf32, #tpu.memory_space<vmem>>
    %dma_wait3A_253 = tpu.memref_squeeze %dma_wait3A_252 : memref<1x128xf32, #tpu.memory_space<vmem>> -> memref<128xf32, #tpu.memory_space<vmem>>
    %dma_wait3A_254 = arith.constant 0 : i32
    %dma_wait3A_255 = tpu.memref_slice %arg8[%dma_wait3A_249, %dma_wait3A_254] : memref<4x128xi32, #tpu.memory_space<vmem>> -> memref<1x128xi32, #tpu.memory_space<vmem>>
    %dma_wait3A_256 = tpu.memref_squeeze %dma_wait3A_255 : memref<1x128xi32, #tpu.memory_space<vmem>> -> memref<128xi32, #tpu.memory_space<vmem>>
    %dma_wait3A_257 = arith.constant 0 : i32
    %dma_wait3A_258 = tpu.memref_slice %arg4[%dma_wait3A_257] : memref<4194304xf32, #tpu.memory_space<hbm>> -> memref<4194304xf32, #tpu.memory_space<hbm>>
    tpu.wait_indirect_dma semaphore(%arg14 : memref<!tpu.dma_semaphore, #tpu.memory_space<semaphore_mem>>) src(%dma_wait3A_258 : memref<4194304xf32, #tpu.memory_space<hbm>>) dst(%dma_wait3A_253 : memref<128xf32, #tpu.memory_space<vmem>>)
    %dma_wait3A_259 = arith.constant 3 : i32
    %dma_wait3A_260 = arith.constant 3 : i32
    %dma_wait3A_261 = arith.constant 0 : i32
    %dma_wait3A_262 = tpu.memref_slice %arg10[%dma_wait3A_260, %dma_wait3A_261] : memref<4x128xf32, #tpu.memory_space<vmem>> -> memref<1x128xf32, #tpu.memory_space<vmem>>
    %dma_wait3A_263 = tpu.memref_squeeze %dma_wait3A_262 : memref<1x128xf32, #tpu.memory_space<vmem>> -> memref<128xf32, #tpu.memory_space<vmem>>
    %dma_wait3A_264 = arith.constant 0 : i32
    %dma_wait3A_265 = tpu.memref_slice %arg8[%dma_wait3A_259, %dma_wait3A_264] : memref<4x128xi32, #tpu.memory_space<vmem>> -> memref<1x128xi32, #tpu.memory_space<vmem>>
    %dma_wait3A_266 = tpu.memref_squeeze %dma_wait3A_265 : memref<1x128xi32, #tpu.memory_space<vmem>> -> memref<128xi32, #tpu.memory_space<vmem>>
    %dma_wait3A_267 = arith.constant 0 : i32
    %dma_wait3A_268 = tpu.memref_slice %arg3[%dma_wait3A_267] : memref<4194304xf32, #tpu.memory_space<hbm>> -> memref<4194304xf32, #tpu.memory_space<hbm>>
    tpu.wait_indirect_dma semaphore(%arg14 : memref<!tpu.dma_semaphore, #tpu.memory_space<semaphore_mem>>) src(%dma_wait3A_268 : memref<4194304xf32, #tpu.memory_space<hbm>>) dst(%dma_wait3A_263 : memref<128xf32, #tpu.memory_space<vmem>>)
    %dma_wait3A_269 = arith.constant 3 : i32
    %dma_wait3A_270 = arith.constant 3 : i32
    %dma_wait3A_271 = arith.constant 0 : i32
    %dma_wait3A_272 = tpu.memref_slice %arg11[%dma_wait3A_270, %dma_wait3A_271] : memref<4x128xf32, #tpu.memory_space<vmem>> -> memref<1x128xf32, #tpu.memory_space<vmem>>
    %dma_wait3A_273 = tpu.memref_squeeze %dma_wait3A_272 : memref<1x128xf32, #tpu.memory_space<vmem>> -> memref<128xf32, #tpu.memory_space<vmem>>
    %dma_wait3A_274 = arith.constant 0 : i32
    %dma_wait3A_275 = tpu.memref_slice %arg8[%dma_wait3A_269, %dma_wait3A_274] : memref<4x128xi32, #tpu.memory_space<vmem>> -> memref<1x128xi32, #tpu.memory_space<vmem>>
    %dma_wait3A_276 = tpu.memref_squeeze %dma_wait3A_275 : memref<1x128xi32, #tpu.memory_space<vmem>> -> memref<128xi32, #tpu.memory_space<vmem>>
    %dma_wait3A_277 = arith.constant 0 : i32
    %dma_wait3A_278 = tpu.memref_slice %arg4[%dma_wait3A_277] : memref<4194304xf32, #tpu.memory_space<hbm>> -> memref<4194304xf32, #tpu.memory_space<hbm>>
    tpu.wait_indirect_dma semaphore(%arg14 : memref<!tpu.dma_semaphore, #tpu.memory_space<semaphore_mem>>) src(%dma_wait3A_278 : memref<4194304xf32, #tpu.memory_space<hbm>>) dst(%dma_wait3A_273 : memref<128xf32, #tpu.memory_space<vmem>>)
    %get3A = arith.constant 0 : i32
    %get3A_279 = arith.index_cast %get3A : i32 to index
    %get3A_280 = arith.constant 0 : index
    %get3A_281 = tpu.vector_load %arg10[%get3A_279, %get3A_280] {strides = array<i32>} : memref<4x128xf32, #tpu.memory_space<vmem>>, vector<16xf32>,
    %get3A_282 = arith.constant 0 : i32
    %get3A_283 = arith.index_cast %get3A_282 : i32 to index
    %get3A_284 = arith.constant 0 : index
    %get3A_285 = tpu.vector_load %arg11[%get3A_283, %get3A_284] {strides = array<i32>} : memref<4x128xf32, #tpu.memory_space<vmem>>, vector<16xf32>,
    %get3A_286 = arith.constant 0 : i32
    %get3A_287 = arith.index_cast %get3A_286 : i32 to index
    %get3A_288 = arith.constant 0 : index
    %get3A_289 = tpu.vector_load %arg9[%get3A_287, %get3A_288] {strides = array<i32>} : memref<4x128xi32, #tpu.memory_space<vmem>>, vector<16xi32>,
    %add3A_290 = arith.addf %get3A_281, %get3A_285 : vector<16xf32>
    %mul3A_291 = arith.constant 5.000000e-01 : f32
    %mul3A_292 = vector.broadcast %mul3A_291 : f32 to vector<16xf32>
    %mul3A_293 = arith.mulf %add3A_290, %mul3A_292 : vector<16xf32>
    %ge3A = arith.constant 256 : i32
    %ge3A_294 = vector.broadcast %ge3A : i32 to vector<16xi32>
    %ge3A_295 = arith.cmpi sge, %get3A_289, %ge3A_294 : vector<16xi32>
    %select_n3A = arith.select %ge3A_295, %broadcast_in_dim3A_9, %mul3A_293 : vector<16xi1>, vector<16xf32>
    %swap3A = arith.constant 0 : index
    %swap3A_296 = tpu.vector_load %arg12[%swap3A] {strides = array<i32>} : memref<512xf32, #tpu.memory_space<vmem>>, vector<16xf32>,
    tpu.vector_store %arg12[%swap3A], %select_n3A {strides = array<i32>} : memref<512xf32, #tpu.memory_space<vmem>>, vector<16xf32>,
    %get3A_297 = arith.constant 0 : i32
    %get3A_298 = arith.index_cast %get3A_297 : i32 to index
    %get3A_299 = arith.constant 16 : index
    %get3A_300 = tpu.vector_load %arg10[%get3A_298, %get3A_299] {strides = array<i32>} : memref<4x128xf32, #tpu.memory_space<vmem>>, vector<16xf32>,
    %get3A_301 = arith.constant 0 : i32
    %get3A_302 = arith.index_cast %get3A_301 : i32 to index
    %get3A_303 = arith.constant 16 : index
    %get3A_304 = tpu.vector_load %arg11[%get3A_302, %get3A_303] {strides = array<i32>} : memref<4x128xf32, #tpu.memory_space<vmem>>, vector<16xf32>,
    %get3A_305 = arith.constant 0 : i32
    %get3A_306 = arith.index_cast %get3A_305 : i32 to index
    %get3A_307 = arith.constant 16 : index
    %get3A_308 = tpu.vector_load %arg9[%get3A_306, %get3A_307] {strides = array<i32>} : memref<4x128xi32, #tpu.memory_space<vmem>>, vector<16xi32>,
    %add3A_309 = arith.addf %get3A_300, %get3A_304 : vector<16xf32>
    %mul3A_310 = arith.constant 5.000000e-01 : f32
    %mul3A_311 = vector.broadcast %mul3A_310 : f32 to vector<16xf32>
    %mul3A_312 = arith.mulf %add3A_309, %mul3A_311 : vector<16xf32>
    %ge3A_313 = arith.constant 256 : i32
    %ge3A_314 = vector.broadcast %ge3A_313 : i32 to vector<16xi32>
    %ge3A_315 = arith.cmpi sge, %get3A_308, %ge3A_314 : vector<16xi32>
    %select_n3A_316 = arith.select %ge3A_315, %broadcast_in_dim3A_9, %mul3A_312 : vector<16xi1>, vector<16xf32>
    %swap3A_317 = arith.constant 16 : index
    %swap3A_318 = tpu.vector_load %arg12[%swap3A_317] {strides = array<i32>} : memref<512xf32, #tpu.memory_space<vmem>>, vector<16xf32>,
    tpu.vector_store %arg12[%swap3A_317], %select_n3A_316 {strides = array<i32>} : memref<512xf32, #tpu.memory_space<vmem>>, vector<16xf32>,
    %get3A_319 = arith.constant 0 : i32
    %get3A_320 = arith.index_cast %get3A_319 : i32 to index
    %get3A_321 = arith.constant 32 : index
    %get3A_322 = tpu.vector_load %arg10[%get3A_320, %get3A_321] {strides = array<i32>} : memref<4x128xf32, #tpu.memory_space<vmem>>, vector<16xf32>,
    %get3A_323 = arith.constant 0 : i32
    %get3A_324 = arith.index_cast %get3A_323 : i32 to index
    %get3A_325 = arith.constant 32 : index
    %get3A_326 = tpu.vector_load %arg11[%get3A_324, %get3A_325] {strides = array<i32>} : memref<4x128xf32, #tpu.memory_space<vmem>>, vector<16xf32>,
    %get3A_327 = arith.constant 0 : i32
    %get3A_328 = arith.index_cast %get3A_327 : i32 to index
    %get3A_329 = arith.constant 32 : index
    %get3A_330 = tpu.vector_load %arg9[%get3A_328, %get3A_329] {strides = array<i32>} : memref<4x128xi32, #tpu.memory_space<vmem>>, vector<16xi32>,
    %add3A_331 = arith.addf %get3A_322, %get3A_326 : vector<16xf32>
    %mul3A_332 = arith.constant 5.000000e-01 : f32
    %mul3A_333 = vector.broadcast %mul3A_332 : f32 to vector<16xf32>
    %mul3A_334 = arith.mulf %add3A_331, %mul3A_333 : vector<16xf32>
    %ge3A_335 = arith.constant 256 : i32
    %ge3A_336 = vector.broadcast %ge3A_335 : i32 to vector<16xi32>
    %ge3A_337 = arith.cmpi sge, %get3A_330, %ge3A_336 : vector<16xi32>
    %select_n3A_338 = arith.select %ge3A_337, %broadcast_in_dim3A_9, %mul3A_334 : vector<16xi1>, vector<16xf32>
    %swap3A_339 = arith.constant 32 : index
    %swap3A_340 = tpu.vector_load %arg12[%swap3A_339] {strides = array<i32>} : memref<512xf32, #tpu.memory_space<vmem>>, vector<16xf32>,
    tpu.vector_store %arg12[%swap3A_339], %select_n3A_338 {strides = array<i32>} : memref<512xf32, #tpu.memory_space<vmem>>, vector<16xf32>,
    %get3A_341 = arith.constant 0 : i32
    %get3A_342 = arith.index_cast %get3A_341 : i32 to index
    %get3A_343 = arith.constant 48 : index
    %get3A_344 = tpu.vector_load %arg10[%get3A_342, %get3A_343] {strides = array<i32>} : memref<4x128xf32, #tpu.memory_space<vmem>>, vector<16xf32>,
    %get3A_345 = arith.constant 0 : i32
    %get3A_346 = arith.index_cast %get3A_345 : i32 to index
    %get3A_347 = arith.constant 48 : index
    %get3A_348 = tpu.vector_load %arg11[%get3A_346, %get3A_347] {strides = array<i32>} : memref<4x128xf32, #tpu.memory_space<vmem>>, vector<16xf32>,
    %get3A_349 = arith.constant 0 : i32
    %get3A_350 = arith.index_cast %get3A_349 : i32 to index
    %get3A_351 = arith.constant 48 : index
    %get3A_352 = tpu.vector_load %arg9[%get3A_350, %get3A_351] {strides = array<i32>} : memref<4x128xi32, #tpu.memory_space<vmem>>, vector<16xi32>,
    %add3A_353 = arith.addf %get3A_344, %get3A_348 : vector<16xf32>
    %mul3A_354 = arith.constant 5.000000e-01 : f32
    %mul3A_355 = vector.broadcast %mul3A_354 : f32 to vector<16xf32>
    %mul3A_356 = arith.mulf %add3A_353, %mul3A_355 : vector<16xf32>
    %ge3A_357 = arith.constant 256 : i32
    %ge3A_358 = vector.broadcast %ge3A_357 : i32 to vector<16xi32>
    %ge3A_359 = arith.cmpi sge, %get3A_352, %ge3A_358 : vector<16xi32>
    %select_n3A_360 = arith.select %ge3A_359, %broadcast_in_dim3A_9, %mul3A_356 : vector<16xi1>, vector<16xf32>
    %swap3A_361 = arith.constant 48 : index
    %swap3A_362 = tpu.vector_load %arg12[%swap3A_361] {strides = array<i32>} : memref<512xf32, #tpu.memory_space<vmem>>, vector<16xf32>,
    tpu.vector_store %arg12[%swap3A_361], %select_n3A_360 {strides = array<i32>} : memref<512xf32, #tpu.memory_space<vmem>>, vector<16xf32>,
    %get3A_363 = arith.constant 0 : i32
    %get3A_364 = arith.index_cast %get3A_363 : i32 to index
    %get3A_365 = arith.constant 64 : index
    %get3A_366 = tpu.vector_load %arg10[%get3A_364, %get3A_365] {strides = array<i32>} : memref<4x128xf32, #tpu.memory_space<vmem>>, vector<16xf32>,
    %get3A_367 = arith.constant 0 : i32
    %get3A_368 = arith.index_cast %get3A_367 : i32 to index
    %get3A_369 = arith.constant 64 : index
    %get3A_370 = tpu.vector_load %arg11[%get3A_368, %get3A_369] {strides = array<i32>} : memref<4x128xf32, #tpu.memory_space<vmem>>, vector<16xf32>,
    %get3A_371 = arith.constant 0 : i32
    %get3A_372 = arith.index_cast %get3A_371 : i32 to index
    %get3A_373 = arith.constant 64 : index
    %get3A_374 = tpu.vector_load %arg9[%get3A_372, %get3A_373] {strides = array<i32>} : memref<4x128xi32, #tpu.memory_space<vmem>>, vector<16xi32>,
    %add3A_375 = arith.addf %get3A_366, %get3A_370 : vector<16xf32>
    %mul3A_376 = arith.constant 5.000000e-01 : f32
    %mul3A_377 = vector.broadcast %mul3A_376 : f32 to vector<16xf32>
    %mul3A_378 = arith.mulf %add3A_375, %mul3A_377 : vector<16xf32>
    %ge3A_379 = arith.constant 256 : i32
    %ge3A_380 = vector.broadcast %ge3A_379 : i32 to vector<16xi32>
    %ge3A_381 = arith.cmpi sge, %get3A_374, %ge3A_380 : vector<16xi32>
    %select_n3A_382 = arith.select %ge3A_381, %broadcast_in_dim3A_9, %mul3A_378 : vector<16xi1>, vector<16xf32>
    %swap3A_383 = arith.constant 64 : index
    %swap3A_384 = tpu.vector_load %arg12[%swap3A_383] {strides = array<i32>} : memref<512xf32, #tpu.memory_space<vmem>>, vector<16xf32>,
    tpu.vector_store %arg12[%swap3A_383], %select_n3A_382 {strides = array<i32>} : memref<512xf32, #tpu.memory_space<vmem>>, vector<16xf32>,
    %get3A_385 = arith.constant 0 : i32
    %get3A_386 = arith.index_cast %get3A_385 : i32 to index
    %get3A_387 = arith.constant 80 : index
    %get3A_388 = tpu.vector_load %arg10[%get3A_386, %get3A_387] {strides = array<i32>} : memref<4x128xf32, #tpu.memory_space<vmem>>, vector<16xf32>,
    %get3A_389 = arith.constant 0 : i32
    %get3A_390 = arith.index_cast %get3A_389 : i32 to index
    %get3A_391 = arith.constant 80 : index
    %get3A_392 = tpu.vector_load %arg11[%get3A_390, %get3A_391] {strides = array<i32>} : memref<4x128xf32, #tpu.memory_space<vmem>>, vector<16xf32>,
    %get3A_393 = arith.constant 0 : i32
    %get3A_394 = arith.index_cast %get3A_393 : i32 to index
    %get3A_395 = arith.constant 80 : index
    %get3A_396 = tpu.vector_load %arg9[%get3A_394, %get3A_395] {strides = array<i32>} : memref<4x128xi32, #tpu.memory_space<vmem>>, vector<16xi32>,
    %add3A_397 = arith.addf %get3A_388, %get3A_392 : vector<16xf32>
    %mul3A_398 = arith.constant 5.000000e-01 : f32
    %mul3A_399 = vector.broadcast %mul3A_398 : f32 to vector<16xf32>
    %mul3A_400 = arith.mulf %add3A_397, %mul3A_399 : vector<16xf32>
    %ge3A_401 = arith.constant 256 : i32
    %ge3A_402 = vector.broadcast %ge3A_401 : i32 to vector<16xi32>
    %ge3A_403 = arith.cmpi sge, %get3A_396, %ge3A_402 : vector<16xi32>
    %select_n3A_404 = arith.select %ge3A_403, %broadcast_in_dim3A_9, %mul3A_400 : vector<16xi1>, vector<16xf32>
    %swap3A_405 = arith.constant 80 : index
    %swap3A_406 = tpu.vector_load %arg12[%swap3A_405] {strides = array<i32>} : memref<512xf32, #tpu.memory_space<vmem>>, vector<16xf32>,
    tpu.vector_store %arg12[%swap3A_405], %select_n3A_404 {strides = array<i32>} : memref<512xf32, #tpu.memory_space<vmem>>, vector<16xf32>,
    %get3A_407 = arith.constant 0 : i32
    %get3A_408 = arith.index_cast %get3A_407 : i32 to index
    %get3A_409 = arith.constant 96 : index
    %get3A_410 = tpu.vector_load %arg10[%get3A_408, %get3A_409] {strides = array<i32>} : memref<4x128xf32, #tpu.memory_space<vmem>>, vector<16xf32>,
    %get3A_411 = arith.constant 0 : i32
    %get3A_412 = arith.index_cast %get3A_411 : i32 to index
    %get3A_413 = arith.constant 96 : index
    %get3A_414 = tpu.vector_load %arg11[%get3A_412, %get3A_413] {strides = array<i32>} : memref<4x128xf32, #tpu.memory_space<vmem>>, vector<16xf32>,
    %get3A_415 = arith.constant 0 : i32
    %get3A_416 = arith.index_cast %get3A_415 : i32 to index
    %get3A_417 = arith.constant 96 : index
    %get3A_418 = tpu.vector_load %arg9[%get3A_416, %get3A_417] {strides = array<i32>} : memref<4x128xi32, #tpu.memory_space<vmem>>, vector<16xi32>,
    %add3A_419 = arith.addf %get3A_410, %get3A_414 : vector<16xf32>
    %mul3A_420 = arith.constant 5.000000e-01 : f32
    %mul3A_421 = vector.broadcast %mul3A_420 : f32 to vector<16xf32>
    %mul3A_422 = arith.mulf %add3A_419, %mul3A_421 : vector<16xf32>
    %ge3A_423 = arith.constant 256 : i32
    %ge3A_424 = vector.broadcast %ge3A_423 : i32 to vector<16xi32>
    %ge3A_425 = arith.cmpi sge, %get3A_418, %ge3A_424 : vector<16xi32>
    %select_n3A_426 = arith.select %ge3A_425, %broadcast_in_dim3A_9, %mul3A_422 : vector<16xi1>, vector<16xf32>
    %swap3A_427 = arith.constant 96 : index
    %swap3A_428 = tpu.vector_load %arg12[%swap3A_427] {strides = array<i32>} : memref<512xf32, #tpu.memory_space<vmem>>, vector<16xf32>,
    tpu.vector_store %arg12[%swap3A_427], %select_n3A_426 {strides = array<i32>} : memref<512xf32, #tpu.memory_space<vmem>>, vector<16xf32>,
    %get3A_429 = arith.constant 0 : i32
    %get3A_430 = arith.index_cast %get3A_429 : i32 to index
    %get3A_431 = arith.constant 112 : index
    %get3A_432 = tpu.vector_load %arg10[%get3A_430, %get3A_431] {strides = array<i32>} : memref<4x128xf32, #tpu.memory_space<vmem>>, vector<16xf32>,
    %get3A_433 = arith.constant 0 : i32
    %get3A_434 = arith.index_cast %get3A_433 : i32 to index
    %get3A_435 = arith.constant 112 : index
    %get3A_436 = tpu.vector_load %arg11[%get3A_434, %get3A_435] {strides = array<i32>} : memref<4x128xf32, #tpu.memory_space<vmem>>, vector<16xf32>,
    %get3A_437 = arith.constant 0 : i32
    %get3A_438 = arith.index_cast %get3A_437 : i32 to index
    %get3A_439 = arith.constant 112 : index
    %get3A_440 = tpu.vector_load %arg9[%get3A_438, %get3A_439] {strides = array<i32>} : memref<4x128xi32, #tpu.memory_space<vmem>>, vector<16xi32>,
    %add3A_441 = arith.addf %get3A_432, %get3A_436 : vector<16xf32>
    %mul3A_442 = arith.constant 5.000000e-01 : f32
    %mul3A_443 = vector.broadcast %mul3A_442 : f32 to vector<16xf32>
    %mul3A_444 = arith.mulf %add3A_441, %mul3A_443 : vector<16xf32>
    %ge3A_445 = arith.constant 256 : i32
    %ge3A_446 = vector.broadcast %ge3A_445 : i32 to vector<16xi32>
    %ge3A_447 = arith.cmpi sge, %get3A_440, %ge3A_446 : vector<16xi32>
    %select_n3A_448 = arith.select %ge3A_447, %broadcast_in_dim3A_9, %mul3A_444 : vector<16xi1>, vector<16xf32>
    %swap3A_449 = arith.constant 112 : index
    %swap3A_450 = tpu.vector_load %arg12[%swap3A_449] {strides = array<i32>} : memref<512xf32, #tpu.memory_space<vmem>>, vector<16xf32>,
    tpu.vector_store %arg12[%swap3A_449], %select_n3A_448 {strides = array<i32>} : memref<512xf32, #tpu.memory_space<vmem>>, vector<16xf32>,
    %get3A_451 = arith.constant 1 : i32
    %get3A_452 = arith.index_cast %get3A_451 : i32 to index
    %get3A_453 = arith.constant 0 : index
    %get3A_454 = tpu.vector_load %arg10[%get3A_452, %get3A_453] {strides = array<i32>} : memref<4x128xf32, #tpu.memory_space<vmem>>, vector<16xf32>,
    %get3A_455 = arith.constant 1 : i32
    %get3A_456 = arith.index_cast %get3A_455 : i32 to index
    %get3A_457 = arith.constant 0 : index
    %get3A_458 = tpu.vector_load %arg11[%get3A_456, %get3A_457] {strides = array<i32>} : memref<4x128xf32, #tpu.memory_space<vmem>>, vector<16xf32>,
    %get3A_459 = arith.constant 1 : i32
    %get3A_460 = arith.index_cast %get3A_459 : i32 to index
    %get3A_461 = arith.constant 0 : index
    %get3A_462 = tpu.vector_load %arg9[%get3A_460, %get3A_461] {strides = array<i32>} : memref<4x128xi32, #tpu.memory_space<vmem>>, vector<16xi32>,
    %add3A_463 = arith.addf %get3A_454, %get3A_458 : vector<16xf32>
    %mul3A_464 = arith.constant 5.000000e-01 : f32
    %mul3A_465 = vector.broadcast %mul3A_464 : f32 to vector<16xf32>
    %mul3A_466 = arith.mulf %add3A_463, %mul3A_465 : vector<16xf32>
    %ge3A_467 = arith.constant 256 : i32
    %ge3A_468 = vector.broadcast %ge3A_467 : i32 to vector<16xi32>
    %ge3A_469 = arith.cmpi sge, %get3A_462, %ge3A_468 : vector<16xi32>
    %select_n3A_470 = arith.select %ge3A_469, %broadcast_in_dim3A_9, %mul3A_466 : vector<16xi1>, vector<16xf32>
    %swap3A_471 = arith.constant 128 : index
    %swap3A_472 = tpu.vector_load %arg12[%swap3A_471] {strides = array<i32>} : memref<512xf32, #tpu.memory_space<vmem>>, vector<16xf32>,
    tpu.vector_store %arg12[%swap3A_471], %select_n3A_470 {strides = array<i32>} : memref<512xf32, #tpu.memory_space<vmem>>, vector<16xf32>,
    %get3A_473 = arith.constant 1 : i32
    %get3A_474 = arith.index_cast %get3A_473 : i32 to index
    %get3A_475 = arith.constant 16 : index
    %get3A_476 = tpu.vector_load %arg10[%get3A_474, %get3A_475] {strides = array<i32>} : memref<4x128xf32, #tpu.memory_space<vmem>>, vector<16xf32>,
    %get3A_477 = arith.constant 1 : i32
    %get3A_478 = arith.index_cast %get3A_477 : i32 to index
    %get3A_479 = arith.constant 16 : index
    %get3A_480 = tpu.vector_load %arg11[%get3A_478, %get3A_479] {strides = array<i32>} : memref<4x128xf32, #tpu.memory_space<vmem>>, vector<16xf32>,
    %get3A_481 = arith.constant 1 : i32
    %get3A_482 = arith.index_cast %get3A_481 : i32 to index
    %get3A_483 = arith.constant 16 : index
    %get3A_484 = tpu.vector_load %arg9[%get3A_482, %get3A_483] {strides = array<i32>} : memref<4x128xi32, #tpu.memory_space<vmem>>, vector<16xi32>,
    %add3A_485 = arith.addf %get3A_476, %get3A_480 : vector<16xf32>
    %mul3A_486 = arith.constant 5.000000e-01 : f32
    %mul3A_487 = vector.broadcast %mul3A_486 : f32 to vector<16xf32>
    %mul3A_488 = arith.mulf %add3A_485, %mul3A_487 : vector<16xf32>
    %ge3A_489 = arith.constant 256 : i32
    %ge3A_490 = vector.broadcast %ge3A_489 : i32 to vector<16xi32>
    %ge3A_491 = arith.cmpi sge, %get3A_484, %ge3A_490 : vector<16xi32>
    %select_n3A_492 = arith.select %ge3A_491, %broadcast_in_dim3A_9, %mul3A_488 : vector<16xi1>, vector<16xf32>
    %swap3A_493 = arith.constant 144 : index
    %swap3A_494 = tpu.vector_load %arg12[%swap3A_493] {strides = array<i32>} : memref<512xf32, #tpu.memory_space<vmem>>, vector<16xf32>,
    tpu.vector_store %arg12[%swap3A_493], %select_n3A_492 {strides = array<i32>} : memref<512xf32, #tpu.memory_space<vmem>>, vector<16xf32>,
    %get3A_495 = arith.constant 1 : i32
    %get3A_496 = arith.index_cast %get3A_495 : i32 to index
    %get3A_497 = arith.constant 32 : index
    %get3A_498 = tpu.vector_load %arg10[%get3A_496, %get3A_497] {strides = array<i32>} : memref<4x128xf32, #tpu.memory_space<vmem>>, vector<16xf32>,
    %get3A_499 = arith.constant 1 : i32
    %get3A_500 = arith.index_cast %get3A_499 : i32 to index
    %get3A_501 = arith.constant 32 : index
    %get3A_502 = tpu.vector_load %arg11[%get3A_500, %get3A_501] {strides = array<i32>} : memref<4x128xf32, #tpu.memory_space<vmem>>, vector<16xf32>,
    %get3A_503 = arith.constant 1 : i32
    %get3A_504 = arith.index_cast %get3A_503 : i32 to index
    %get3A_505 = arith.constant 32 : index
    %get3A_506 = tpu.vector_load %arg9[%get3A_504, %get3A_505] {strides = array<i32>} : memref<4x128xi32, #tpu.memory_space<vmem>>, vector<16xi32>,
    %add3A_507 = arith.addf %get3A_498, %get3A_502 : vector<16xf32>
    %mul3A_508 = arith.constant 5.000000e-01 : f32
    %mul3A_509 = vector.broadcast %mul3A_508 : f32 to vector<16xf32>
    %mul3A_510 = arith.mulf %add3A_507, %mul3A_509 : vector<16xf32>
    %ge3A_511 = arith.constant 256 : i32
    %ge3A_512 = vector.broadcast %ge3A_511 : i32 to vector<16xi32>
    %ge3A_513 = arith.cmpi sge, %get3A_506, %ge3A_512 : vector<16xi32>
    %select_n3A_514 = arith.select %ge3A_513, %broadcast_in_dim3A_9, %mul3A_510 : vector<16xi1>, vector<16xf32>
    %swap3A_515 = arith.constant 160 : index
    %swap3A_516 = tpu.vector_load %arg12[%swap3A_515] {strides = array<i32>} : memref<512xf32, #tpu.memory_space<vmem>>, vector<16xf32>,
    tpu.vector_store %arg12[%swap3A_515], %select_n3A_514 {strides = array<i32>} : memref<512xf32, #tpu.memory_space<vmem>>, vector<16xf32>,
    %get3A_517 = arith.constant 1 : i32
    %get3A_518 = arith.index_cast %get3A_517 : i32 to index
    %get3A_519 = arith.constant 48 : index
    %get3A_520 = tpu.vector_load %arg10[%get3A_518, %get3A_519] {strides = array<i32>} : memref<4x128xf32, #tpu.memory_space<vmem>>, vector<16xf32>,
    %get3A_521 = arith.constant 1 : i32
    %get3A_522 = arith.index_cast %get3A_521 : i32 to index
    %get3A_523 = arith.constant 48 : index
    %get3A_524 = tpu.vector_load %arg11[%get3A_522, %get3A_523] {strides = array<i32>} : memref<4x128xf32, #tpu.memory_space<vmem>>, vector<16xf32>,
    %get3A_525 = arith.constant 1 : i32
    %get3A_526 = arith.index_cast %get3A_525 : i32 to index
    %get3A_527 = arith.constant 48 : index
    %get3A_528 = tpu.vector_load %arg9[%get3A_526, %get3A_527] {strides = array<i32>} : memref<4x128xi32, #tpu.memory_space<vmem>>, vector<16xi32>,
    %add3A_529 = arith.addf %get3A_520, %get3A_524 : vector<16xf32>
    %mul3A_530 = arith.constant 5.000000e-01 : f32
    %mul3A_531 = vector.broadcast %mul3A_530 : f32 to vector<16xf32>
    %mul3A_532 = arith.mulf %add3A_529, %mul3A_531 : vector<16xf32>
    %ge3A_533 = arith.constant 256 : i32
    %ge3A_534 = vector.broadcast %ge3A_533 : i32 to vector<16xi32>
    %ge3A_535 = arith.cmpi sge, %get3A_528, %ge3A_534 : vector<16xi32>
    %select_n3A_536 = arith.select %ge3A_535, %broadcast_in_dim3A_9, %mul3A_532 : vector<16xi1>, vector<16xf32>
    %swap3A_537 = arith.constant 176 : index
    %swap3A_538 = tpu.vector_load %arg12[%swap3A_537] {strides = array<i32>} : memref<512xf32, #tpu.memory_space<vmem>>, vector<16xf32>,
    tpu.vector_store %arg12[%swap3A_537], %select_n3A_536 {strides = array<i32>} : memref<512xf32, #tpu.memory_space<vmem>>, vector<16xf32>,
    %get3A_539 = arith.constant 1 : i32
    %get3A_540 = arith.index_cast %get3A_539 : i32 to index
    %get3A_541 = arith.constant 64 : index
    %get3A_542 = tpu.vector_load %arg10[%get3A_540, %get3A_541] {strides = array<i32>} : memref<4x128xf32, #tpu.memory_space<vmem>>, vector<16xf32>,
    %get3A_543 = arith.constant 1 : i32
    %get3A_544 = arith.index_cast %get3A_543 : i32 to index
    %get3A_545 = arith.constant 64 : index
    %get3A_546 = tpu.vector_load %arg11[%get3A_544, %get3A_545] {strides = array<i32>} : memref<4x128xf32, #tpu.memory_space<vmem>>, vector<16xf32>,
    %get3A_547 = arith.constant 1 : i32
    %get3A_548 = arith.index_cast %get3A_547 : i32 to index
    %get3A_549 = arith.constant 64 : index
    %get3A_550 = tpu.vector_load %arg9[%get3A_548, %get3A_549] {strides = array<i32>} : memref<4x128xi32, #tpu.memory_space<vmem>>, vector<16xi32>,
    %add3A_551 = arith.addf %get3A_542, %get3A_546 : vector<16xf32>
    %mul3A_552 = arith.constant 5.000000e-01 : f32
    %mul3A_553 = vector.broadcast %mul3A_552 : f32 to vector<16xf32>
    %mul3A_554 = arith.mulf %add3A_551, %mul3A_553 : vector<16xf32>
    %ge3A_555 = arith.constant 256 : i32
    %ge3A_556 = vector.broadcast %ge3A_555 : i32 to vector<16xi32>
    %ge3A_557 = arith.cmpi sge, %get3A_550, %ge3A_556 : vector<16xi32>
    %select_n3A_558 = arith.select %ge3A_557, %broadcast_in_dim3A_9, %mul3A_554 : vector<16xi1>, vector<16xf32>
    %swap3A_559 = arith.constant 192 : index
    %swap3A_560 = tpu.vector_load %arg12[%swap3A_559] {strides = array<i32>} : memref<512xf32, #tpu.memory_space<vmem>>, vector<16xf32>,
    tpu.vector_store %arg12[%swap3A_559], %select_n3A_558 {strides = array<i32>} : memref<512xf32, #tpu.memory_space<vmem>>, vector<16xf32>,
    %get3A_561 = arith.constant 1 : i32
    %get3A_562 = arith.index_cast %get3A_561 : i32 to index
    %get3A_563 = arith.constant 80 : index
    %get3A_564 = tpu.vector_load %arg10[%get3A_562, %get3A_563] {strides = array<i32>} : memref<4x128xf32, #tpu.memory_space<vmem>>, vector<16xf32>,
    %get3A_565 = arith.constant 1 : i32
    %get3A_566 = arith.index_cast %get3A_565 : i32 to index
    %get3A_567 = arith.constant 80 : index
    %get3A_568 = tpu.vector_load %arg11[%get3A_566, %get3A_567] {strides = array<i32>} : memref<4x128xf32, #tpu.memory_space<vmem>>, vector<16xf32>,
    %get3A_569 = arith.constant 1 : i32
    %get3A_570 = arith.index_cast %get3A_569 : i32 to index
    %get3A_571 = arith.constant 80 : index
    %get3A_572 = tpu.vector_load %arg9[%get3A_570, %get3A_571] {strides = array<i32>} : memref<4x128xi32, #tpu.memory_space<vmem>>, vector<16xi32>,
    %add3A_573 = arith.addf %get3A_564, %get3A_568 : vector<16xf32>
    %mul3A_574 = arith.constant 5.000000e-01 : f32
    %mul3A_575 = vector.broadcast %mul3A_574 : f32 to vector<16xf32>
    %mul3A_576 = arith.mulf %add3A_573, %mul3A_575 : vector<16xf32>
    %ge3A_577 = arith.constant 256 : i32
    %ge3A_578 = vector.broadcast %ge3A_577 : i32 to vector<16xi32>
    %ge3A_579 = arith.cmpi sge, %get3A_572, %ge3A_578 : vector<16xi32>
    %select_n3A_580 = arith.select %ge3A_579, %broadcast_in_dim3A_9, %mul3A_576 : vector<16xi1>, vector<16xf32>
    %swap3A_581 = arith.constant 208 : index
    %swap3A_582 = tpu.vector_load %arg12[%swap3A_581] {strides = array<i32>} : memref<512xf32, #tpu.memory_space<vmem>>, vector<16xf32>,
    tpu.vector_store %arg12[%swap3A_581], %select_n3A_580 {strides = array<i32>} : memref<512xf32, #tpu.memory_space<vmem>>, vector<16xf32>,
    %get3A_583 = arith.constant 1 : i32
    %get3A_584 = arith.index_cast %get3A_583 : i32 to index
    %get3A_585 = arith.constant 96 : index
    %get3A_586 = tpu.vector_load %arg10[%get3A_584, %get3A_585] {strides = array<i32>} : memref<4x128xf32, #tpu.memory_space<vmem>>, vector<16xf32>,
    %get3A_587 = arith.constant 1 : i32
    %get3A_588 = arith.index_cast %get3A_587 : i32 to index
    %get3A_589 = arith.constant 96 : index
    %get3A_590 = tpu.vector_load %arg11[%get3A_588, %get3A_589] {strides = array<i32>} : memref<4x128xf32, #tpu.memory_space<vmem>>, vector<16xf32>,
    %get3A_591 = arith.constant 1 : i32
    %get3A_592 = arith.index_cast %get3A_591 : i32 to index
    %get3A_593 = arith.constant 96 : index
    %get3A_594 = tpu.vector_load %arg9[%get3A_592, %get3A_593] {strides = array<i32>} : memref<4x128xi32, #tpu.memory_space<vmem>>, vector<16xi32>,
    %add3A_595 = arith.addf %get3A_586, %get3A_590 : vector<16xf32>
    %mul3A_596 = arith.constant 5.000000e-01 : f32
    %mul3A_597 = vector.broadcast %mul3A_596 : f32 to vector<16xf32>
    %mul3A_598 = arith.mulf %add3A_595, %mul3A_597 : vector<16xf32>
    %ge3A_599 = arith.constant 256 : i32
    %ge3A_600 = vector.broadcast %ge3A_599 : i32 to vector<16xi32>
    %ge3A_601 = arith.cmpi sge, %get3A_594, %ge3A_600 : vector<16xi32>
    %select_n3A_602 = arith.select %ge3A_601, %broadcast_in_dim3A_9, %mul3A_598 : vector<16xi1>, vector<16xf32>
    %swap3A_603 = arith.constant 224 : index
    %swap3A_604 = tpu.vector_load %arg12[%swap3A_603] {strides = array<i32>} : memref<512xf32, #tpu.memory_space<vmem>>, vector<16xf32>,
    tpu.vector_store %arg12[%swap3A_603], %select_n3A_602 {strides = array<i32>} : memref<512xf32, #tpu.memory_space<vmem>>, vector<16xf32>,
    %get3A_605 = arith.constant 1 : i32
    %get3A_606 = arith.index_cast %get3A_605 : i32 to index
    %get3A_607 = arith.constant 112 : index
    %get3A_608 = tpu.vector_load %arg10[%get3A_606, %get3A_607] {strides = array<i32>} : memref<4x128xf32, #tpu.memory_space<vmem>>, vector<16xf32>,
    %get3A_609 = arith.constant 1 : i32
    %get3A_610 = arith.index_cast %get3A_609 : i32 to index
    %get3A_611 = arith.constant 112 : index
    %get3A_612 = tpu.vector_load %arg11[%get3A_610, %get3A_611] {strides = array<i32>} : memref<4x128xf32, #tpu.memory_space<vmem>>, vector<16xf32>,
    %get3A_613 = arith.constant 1 : i32
    %get3A_614 = arith.index_cast %get3A_613 : i32 to index
    %get3A_615 = arith.constant 112 : index
    %get3A_616 = tpu.vector_load %arg9[%get3A_614, %get3A_615] {strides = array<i32>} : memref<4x128xi32, #tpu.memory_space<vmem>>, vector<16xi32>,
    %add3A_617 = arith.addf %get3A_608, %get3A_612 : vector<16xf32>
    %mul3A_618 = arith.constant 5.000000e-01 : f32
    %mul3A_619 = vector.broadcast %mul3A_618 : f32 to vector<16xf32>
    %mul3A_620 = arith.mulf %add3A_617, %mul3A_619 : vector<16xf32>
    %ge3A_621 = arith.constant 256 : i32
    %ge3A_622 = vector.broadcast %ge3A_621 : i32 to vector<16xi32>
    %ge3A_623 = arith.cmpi sge, %get3A_616, %ge3A_622 : vector<16xi32>
    %select_n3A_624 = arith.select %ge3A_623, %broadcast_in_dim3A_9, %mul3A_620 : vector<16xi1>, vector<16xf32>
    %swap3A_625 = arith.constant 240 : index
    %swap3A_626 = tpu.vector_load %arg12[%swap3A_625] {strides = array<i32>} : memref<512xf32, #tpu.memory_space<vmem>>, vector<16xf32>,
    tpu.vector_store %arg12[%swap3A_625], %select_n3A_624 {strides = array<i32>} : memref<512xf32, #tpu.memory_space<vmem>>, vector<16xf32>,
    %get3A_627 = arith.constant 2 : i32
    %get3A_628 = arith.index_cast %get3A_627 : i32 to index
    %get3A_629 = arith.constant 0 : index
    %get3A_630 = tpu.vector_load %arg10[%get3A_628, %get3A_629] {strides = array<i32>} : memref<4x128xf32, #tpu.memory_space<vmem>>, vector<16xf32>,
    %get3A_631 = arith.constant 2 : i32
    %get3A_632 = arith.index_cast %get3A_631 : i32 to index
    %get3A_633 = arith.constant 0 : index
    %get3A_634 = tpu.vector_load %arg11[%get3A_632, %get3A_633] {strides = array<i32>} : memref<4x128xf32, #tpu.memory_space<vmem>>, vector<16xf32>,
    %get3A_635 = arith.constant 2 : i32
    %get3A_636 = arith.index_cast %get3A_635 : i32 to index
    %get3A_637 = arith.constant 0 : index
    %get3A_638 = tpu.vector_load %arg9[%get3A_636, %get3A_637] {strides = array<i32>} : memref<4x128xi32, #tpu.memory_space<vmem>>, vector<16xi32>,
    %add3A_639 = arith.addf %get3A_630, %get3A_634 : vector<16xf32>
    %mul3A_640 = arith.constant 5.000000e-01 : f32
    %mul3A_641 = vector.broadcast %mul3A_640 : f32 to vector<16xf32>
    %mul3A_642 = arith.mulf %add3A_639, %mul3A_641 : vector<16xf32>
    %ge3A_643 = arith.constant 256 : i32
    %ge3A_644 = vector.broadcast %ge3A_643 : i32 to vector<16xi32>
    %ge3A_645 = arith.cmpi sge, %get3A_638, %ge3A_644 : vector<16xi32>
    %select_n3A_646 = arith.select %ge3A_645, %broadcast_in_dim3A_9, %mul3A_642 : vector<16xi1>, vector<16xf32>
    %swap3A_647 = arith.constant 256 : index
    %swap3A_648 = tpu.vector_load %arg12[%swap3A_647] {strides = array<i32>} : memref<512xf32, #tpu.memory_space<vmem>>, vector<16xf32>,
    tpu.vector_store %arg12[%swap3A_647], %select_n3A_646 {strides = array<i32>} : memref<512xf32, #tpu.memory_space<vmem>>, vector<16xf32>,
    %get3A_649 = arith.constant 2 : i32
    %get3A_650 = arith.index_cast %get3A_649 : i32 to index
    %get3A_651 = arith.constant 16 : index
    %get3A_652 = tpu.vector_load %arg10[%get3A_650, %get3A_651] {strides = array<i32>} : memref<4x128xf32, #tpu.memory_space<vmem>>, vector<16xf32>,
    %get3A_653 = arith.constant 2 : i32
    %get3A_654 = arith.index_cast %get3A_653 : i32 to index
    %get3A_655 = arith.constant 16 : index
    %get3A_656 = tpu.vector_load %arg11[%get3A_654, %get3A_655] {strides = array<i32>} : memref<4x128xf32, #tpu.memory_space<vmem>>, vector<16xf32>,
    %get3A_657 = arith.constant 2 : i32
    %get3A_658 = arith.index_cast %get3A_657 : i32 to index
    %get3A_659 = arith.constant 16 : index
    %get3A_660 = tpu.vector_load %arg9[%get3A_658, %get3A_659] {strides = array<i32>} : memref<4x128xi32, #tpu.memory_space<vmem>>, vector<16xi32>,
    %add3A_661 = arith.addf %get3A_652, %get3A_656 : vector<16xf32>
    %mul3A_662 = arith.constant 5.000000e-01 : f32
    %mul3A_663 = vector.broadcast %mul3A_662 : f32 to vector<16xf32>
    %mul3A_664 = arith.mulf %add3A_661, %mul3A_663 : vector<16xf32>
    %ge3A_665 = arith.constant 256 : i32
    %ge3A_666 = vector.broadcast %ge3A_665 : i32 to vector<16xi32>
    %ge3A_667 = arith.cmpi sge, %get3A_660, %ge3A_666 : vector<16xi32>
    %select_n3A_668 = arith.select %ge3A_667, %broadcast_in_dim3A_9, %mul3A_664 : vector<16xi1>, vector<16xf32>
    %swap3A_669 = arith.constant 272 : index
    %swap3A_670 = tpu.vector_load %arg12[%swap3A_669] {strides = array<i32>} : memref<512xf32, #tpu.memory_space<vmem>>, vector<16xf32>,
    tpu.vector_store %arg12[%swap3A_669], %select_n3A_668 {strides = array<i32>} : memref<512xf32, #tpu.memory_space<vmem>>, vector<16xf32>,
    %get3A_671 = arith.constant 2 : i32
    %get3A_672 = arith.index_cast %get3A_671 : i32 to index
    %get3A_673 = arith.constant 32 : index
    %get3A_674 = tpu.vector_load %arg10[%get3A_672, %get3A_673] {strides = array<i32>} : memref<4x128xf32, #tpu.memory_space<vmem>>, vector<16xf32>,
    %get3A_675 = arith.constant 2 : i32
    %get3A_676 = arith.index_cast %get3A_675 : i32 to index
    %get3A_677 = arith.constant 32 : index
    %get3A_678 = tpu.vector_load %arg11[%get3A_676, %get3A_677] {strides = array<i32>} : memref<4x128xf32, #tpu.memory_space<vmem>>, vector<16xf32>,
    %get3A_679 = arith.constant 2 : i32
    %get3A_680 = arith.index_cast %get3A_679 : i32 to index
    %get3A_681 = arith.constant 32 : index
    %get3A_682 = tpu.vector_load %arg9[%get3A_680, %get3A_681] {strides = array<i32>} : memref<4x128xi32, #tpu.memory_space<vmem>>, vector<16xi32>,
    %add3A_683 = arith.addf %get3A_674, %get3A_678 : vector<16xf32>
    %mul3A_684 = arith.constant 5.000000e-01 : f32
    %mul3A_685 = vector.broadcast %mul3A_684 : f32 to vector<16xf32>
    %mul3A_686 = arith.mulf %add3A_683, %mul3A_685 : vector<16xf32>
    %ge3A_687 = arith.constant 256 : i32
    %ge3A_688 = vector.broadcast %ge3A_687 : i32 to vector<16xi32>
    %ge3A_689 = arith.cmpi sge, %get3A_682, %ge3A_688 : vector<16xi32>
    %select_n3A_690 = arith.select %ge3A_689, %broadcast_in_dim3A_9, %mul3A_686 : vector<16xi1>, vector<16xf32>
    %swap3A_691 = arith.constant 288 : index
    %swap3A_692 = tpu.vector_load %arg12[%swap3A_691] {strides = array<i32>} : memref<512xf32, #tpu.memory_space<vmem>>, vector<16xf32>,
    tpu.vector_store %arg12[%swap3A_691], %select_n3A_690 {strides = array<i32>} : memref<512xf32, #tpu.memory_space<vmem>>, vector<16xf32>,
    %get3A_693 = arith.constant 2 : i32
    %get3A_694 = arith.index_cast %get3A_693 : i32 to index
    %get3A_695 = arith.constant 48 : index
    %get3A_696 = tpu.vector_load %arg10[%get3A_694, %get3A_695] {strides = array<i32>} : memref<4x128xf32, #tpu.memory_space<vmem>>, vector<16xf32>,
    %get3A_697 = arith.constant 2 : i32
    %get3A_698 = arith.index_cast %get3A_697 : i32 to index
    %get3A_699 = arith.constant 48 : index
    %get3A_700 = tpu.vector_load %arg11[%get3A_698, %get3A_699] {strides = array<i32>} : memref<4x128xf32, #tpu.memory_space<vmem>>, vector<16xf32>,
    %get3A_701 = arith.constant 2 : i32
    %get3A_702 = arith.index_cast %get3A_701 : i32 to index
    %get3A_703 = arith.constant 48 : index
    %get3A_704 = tpu.vector_load %arg9[%get3A_702, %get3A_703] {strides = array<i32>} : memref<4x128xi32, #tpu.memory_space<vmem>>, vector<16xi32>,
    %add3A_705 = arith.addf %get3A_696, %get3A_700 : vector<16xf32>
    %mul3A_706 = arith.constant 5.000000e-01 : f32
    %mul3A_707 = vector.broadcast %mul3A_706 : f32 to vector<16xf32>
    %mul3A_708 = arith.mulf %add3A_705, %mul3A_707 : vector<16xf32>
    %ge3A_709 = arith.constant 256 : i32
    %ge3A_710 = vector.broadcast %ge3A_709 : i32 to vector<16xi32>
    %ge3A_711 = arith.cmpi sge, %get3A_704, %ge3A_710 : vector<16xi32>
    %select_n3A_712 = arith.select %ge3A_711, %broadcast_in_dim3A_9, %mul3A_708 : vector<16xi1>, vector<16xf32>
    %swap3A_713 = arith.constant 304 : index
    %swap3A_714 = tpu.vector_load %arg12[%swap3A_713] {strides = array<i32>} : memref<512xf32, #tpu.memory_space<vmem>>, vector<16xf32>,
    tpu.vector_store %arg12[%swap3A_713], %select_n3A_712 {strides = array<i32>} : memref<512xf32, #tpu.memory_space<vmem>>, vector<16xf32>,
    %get3A_715 = arith.constant 2 : i32
    %get3A_716 = arith.index_cast %get3A_715 : i32 to index
    %get3A_717 = arith.constant 64 : index
    %get3A_718 = tpu.vector_load %arg10[%get3A_716, %get3A_717] {strides = array<i32>} : memref<4x128xf32, #tpu.memory_space<vmem>>, vector<16xf32>,
    %get3A_719 = arith.constant 2 : i32
    %get3A_720 = arith.index_cast %get3A_719 : i32 to index
    %get3A_721 = arith.constant 64 : index
    %get3A_722 = tpu.vector_load %arg11[%get3A_720, %get3A_721] {strides = array<i32>} : memref<4x128xf32, #tpu.memory_space<vmem>>, vector<16xf32>,
    %get3A_723 = arith.constant 2 : i32
    %get3A_724 = arith.index_cast %get3A_723 : i32 to index
    %get3A_725 = arith.constant 64 : index
    %get3A_726 = tpu.vector_load %arg9[%get3A_724, %get3A_725] {strides = array<i32>} : memref<4x128xi32, #tpu.memory_space<vmem>>, vector<16xi32>,
    %add3A_727 = arith.addf %get3A_718, %get3A_722 : vector<16xf32>
    %mul3A_728 = arith.constant 5.000000e-01 : f32
    %mul3A_729 = vector.broadcast %mul3A_728 : f32 to vector<16xf32>
    %mul3A_730 = arith.mulf %add3A_727, %mul3A_729 : vector<16xf32>
    %ge3A_731 = arith.constant 256 : i32
    %ge3A_732 = vector.broadcast %ge3A_731 : i32 to vector<16xi32>
    %ge3A_733 = arith.cmpi sge, %get3A_726, %ge3A_732 : vector<16xi32>
    %select_n3A_734 = arith.select %ge3A_733, %broadcast_in_dim3A_9, %mul3A_730 : vector<16xi1>, vector<16xf32>
    %swap3A_735 = arith.constant 320 : index
    %swap3A_736 = tpu.vector_load %arg12[%swap3A_735] {strides = array<i32>} : memref<512xf32, #tpu.memory_space<vmem>>, vector<16xf32>,
    tpu.vector_store %arg12[%swap3A_735], %select_n3A_734 {strides = array<i32>} : memref<512xf32, #tpu.memory_space<vmem>>, vector<16xf32>,
    %get3A_737 = arith.constant 2 : i32
    %get3A_738 = arith.index_cast %get3A_737 : i32 to index
    %get3A_739 = arith.constant 80 : index
    %get3A_740 = tpu.vector_load %arg10[%get3A_738, %get3A_739] {strides = array<i32>} : memref<4x128xf32, #tpu.memory_space<vmem>>, vector<16xf32>,
    %get3A_741 = arith.constant 2 : i32
    %get3A_742 = arith.index_cast %get3A_741 : i32 to index
    %get3A_743 = arith.constant 80 : index
    %get3A_744 = tpu.vector_load %arg11[%get3A_742, %get3A_743] {strides = array<i32>} : memref<4x128xf32, #tpu.memory_space<vmem>>, vector<16xf32>,
    %get3A_745 = arith.constant 2 : i32
    %get3A_746 = arith.index_cast %get3A_745 : i32 to index
    %get3A_747 = arith.constant 80 : index
    %get3A_748 = tpu.vector_load %arg9[%get3A_746, %get3A_747] {strides = array<i32>} : memref<4x128xi32, #tpu.memory_space<vmem>>, vector<16xi32>,
    %add3A_749 = arith.addf %get3A_740, %get3A_744 : vector<16xf32>
    %mul3A_750 = arith.constant 5.000000e-01 : f32
    %mul3A_751 = vector.broadcast %mul3A_750 : f32 to vector<16xf32>
    %mul3A_752 = arith.mulf %add3A_749, %mul3A_751 : vector<16xf32>
    %ge3A_753 = arith.constant 256 : i32
    %ge3A_754 = vector.broadcast %ge3A_753 : i32 to vector<16xi32>
    %ge3A_755 = arith.cmpi sge, %get3A_748, %ge3A_754 : vector<16xi32>
    %select_n3A_756 = arith.select %ge3A_755, %broadcast_in_dim3A_9, %mul3A_752 : vector<16xi1>, vector<16xf32>
    %swap3A_757 = arith.constant 336 : index
    %swap3A_758 = tpu.vector_load %arg12[%swap3A_757] {strides = array<i32>} : memref<512xf32, #tpu.memory_space<vmem>>, vector<16xf32>,
    tpu.vector_store %arg12[%swap3A_757], %select_n3A_756 {strides = array<i32>} : memref<512xf32, #tpu.memory_space<vmem>>, vector<16xf32>,
    %get3A_759 = arith.constant 2 : i32
    %get3A_760 = arith.index_cast %get3A_759 : i32 to index
    %get3A_761 = arith.constant 96 : index
    %get3A_762 = tpu.vector_load %arg10[%get3A_760, %get3A_761] {strides = array<i32>} : memref<4x128xf32, #tpu.memory_space<vmem>>, vector<16xf32>,
    %get3A_763 = arith.constant 2 : i32
    %get3A_764 = arith.index_cast %get3A_763 : i32 to index
    %get3A_765 = arith.constant 96 : index
    %get3A_766 = tpu.vector_load %arg11[%get3A_764, %get3A_765] {strides = array<i32>} : memref<4x128xf32, #tpu.memory_space<vmem>>, vector<16xf32>,
    %get3A_767 = arith.constant 2 : i32
    %get3A_768 = arith.index_cast %get3A_767 : i32 to index
    %get3A_769 = arith.constant 96 : index
    %get3A_770 = tpu.vector_load %arg9[%get3A_768, %get3A_769] {strides = array<i32>} : memref<4x128xi32, #tpu.memory_space<vmem>>, vector<16xi32>,
    %add3A_771 = arith.addf %get3A_762, %get3A_766 : vector<16xf32>
    %mul3A_772 = arith.constant 5.000000e-01 : f32
    %mul3A_773 = vector.broadcast %mul3A_772 : f32 to vector<16xf32>
    %mul3A_774 = arith.mulf %add3A_771, %mul3A_773 : vector<16xf32>
    %ge3A_775 = arith.constant 256 : i32
    %ge3A_776 = vector.broadcast %ge3A_775 : i32 to vector<16xi32>
    %ge3A_777 = arith.cmpi sge, %get3A_770, %ge3A_776 : vector<16xi32>
    %select_n3A_778 = arith.select %ge3A_777, %broadcast_in_dim3A_9, %mul3A_774 : vector<16xi1>, vector<16xf32>
    %swap3A_779 = arith.constant 352 : index
    %swap3A_780 = tpu.vector_load %arg12[%swap3A_779] {strides = array<i32>} : memref<512xf32, #tpu.memory_space<vmem>>, vector<16xf32>,
    tpu.vector_store %arg12[%swap3A_779], %select_n3A_778 {strides = array<i32>} : memref<512xf32, #tpu.memory_space<vmem>>, vector<16xf32>,
    %get3A_781 = arith.constant 2 : i32
    %get3A_782 = arith.index_cast %get3A_781 : i32 to index
    %get3A_783 = arith.constant 112 : index
    %get3A_784 = tpu.vector_load %arg10[%get3A_782, %get3A_783] {strides = array<i32>} : memref<4x128xf32, #tpu.memory_space<vmem>>, vector<16xf32>,
    %get3A_785 = arith.constant 2 : i32
    %get3A_786 = arith.index_cast %get3A_785 : i32 to index
    %get3A_787 = arith.constant 112 : index
    %get3A_788 = tpu.vector_load %arg11[%get3A_786, %get3A_787] {strides = array<i32>} : memref<4x128xf32, #tpu.memory_space<vmem>>, vector<16xf32>,
    %get3A_789 = arith.constant 2 : i32
    %get3A_790 = arith.index_cast %get3A_789 : i32 to index
    %get3A_791 = arith.constant 112 : index
    %get3A_792 = tpu.vector_load %arg9[%get3A_790, %get3A_791] {strides = array<i32>} : memref<4x128xi32, #tpu.memory_space<vmem>>, vector<16xi32>,
    %add3A_793 = arith.addf %get3A_784, %get3A_788 : vector<16xf32>
    %mul3A_794 = arith.constant 5.000000e-01 : f32
    %mul3A_795 = vector.broadcast %mul3A_794 : f32 to vector<16xf32>
    %mul3A_796 = arith.mulf %add3A_793, %mul3A_795 : vector<16xf32>
    %ge3A_797 = arith.constant 256 : i32
    %ge3A_798 = vector.broadcast %ge3A_797 : i32 to vector<16xi32>
    %ge3A_799 = arith.cmpi sge, %get3A_792, %ge3A_798 : vector<16xi32>
    %select_n3A_800 = arith.select %ge3A_799, %broadcast_in_dim3A_9, %mul3A_796 : vector<16xi1>, vector<16xf32>
    %swap3A_801 = arith.constant 368 : index
    %swap3A_802 = tpu.vector_load %arg12[%swap3A_801] {strides = array<i32>} : memref<512xf32, #tpu.memory_space<vmem>>, vector<16xf32>,
    tpu.vector_store %arg12[%swap3A_801], %select_n3A_800 {strides = array<i32>} : memref<512xf32, #tpu.memory_space<vmem>>, vector<16xf32>,
    %get3A_803 = arith.constant 3 : i32
    %get3A_804 = arith.index_cast %get3A_803 : i32 to index
    %get3A_805 = arith.constant 0 : index
    %get3A_806 = tpu.vector_load %arg10[%get3A_804, %get3A_805] {strides = array<i32>} : memref<4x128xf32, #tpu.memory_space<vmem>>, vector<16xf32>,
    %get3A_807 = arith.constant 3 : i32
    %get3A_808 = arith.index_cast %get3A_807 : i32 to index
    %get3A_809 = arith.constant 0 : index
    %get3A_810 = tpu.vector_load %arg11[%get3A_808, %get3A_809] {strides = array<i32>} : memref<4x128xf32, #tpu.memory_space<vmem>>, vector<16xf32>,
    %get3A_811 = arith.constant 3 : i32
    %get3A_812 = arith.index_cast %get3A_811 : i32 to index
    %get3A_813 = arith.constant 0 : index
    %get3A_814 = tpu.vector_load %arg9[%get3A_812, %get3A_813] {strides = array<i32>} : memref<4x128xi32, #tpu.memory_space<vmem>>, vector<16xi32>,
    %add3A_815 = arith.addf %get3A_806, %get3A_810 : vector<16xf32>
    %mul3A_816 = arith.constant 5.000000e-01 : f32
    %mul3A_817 = vector.broadcast %mul3A_816 : f32 to vector<16xf32>
    %mul3A_818 = arith.mulf %add3A_815, %mul3A_817 : vector<16xf32>
    %ge3A_819 = arith.constant 256 : i32
    %ge3A_820 = vector.broadcast %ge3A_819 : i32 to vector<16xi32>
    %ge3A_821 = arith.cmpi sge, %get3A_814, %ge3A_820 : vector<16xi32>
    %select_n3A_822 = arith.select %ge3A_821, %broadcast_in_dim3A_9, %mul3A_818 : vector<16xi1>, vector<16xf32>
    %swap3A_823 = arith.constant 384 : index
    %swap3A_824 = tpu.vector_load %arg12[%swap3A_823] {strides = array<i32>} : memref<512xf32, #tpu.memory_space<vmem>>, vector<16xf32>,
    tpu.vector_store %arg12[%swap3A_823], %select_n3A_822 {strides = array<i32>} : memref<512xf32, #tpu.memory_space<vmem>>, vector<16xf32>,
    %get3A_825 = arith.constant 3 : i32
    %get3A_826 = arith.index_cast %get3A_825 : i32 to index
    %get3A_827 = arith.constant 16 : index
    %get3A_828 = tpu.vector_load %arg10[%get3A_826, %get3A_827] {strides = array<i32>} : memref<4x128xf32, #tpu.memory_space<vmem>>, vector<16xf32>,
    %get3A_829 = arith.constant 3 : i32
    %get3A_830 = arith.index_cast %get3A_829 : i32 to index
    %get3A_831 = arith.constant 16 : index
    %get3A_832 = tpu.vector_load %arg11[%get3A_830, %get3A_831] {strides = array<i32>} : memref<4x128xf32, #tpu.memory_space<vmem>>, vector<16xf32>,
    %get3A_833 = arith.constant 3 : i32
    %get3A_834 = arith.index_cast %get3A_833 : i32 to index
    %get3A_835 = arith.constant 16 : index
    %get3A_836 = tpu.vector_load %arg9[%get3A_834, %get3A_835] {strides = array<i32>} : memref<4x128xi32, #tpu.memory_space<vmem>>, vector<16xi32>,
    %add3A_837 = arith.addf %get3A_828, %get3A_832 : vector<16xf32>
    %mul3A_838 = arith.constant 5.000000e-01 : f32
    %mul3A_839 = vector.broadcast %mul3A_838 : f32 to vector<16xf32>
    %mul3A_840 = arith.mulf %add3A_837, %mul3A_839 : vector<16xf32>
    %ge3A_841 = arith.constant 256 : i32
    %ge3A_842 = vector.broadcast %ge3A_841 : i32 to vector<16xi32>
    %ge3A_843 = arith.cmpi sge, %get3A_836, %ge3A_842 : vector<16xi32>
    %select_n3A_844 = arith.select %ge3A_843, %broadcast_in_dim3A_9, %mul3A_840 : vector<16xi1>, vector<16xf32>
    %swap3A_845 = arith.constant 400 : index
    %swap3A_846 = tpu.vector_load %arg12[%swap3A_845] {strides = array<i32>} : memref<512xf32, #tpu.memory_space<vmem>>, vector<16xf32>,
    tpu.vector_store %arg12[%swap3A_845], %select_n3A_844 {strides = array<i32>} : memref<512xf32, #tpu.memory_space<vmem>>, vector<16xf32>,
    %get3A_847 = arith.constant 3 : i32
    %get3A_848 = arith.index_cast %get3A_847 : i32 to index
    %get3A_849 = arith.constant 32 : index
    %get3A_850 = tpu.vector_load %arg10[%get3A_848, %get3A_849] {strides = array<i32>} : memref<4x128xf32, #tpu.memory_space<vmem>>, vector<16xf32>,
    %get3A_851 = arith.constant 3 : i32
    %get3A_852 = arith.index_cast %get3A_851 : i32 to index
    %get3A_853 = arith.constant 32 : index
    %get3A_854 = tpu.vector_load %arg11[%get3A_852, %get3A_853] {strides = array<i32>} : memref<4x128xf32, #tpu.memory_space<vmem>>, vector<16xf32>,
    %get3A_855 = arith.constant 3 : i32
    %get3A_856 = arith.index_cast %get3A_855 : i32 to index
    %get3A_857 = arith.constant 32 : index
    %get3A_858 = tpu.vector_load %arg9[%get3A_856, %get3A_857] {strides = array<i32>} : memref<4x128xi32, #tpu.memory_space<vmem>>, vector<16xi32>,
    %add3A_859 = arith.addf %get3A_850, %get3A_854 : vector<16xf32>
    %mul3A_860 = arith.constant 5.000000e-01 : f32
    %mul3A_861 = vector.broadcast %mul3A_860 : f32 to vector<16xf32>
    %mul3A_862 = arith.mulf %add3A_859, %mul3A_861 : vector<16xf32>
    %ge3A_863 = arith.constant 256 : i32
    %ge3A_864 = vector.broadcast %ge3A_863 : i32 to vector<16xi32>
    %ge3A_865 = arith.cmpi sge, %get3A_858, %ge3A_864 : vector<16xi32>
    %select_n3A_866 = arith.select %ge3A_865, %broadcast_in_dim3A_9, %mul3A_862 : vector<16xi1>, vector<16xf32>
    %swap3A_867 = arith.constant 416 : index
    %swap3A_868 = tpu.vector_load %arg12[%swap3A_867] {strides = array<i32>} : memref<512xf32, #tpu.memory_space<vmem>>, vector<16xf32>,
    tpu.vector_store %arg12[%swap3A_867], %select_n3A_866 {strides = array<i32>} : memref<512xf32, #tpu.memory_space<vmem>>, vector<16xf32>,
    %get3A_869 = arith.constant 3 : i32
    %get3A_870 = arith.index_cast %get3A_869 : i32 to index
    %get3A_871 = arith.constant 48 : index
    %get3A_872 = tpu.vector_load %arg10[%get3A_870, %get3A_871] {strides = array<i32>} : memref<4x128xf32, #tpu.memory_space<vmem>>, vector<16xf32>,
    %get3A_873 = arith.constant 3 : i32
    %get3A_874 = arith.index_cast %get3A_873 : i32 to index
    %get3A_875 = arith.constant 48 : index
    %get3A_876 = tpu.vector_load %arg11[%get3A_874, %get3A_875] {strides = array<i32>} : memref<4x128xf32, #tpu.memory_space<vmem>>, vector<16xf32>,
    %get3A_877 = arith.constant 3 : i32
    %get3A_878 = arith.index_cast %get3A_877 : i32 to index
    %get3A_879 = arith.constant 48 : index
    %get3A_880 = tpu.vector_load %arg9[%get3A_878, %get3A_879] {strides = array<i32>} : memref<4x128xi32, #tpu.memory_space<vmem>>, vector<16xi32>,
    %add3A_881 = arith.addf %get3A_872, %get3A_876 : vector<16xf32>
    %mul3A_882 = arith.constant 5.000000e-01 : f32
    %mul3A_883 = vector.broadcast %mul3A_882 : f32 to vector<16xf32>
    %mul3A_884 = arith.mulf %add3A_881, %mul3A_883 : vector<16xf32>
    %ge3A_885 = arith.constant 256 : i32
    %ge3A_886 = vector.broadcast %ge3A_885 : i32 to vector<16xi32>
    %ge3A_887 = arith.cmpi sge, %get3A_880, %ge3A_886 : vector<16xi32>
    %select_n3A_888 = arith.select %ge3A_887, %broadcast_in_dim3A_9, %mul3A_884 : vector<16xi1>, vector<16xf32>
    %swap3A_889 = arith.constant 432 : index
    %swap3A_890 = tpu.vector_load %arg12[%swap3A_889] {strides = array<i32>} : memref<512xf32, #tpu.memory_space<vmem>>, vector<16xf32>,
    tpu.vector_store %arg12[%swap3A_889], %select_n3A_888 {strides = array<i32>} : memref<512xf32, #tpu.memory_space<vmem>>, vector<16xf32>,
    %get3A_891 = arith.constant 3 : i32
    %get3A_892 = arith.index_cast %get3A_891 : i32 to index
    %get3A_893 = arith.constant 64 : index
    %get3A_894 = tpu.vector_load %arg10[%get3A_892, %get3A_893] {strides = array<i32>} : memref<4x128xf32, #tpu.memory_space<vmem>>, vector<16xf32>,
    %get3A_895 = arith.constant 3 : i32
    %get3A_896 = arith.index_cast %get3A_895 : i32 to index
    %get3A_897 = arith.constant 64 : index
    %get3A_898 = tpu.vector_load %arg11[%get3A_896, %get3A_897] {strides = array<i32>} : memref<4x128xf32, #tpu.memory_space<vmem>>, vector<16xf32>,
    %get3A_899 = arith.constant 3 : i32
    %get3A_900 = arith.index_cast %get3A_899 : i32 to index
    %get3A_901 = arith.constant 64 : index
    %get3A_902 = tpu.vector_load %arg9[%get3A_900, %get3A_901] {strides = array<i32>} : memref<4x128xi32, #tpu.memory_space<vmem>>, vector<16xi32>,
    %add3A_903 = arith.addf %get3A_894, %get3A_898 : vector<16xf32>
    %mul3A_904 = arith.constant 5.000000e-01 : f32
    %mul3A_905 = vector.broadcast %mul3A_904 : f32 to vector<16xf32>
    %mul3A_906 = arith.mulf %add3A_903, %mul3A_905 : vector<16xf32>
    %ge3A_907 = arith.constant 256 : i32
    %ge3A_908 = vector.broadcast %ge3A_907 : i32 to vector<16xi32>
    %ge3A_909 = arith.cmpi sge, %get3A_902, %ge3A_908 : vector<16xi32>
    %select_n3A_910 = arith.select %ge3A_909, %broadcast_in_dim3A_9, %mul3A_906 : vector<16xi1>, vector<16xf32>
    %swap3A_911 = arith.constant 448 : index
    %swap3A_912 = tpu.vector_load %arg12[%swap3A_911] {strides = array<i32>} : memref<512xf32, #tpu.memory_space<vmem>>, vector<16xf32>,
    tpu.vector_store %arg12[%swap3A_911], %select_n3A_910 {strides = array<i32>} : memref<512xf32, #tpu.memory_space<vmem>>, vector<16xf32>,
    %get3A_913 = arith.constant 3 : i32
    %get3A_914 = arith.index_cast %get3A_913 : i32 to index
    %get3A_915 = arith.constant 80 : index
    %get3A_916 = tpu.vector_load %arg10[%get3A_914, %get3A_915] {strides = array<i32>} : memref<4x128xf32, #tpu.memory_space<vmem>>, vector<16xf32>,
    %get3A_917 = arith.constant 3 : i32
    %get3A_918 = arith.index_cast %get3A_917 : i32 to index
    %get3A_919 = arith.constant 80 : index
    %get3A_920 = tpu.vector_load %arg11[%get3A_918, %get3A_919] {strides = array<i32>} : memref<4x128xf32, #tpu.memory_space<vmem>>, vector<16xf32>,
    %get3A_921 = arith.constant 3 : i32
    %get3A_922 = arith.index_cast %get3A_921 : i32 to index
    %get3A_923 = arith.constant 80 : index
    %get3A_924 = tpu.vector_load %arg9[%get3A_922, %get3A_923] {strides = array<i32>} : memref<4x128xi32, #tpu.memory_space<vmem>>, vector<16xi32>,
    %add3A_925 = arith.addf %get3A_916, %get3A_920 : vector<16xf32>
    %mul3A_926 = arith.constant 5.000000e-01 : f32
    %mul3A_927 = vector.broadcast %mul3A_926 : f32 to vector<16xf32>
    %mul3A_928 = arith.mulf %add3A_925, %mul3A_927 : vector<16xf32>
    %ge3A_929 = arith.constant 256 : i32
    %ge3A_930 = vector.broadcast %ge3A_929 : i32 to vector<16xi32>
    %ge3A_931 = arith.cmpi sge, %get3A_924, %ge3A_930 : vector<16xi32>
    %select_n3A_932 = arith.select %ge3A_931, %broadcast_in_dim3A_9, %mul3A_928 : vector<16xi1>, vector<16xf32>
    %swap3A_933 = arith.constant 464 : index
    %swap3A_934 = tpu.vector_load %arg12[%swap3A_933] {strides = array<i32>} : memref<512xf32, #tpu.memory_space<vmem>>, vector<16xf32>,
    tpu.vector_store %arg12[%swap3A_933], %select_n3A_932 {strides = array<i32>} : memref<512xf32, #tpu.memory_space<vmem>>, vector<16xf32>,
    %get3A_935 = arith.constant 3 : i32
    %get3A_936 = arith.index_cast %get3A_935 : i32 to index
    %get3A_937 = arith.constant 96 : index
    %get3A_938 = tpu.vector_load %arg10[%get3A_936, %get3A_937] {strides = array<i32>} : memref<4x128xf32, #tpu.memory_space<vmem>>, vector<16xf32>,
    %get3A_939 = arith.constant 3 : i32
    %get3A_940 = arith.index_cast %get3A_939 : i32 to index
    %get3A_941 = arith.constant 96 : index
    %get3A_942 = tpu.vector_load %arg11[%get3A_940, %get3A_941] {strides = array<i32>} : memref<4x128xf32, #tpu.memory_space<vmem>>, vector<16xf32>,
    %get3A_943 = arith.constant 3 : i32
    %get3A_944 = arith.index_cast %get3A_943 : i32 to index
    %get3A_945 = arith.constant 96 : index
    %get3A_946 = tpu.vector_load %arg9[%get3A_944, %get3A_945] {strides = array<i32>} : memref<4x128xi32, #tpu.memory_space<vmem>>, vector<16xi32>,
    %add3A_947 = arith.addf %get3A_938, %get3A_942 : vector<16xf32>
    %mul3A_948 = arith.constant 5.000000e-01 : f32
    %mul3A_949 = vector.broadcast %mul3A_948 : f32 to vector<16xf32>
    %mul3A_950 = arith.mulf %add3A_947, %mul3A_949 : vector<16xf32>
    %ge3A_951 = arith.constant 256 : i32
    %ge3A_952 = vector.broadcast %ge3A_951 : i32 to vector<16xi32>
    %ge3A_953 = arith.cmpi sge, %get3A_946, %ge3A_952 : vector<16xi32>
    %select_n3A_954 = arith.select %ge3A_953, %broadcast_in_dim3A_9, %mul3A_950 : vector<16xi1>, vector<16xf32>
    %swap3A_955 = arith.constant 480 : index
    %swap3A_956 = tpu.vector_load %arg12[%swap3A_955] {strides = array<i32>} : memref<512xf32, #tpu.memory_space<vmem>>, vector<16xf32>,
    tpu.vector_store %arg12[%swap3A_955], %select_n3A_954 {strides = array<i32>} : memref<512xf32, #tpu.memory_space<vmem>>, vector<16xf32>,
    %get3A_957 = arith.constant 3 : i32
    %get3A_958 = arith.index_cast %get3A_957 : i32 to index
    %get3A_959 = arith.constant 112 : index
    %get3A_960 = tpu.vector_load %arg10[%get3A_958, %get3A_959] {strides = array<i32>} : memref<4x128xf32, #tpu.memory_space<vmem>>, vector<16xf32>,
    %get3A_961 = arith.constant 3 : i32
    %get3A_962 = arith.index_cast %get3A_961 : i32 to index
    %get3A_963 = arith.constant 112 : index
    %get3A_964 = tpu.vector_load %arg11[%get3A_962, %get3A_963] {strides = array<i32>} : memref<4x128xf32, #tpu.memory_space<vmem>>, vector<16xf32>,
    %get3A_965 = arith.constant 3 : i32
    %get3A_966 = arith.index_cast %get3A_965 : i32 to index
    %get3A_967 = arith.constant 112 : index
    %get3A_968 = tpu.vector_load %arg9[%get3A_966, %get3A_967] {strides = array<i32>} : memref<4x128xi32, #tpu.memory_space<vmem>>, vector<16xi32>,
    %add3A_969 = arith.addf %get3A_960, %get3A_964 : vector<16xf32>
    %mul3A_970 = arith.constant 5.000000e-01 : f32
    %mul3A_971 = vector.broadcast %mul3A_970 : f32 to vector<16xf32>
    %mul3A_972 = arith.mulf %add3A_969, %mul3A_971 : vector<16xf32>
    %ge3A_973 = arith.constant 256 : i32
    %ge3A_974 = vector.broadcast %ge3A_973 : i32 to vector<16xi32>
    %ge3A_975 = arith.cmpi sge, %get3A_968, %ge3A_974 : vector<16xi32>
    %select_n3A_976 = arith.select %ge3A_975, %broadcast_in_dim3A_9, %mul3A_972 : vector<16xi1>, vector<16xf32>
    %swap3A_977 = arith.constant 496 : index
    %swap3A_978 = tpu.vector_load %arg12[%swap3A_977] {strides = array<i32>} : memref<512xf32, #tpu.memory_space<vmem>>, vector<16xf32>,
    tpu.vector_store %arg12[%swap3A_977], %select_n3A_976 {strides = array<i32>} : memref<512xf32, #tpu.memory_space<vmem>>, vector<16xf32>,
    "tpu.region"() ({
      %run_scoped3A = tpu.sem_alloc : memref<!tpu.dma_semaphore, #tpu.memory_space<semaphore_mem>>
      %dma_start3A_979 = tpu.memref_slice %arg5[%mul3A_2] : memref<16384xf32, #tpu.memory_space<hbm>> -> memref<512xf32, #tpu.memory_space<hbm>>
      %dma_start3A_980 = tpu.memref_slice %arg5[%mul3A_2] : memref<16384xf32, #tpu.memory_space<hbm>> -> memref<512xf32, #tpu.memory_space<hbm>>
      tpu.enqueue_dma source(%arg12 : memref<512xf32, #tpu.memory_space<vmem>>) target(%dma_start3A_980 : memref<512xf32, #tpu.memory_space<hbm>>) target_semaphore(%run_scoped3A : memref<!tpu.dma_semaphore, #tpu.memory_space<semaphore_mem>>)
      %dma_wait3A_981 = tpu.memref_slice %arg5[%mul3A_2] : memref<16384xf32, #tpu.memory_space<hbm>> -> memref<512xf32, #tpu.memory_space<hbm>>
      %dma_wait3A_982 = tpu.memref_slice %arg5[%mul3A_2] : memref<16384xf32, #tpu.memory_space<hbm>> -> memref<512xf32, #tpu.memory_space<hbm>>
      tpu.wait_dma2 semaphore(%run_scoped3A : memref<!tpu.dma_semaphore, #tpu.memory_space<semaphore_mem>>) src(%arg12 : memref<512xf32, #tpu.memory_space<vmem>>) dst(%dma_wait3A_982 : memref<512xf32, #tpu.memory_space<hbm>>)
      tpu.yield
    }) : () -> ()
    return
  }
}

</mosaic_0001>

<sc_bundles>
// kernel: kernel.3.cloned.1.call-start
scs
__scs_entry_jumppad:
0x0: {  	(pc) =	sbr.rel $0x88, $3  }
0x1: {  	(tag) =	ssettag $0x0;
	lr =	simm.s32 $0x1  }
0x2: {  	[smem:$0x3F9E] =	sst lr;
	_ =	strace $0xD0000000  }
0x3: {  	_ = 	snop  }
0x4: {  	_ = 	snop  }
0x5: {  	_ = 	snop  }
0x6: {  	_ = 	snop  }
0x7: {  	_ = 	snop  }
__scs_overlays_trampoline_lowered:
0x8: {  	[smem:$0x3FAD] =	sst s0  }
0x9: {  	[smem:$0x3FAE] =	sst s1  }
0xa: {  	[smem:$0x3FAF] =	sst s2  }
0xb: {  	[smem:$0x3FB0] =	sst s3  }
0xc: {  	[smem:$0x3FB1] =	sst s4  }
0xd: {  	[smem:$0x3FB2] =	sst s5  }
0xe: {  	[smem:$0x3FB3] =	sst s6  }
0xf: {  	[smem:$0x3FB4] =	sst s7  }
0x10: {  	[smem:$0x3FB5] =	sst s8  }
0x11: {  	[smem:$0x3FB6] =	sst s9;
	s0 =	simm.s32 @!p0 $0x0  }
0x12: {  	s1 =	sld [smem:$0x3F9C];
	s0 =	simm.s32 @p0 $0x1  }
0x13: {  	[smem:$0x3FB7] =	sst s0;
	s0 =	simm.s32 @!p1 $0x0  }
0x14: {  	s2 =	sld [smem:$0x3F9B];
	s0 =	simm.s32 @p1 $0x1  }
0x15: {  	[smem:$0x3FB8] =	sst s0;
	s0 =	simm.s32 @!p2 $0x0  }
0x16: {  	s3 =	sld [smem:$0x3FDB];
	s0 =	simm.s32 @p2 $0x1  }
0x17: {  	s4 =	simm.s32 $0x1BF5;
	[smem:$0x3FBA] =	sst s0  }
0x18: {  	s0 =	sld [smem:$0x3F9D];
	_ =	swait.ge [sflag:s4], $0x0  }
0x19: {  	s7 =	sld [smem:$0x3F9E]  }
0x1a: {  	s8 =	sadd.s32 $0xFFFFE003, lr  }
0x1b: {  	s9 =	sadd.s32 $0xFFFFFEF7, lr;
	s5 =	simm.s32 $0xFFFFFFFF;
	p2 =	slt.u32 s8, $0xFFFFF086  }
0x1c: {  	p1 =	slt.u32 s9, $0xF7A;
	s5 =	simm.s32 @!p2 $0x0  }
0x1d: {  	s5 =	simm.s32 @p1 $0x1;
	p0 =	seq.s32 s7, s2  }
0x1e: {  	s7 =	smul.u32 @!p0 $0xF7A, s2;
	p2 =	seq.s32 @!p0 s5, $0x0  }
0x1f: {  	s9 =	smul.u32 $0xF7A, s1;
	s8 =	simm.s32 @!p0 $0x1BF5;
	p2 =	por !p2, p0  }
0x20: {  	[sflag:s8] =	ssyncset.s32 @!p0 $0xFFFFF086;
	s6 =	sadd.s32 @!p0 s3, s7;
	s7 =	simm.s32 @!p0 $0x108  }
0x21: {  	s3 =	sadd.s32 s3, s9;
	s6 =	sadd.s32 @!p0 $0x88, s6;
	s7 =	simm.s32 @p2 $0x1082  }
0x22: {  	[simem:s7], [sflag:s8] =	dma.local @!p0 [hbm:s6], $0xF7A  }
0x23: {  	s9 =	sor.u32 $0xD0000000, s2;
	s6 =	simm.s32 $0x108;
	_ =	swait.ge @!p0 [sflag:s8], $0x0  }
0x24: {  	s3 =	sadd.s32 $0x88, s3;
	s6 =	simm.s32 @!p1 $0x1082;
	[sflag:s4] =	ssyncset.s32 $0xFFFFF086  }
0x25: {  	[simem:s6], [sflag:s4] =	dma.local [hbm:s3], $0xF7A  }
0x26: {  	[smem:$0x3F9E] =	sst s1;
	(tag) =	ssettag s2;
	_ =	strace s9  }
0x27: {  	s1 =	sld [smem:$0x3FAE]  }
0x28: {  	s2 =	sld [smem:$0x3FAF]  }
0x29: {  	s4 =	sld [smem:$0x3FB1]  }
0x2a: {  	p0 =	seq.s32 s5, $0x0;
	s5 =	sld [smem:$0x3FB2]  }
0x2b: {  	s6 =	sld [smem:$0x3FB3]  }
0x2c: {  	s7 =	sld [smem:$0x3FB4]  }
0x2d: {  	s3 =	simm.s32 $0x108;
	s8 =	sld [smem:$0x3FB5]  }
0x2e: {  	s3 =	simm.s32 @!p0 $0x1082;
	s9 =	sld [smem:$0x3FB6]  }
0x2f: {  	lr =	sadd.s32 s0, s3;
	s0 =	sld [smem:$0x3FAD]  }
0x30: {  	s3 =	sld [smem:$0x3FB0]  }
0x31: {  	[smem:$0x3FB9] =	sst s10  }
0x32: {  	s10 =	sld [smem:$0x3FB7];
	_ =	sdelay $0x3  }
0x33: {  	p0 =	seq.s32 s10, $0x1;
	s10 =	sld [smem:$0x3FB9];
	_ =	sdelay $0x3  }
0x34: {  	[smem:$0x3FB9] =	sst s10  }
0x35: {  	s10 =	sld [smem:$0x3FB8];
	_ =	sdelay $0x3  }
0x36: {  	p1 =	seq.s32 s10, $0x1;
	s10 =	sld [smem:$0x3FB9];
	_ =	sdelay $0x3  }
0x37: {  	[smem:$0x3FB9] =	sst s10  }
0x38: {  	s10 =	sld [smem:$0x3FBA]  }
0x39: {  	_ = 	snop;
	(pc) =	sbr.ind lr, $3  }
0x3a: {  	_ = 	snop  }
0x3b: {  	_ = 	snop  }
0x3c: {  	p2 =	seq.s32 s10, $0x1;
	s10 =	sld [smem:$0x3FB9]  }
0x3d: {  	_ =	shalt  }
0x3e: {  	_ =	shalt  }
0x3f: {  	_ =	shalt  }
0x40: {  	_ =	shalt  }
0x41: {  	_ =	shalt  }
0x42: {  	_ =	shalt  }
0x43: {  	_ =	shalt  }
0x44: {  	_ =	shalt  }
0x45: {  	_ =	shalt  }
0x46: {  	_ =	shalt  }
0x47: {  	_ =	shalt  }
0x48: {  	_ =	shalt  }
0x49: {  	_ =	shalt  }
0x4a: {  	_ =	shalt  }
0x4b: {  	_ =	shalt  }
0x4c: {  	_ =	shalt  }
0x4d: {  	_ =	shalt  }
0x4e: {  	_ =	shalt  }
0x4f: {  	_ =	shalt  }
0x50: {  	_ =	shalt  }
0x51: {  	_ =	shalt  }
0x52: {  	_ =	shalt  }
0x53: {  	_ =	shalt  }
0x54: {  	_ =	shalt  }
0x55: {  	_ =	shalt  }
0x56: {  	_ =	shalt  }
0x57: {  	_ =	shalt  }
0x58: {  	_ =	shalt  }
0x59: {  	_ =	shalt  }
0x5a: {  	_ =	shalt  }
0x5b: {  	_ =	shalt  }
0x5c: {  	_ =	shalt  }
0x5d: {  	_ =	shalt  }
0x5e: {  	_ =	shalt  }
0x5f: {  	_ =	shalt  }
0x60: {  	_ =	shalt  }
0x61: {  	_ =	shalt  }
0x62: {  	_ =	shalt  }
0x63: {  	_ =	shalt  }
0x64: {  	_ =	shalt  }
0x65: {  	_ =	shalt  }
0x66: {  	_ =	shalt  }
0x67: {  	_ =	shalt  }
0x68: {  	_ =	shalt  }
0x69: {  	_ =	shalt  }
0x6a: {  	_ =	shalt  }
0x6b: {  	_ =	shalt  }
0x6c: {  	_ =	shalt  }
0x6d: {  	_ =	shalt  }
0x6e: {  	_ =	shalt  }
0x6f: {  	_ =	shalt  }
0x70: {  	_ =	shalt  }
0x71: {  	_ =	shalt  }
0x72: {  	_ =	shalt  }
0x73: {  	_ =	shalt  }
0x74: {  	_ =	shalt  }
0x75: {  	_ =	shalt  }
0x76: {  	_ =	shalt  }
0x77: {  	_ =	shalt  }
0x78: {  	_ =	shalt  }
0x79: {  	_ =	shalt  }
0x7a: {  	_ =	shalt  }
0x7b: {  	_ =	shalt  }
0x7c: {  	_ =	shalt  }
0x7d: {  	_ =	shalt  }
0x7e: {  	_ =	shalt  }
0x7f: {  	_ =	shalt  }
0x80: {  	_ =	shalt  }
0x81: {  	_ =	shalt  }
0x82: {  	_ =	shalt  }
0x83: {  	_ =	shalt  }
0x84: {  	_ =	shalt  }
0x85: {  	_ =	shalt  }
0x86: {  	_ =	shalt  }
0x87: {  	_ =	shalt  }
.Lfunc_end0:
.L_simem_size_0:
called_computation_lowered:
.L_overlay_start_0:
0x88: {  	s2 =	sld [smem:$0x3FD9]  }
0x89: {  	s3 =	sld [smem:$0x3FFE];
	_ =	sdelay $0x1  }
0x8a: {  	s1 =	srdreg.scid  }
0x8b: {  	s0 =	sand.u32 $0x1, s1  }
0x8c: {  	s18 =	sshll.u32 s0, $0xA;
	s2 =	sadd.s32 s3, s2  }
0x8d: {  	s2 =	sadd.s32 s2, s18  }
0x8e: {  	[smem:$0x3FC5] =	sst s2  }
0x8f: {  	_ = 	snop  }
0x90: {  	s2 =	sld [smem:$0x3FC9]  }
0x91: {  	s19 =	sld [smem:$0x3FC8]  }
0x92: {  	s4 =	sld [smem:$0x3FC7]  }
0x93: {  	s5 =	sld [smem:$0x3FD0];
	(tm) =	ssettm $0x1  }
0x94: {  	s6 =	sld [smem:$0x3FFB];
	_ =	sdelay $0x3  }
0x95: {  	_ =	strace s6  }
0x96: {  	s6 =	sld [smem:$0x3FFC];
	_ =	sdelay $0x3  }
0x97: {  	_ =	strace s6  }
0x98: {  	s6 =	sld [smem:$0x3FFD];
	_ =	sdelay $0x3  }
0x99: {  	_ =	strace s6  }
0x9a: {  	_ =	strace $0x8FFFFFFF  }
0x9b: {  	s20 =	sld [smem:$0x3FDB];
	_ =	sdelay $0x1  }
0x9c: {  	s7 =	simm.s32 $_scs_section_size  }
0x9d: {  	s8 =	simm.s32 $_size__tile_overlayer_lowered;
	s9 =	simm.s32 $_tile_overlayer_lowered  }
0x9e: {  	s23 =	simm.s32 $0x1BFF;
	s22 =	sshll.u32 s9, $0x1;
	s6 =	sadd.s32 s7, s20  }
0x9f: {  	s10 =	simm.s32 $0x0;
	s21 =	sshll.u32 s8, $0x1;
	s8 =	sadd.s32 s22, s6  }
0xa0: {  	[timem:s10], [sflag:s23] =	dma.local [hbm:s8], s21  }
0xa1: {  	_ =	swait.ge [sflag:s23], s21  }
0xa2: {  	s7 =	ssub.s32 $0x0, s21;
	[sflag:s23] =	ssyncset.done $0x0  }
0xa3: {  	[sflag:s23] =	ssyncadd.s32 s7;
	_ =	sdelay $0x1  }
0xa4: {  	s24 =	simm.s32 $0x1B8B  }
0xa5: {  	_ =	swait.ge [sflag:s24], $0x1  }
0xa6: {  	[sflag:s24] =	ssyncset.done $0x0  }
0xa7: {  	s25 =	simm.s32 $0x1B8E;
	[sflag:s24] =	ssyncadd.s32 $0xFFFFFFFF  }
0xa8: {  	s26 =	simm.s32 $execute0_lowered;
	[smem:$0x3FD2] =	sst s25  }
0xa9: {  	s7 =	sshll.u32 s26, $0x1;
	_ =	strace $0x80000046;
	[dreg:$0x1] =	wrdreg $0xFFFFFFFF  }
0xaa: {  	s28 =	simm.s32 $_size_execute0_lowered;
	s6 =	sadd.s32 s6, s7;
	[dreg:$0x0] =	wrdreg $0x0  }
0xab: {  	s7 =	sshll.u32 s28, $0x1;
	[dreg:$0x2] =	wrdreg s6  }
0xac: {  	[dreg:$0x3] =	wrdreg s7  }
0xad: {  	[dreg:$0x4] =	wrdreg $0xC0  }
0xae: {  	_ =	task [dreg:s10], $0x5FFFF  }
0xaf: {  	[dreg:$0x1] =	wrdreg $0xFFFFFFFF  }
0xb0: {  	[dreg:$0x0] =	wrdreg $0x60  }
0xb1: {  	[dreg:$0x2] =	wrdreg s2  }
0xb2: {  	[dreg:$0x3] =	wrdreg s19  }
0xb3: {  	[dreg:$0x4] =	wrdreg s4  }
0xb4: {  	[dreg:$0x5] =	wrdreg s5  }
0xb5: {  	[dreg:$0x6] =	wrdreg $0x9  }
0xb6: {  	_ =	task.clear_ibuf [dreg:s10], $0x7FFFF;
	_ =	strace $0x90000046  }
0xb7: {  	s29 =	simm.s32 $0x9;
	_ =	strace $0x80000048  }
0xb8: {  	_ =	swait.ge [sflag:s29], $0x1  }
0xb9: {  	[sflag:s29] =	ssyncadd.s32 $0xFFFFFFFF  }
0xba: {  	_ =	strace $0x90000048  }
0xbb: {  	_ =	sfence  }
0xbc: {  	s30 =	sld [smem:$0x0];
	_ =	sdelay $0x2  }
0xbd: {  	s31 =	sshll.u32 s1, $0xD;
	s1 =	sshrl.u32 s1, $0x2  }
0xbe: {  	s3 =	sand.u32 $0x4000, s31;
	s1 =	sadd.s32 s1, s30  }
0xbf: {  	s0 =	sor.u32 s3, s0;
	s1 =	sshll.u32 s1, $0x11  }
0xc0: {  	s0 =	sor.u32 s1, s0  }
0xc1: {  	s0 =	sadd.s32 $0x8F2B, s0  }
0xc2: {  	[sflag:s0] =	ssyncadd.remote.s32 $0x1  }
0xc3: {  	_ =	sfence.sel $0xFFFF  }
0xc4: {  	[dreg:$0x0] =	wrdreg $0xFFFFFFFF;
	(pc) =	sbr.abs _section_cstart, $3  }
0xc5: {  	[dreg:$0x1] =	wrdreg $0xFFFFFFFF  }
0xc6: {  	_ =	task.clear_ibuf [dreg:s10], $0x2FFFF;
	_ =	strace $0x9FFFFFFF  }
0xc7: {  	(tm) =	ssettm $0x7FFFFFFF  }
tec
execute0_lowered:
.L_overlay_start_1:
0x0: {  	(tag) =	ssettag $0x1  }
0x1: {  	s0 =	rddreg [dreg:$0x0]  }
0x2: {  	s1 =	rddreg [dreg:$0x1];
	s2 =	srdreg.scid  }
0x3: {  	s3 =	rddreg [dreg:$0x2];
	s4 =	stileid.u32  }
0x4: {  	s11 =	rddreg [dreg:$0x3];
	s13 =	simm.s32 $0x10;
	s14 =	simm.s32 $0x100  }
0x5: {  	s18 =	simm.s32 $0x1;
	s19 =	simm.s32 $0xF0;
	s20 =	simm.s32 $0x2000  }
0x6: {  	s21 =	simm.s32 $0x3;
	s22 =	simm.s32 $0x80;
	s23 =	simm.s32 $0x2F00  }
0x7: {  	s26 =	simm.s32 $0x2F80;
	s30 =	simm.s32 $0x3000;
	s16 =	simm.s32 $0x3680  }
0x8: {  	s17 =	simm.s32 $0x2;
	s24 =	simm.s32 $0x3700;
	s25 =	simm.s32 $0x0  }
0x9: {  	s2 =	sand.u32 $0x1, s2;
	s5 =	sshll.u32 s4, $0xA;
	s4 =	simm.s32 $0x0  }
0xa: {  	s10 =	sadd.s32 $0x2, s0;
	s6 =	sshll.u32 s2, $0x9;
	[smem:$0x7FF] =	sst s4  }
.Ltmp0:
0xb: {  	s2 =	ssub.s32 $0x2, s2;
	s5 =	sor.u32 s6, s5;
	(pc) =	sbr.rel .LBB2_1-.Ltmp0, $4  }
0xc: {  	_ =	strace $0x80000047;
	s7 =	sshrl.u32 s2, $0x1;
	s6 =	sshll.u32 s5, $0x5  }
0xd: {  	s2 =	ssub.s32 s2, s7;
	s31 =	sshrl.u32 s5, $0x3;
	s6 =	sadd.s32 s0, s6  }
0xe: {  	v4 =	vlaneseq.u32;
	v1 =	vimm.s32 $0x0;
	v3 =	vimm.f32 $0.0e+00;
	s11 =	sadd.s32 s11, s31;
	s12 =	smax.u32 s2, $0x1;
	s0 =	simm.s32 $0x3080  }
0xf: {  	v0 =	vmul.u32 $0x10, v4;
	v2 =	vmul.u32 $0x100, v4;
	v4 =	vmul.u32 $0xF0, v4;
	s7 =	sadd.s32 $0x1000, s6;
	s8 =	sadd.s32 $0x2000, s6;
	s9 =	sadd.s32 $0x3000, s6  }
.LBB2_25:
0x10: {  	s2 =	simm.s32 $0x3480  }
0x11: {  	[tilespmem:s2], [sflag:$0x2] =	stream.indirect.gather [hbm4b:s1+s22], $0x1, s0, s22, $0xb8;
	[tilespmem:$0x3900] =	vst v63  }
0x12: {  	_ = 	snop  }
0x13: {  	[tilespmem:s16], [sflag:$0x2] =	stream.indirect.gather [hbm4b:s3+s22], $0x1, s0, s22, $0xb8;
	[tilespmem:$0x3900] =	vst v63  }
0x14: {  	_ =	swait.ge [sflag:s17], $0x80  }
0x15: {  	[sflag:s17] =	ssyncset.done $0x0  }
0x16: {  	[sflag:s17] =	ssyncadd.s32 $0xFFFFFF80  }
0x17: {  	_ =	swait.ge [sflag:s17], $0x80  }
0x18: {  	[sflag:s17] =	ssyncset.done $0x0  }
0x19: {  	[sflag:s17] =	ssyncadd.s32 $0xFFFFFF80  }
0x1a: {  	_ =	swait.ge [sflag:s17], $0x80  }
0x1b: {  	[sflag:s17] =	ssyncset.done $0x0  }
0x1c: {  	[sflag:s17] =	ssyncadd.s32 $0xFFFFFF80  }
0x1d: {  	_ =	swait.ge [sflag:s17], $0x80  }
0x1e: {  	[sflag:s17] =	ssyncset.done $0x0  }
0x1f: {  	[sflag:s17] =	ssyncadd.s32 $0xFFFFFF80  }
0x20: {  	_ =	swait.ge [sflag:s17], $0x80  }
0x21: {  	[sflag:s17] =	ssyncset.done $0x0  }
0x22: {  	[sflag:s17] =	ssyncadd.s32 $0xFFFFFF80  }
0x23: {  	_ =	swait.ge [sflag:s17], $0x80  }
0x24: {  	[sflag:s17] =	ssyncset.done $0x0  }
0x25: {  	[sflag:s17] =	ssyncadd.s32 $0xFFFFFF80  }
0x26: {  	_ =	swait.ge [sflag:s17], $0x80  }
0x27: {  	[sflag:s17] =	ssyncset.done $0x0  }
0x28: {  	[sflag:s17] =	ssyncadd.s32 $0xFFFFFF80  }
0x29: {  	_ =	swait.ge [sflag:s17], $0x80  }
0x2a: {  	[sflag:s17] =	ssyncset.done $0x0  }
0x2b: {  	[sflag:s17] =	ssyncadd.s32 $0xFFFFFF80  }
0x2c: {  	v5 =	vld [tilespmem:$0x3300]  }
0x2d: {  	v6 =	vld [tilespmem:$0x3500]  }
0x2e: {  	v7 =	vld [tilespmem:$0x3100]  }
0x2f: {  	v8 =	vld [tilespmem:$0x3310]  }
0x30: {  	v9 =	vld [tilespmem:$0x3510]  }
0x31: {  	v10 =	vld [tilespmem:$0x3110]  }
0x32: {  	v11 =	vld [tilespmem:$0x3320]  }
0x33: {  	v12 =	vld [tilespmem:$0x3520]  }
0x34: {  	v13 =	vld [tilespmem:$0x3120]  }
0x35: {  	v14 =	vld [tilespmem:$0x3330]  }
0x36: {  	v15 =	vld [tilespmem:$0x3530]  }
0x37: {  	v16 =	vld [tilespmem:$0x3130]  }
0x38: {  	v17 =	vld [tilespmem:$0x3340]  }
0x39: {  	v18 =	vld [tilespmem:$0x3540]  }
0x3a: {  	v19 =	vld [tilespmem:$0x3140]  }
0x3b: {  	v20 =	vld [tilespmem:$0x3350]  }
0x3c: {  	v21 =	vld [tilespmem:$0x3550]  }
0x3d: {  	v22 =	vld [tilespmem:$0x3150]  }
0x3e: {  	v23 =	vld [tilespmem:$0x3360]  }
0x3f: {  	v24 =	vld [tilespmem:$0x3560]  }
0x40: {  	v25 =	vld [tilespmem:$0x3160]  }
0x41: {  	v26 =	vld [tilespmem:$0x3370]  }
0x42: {  	v27 =	vld [tilespmem:$0x3570]  }
0x43: {  	v28 =	vld [tilespmem:$0x3170]  }
0x44: {  	v29 =	vld [tilespmem:$0x3380]  }
0x45: {  	v30 =	vld [tilespmem:$0x3580]  }
0x46: {  	v31 =	vld [tilespmem:$0x3180]  }
0x47: {  	v32 =	vld [tilespmem:$0x3390]  }
0x48: {  	v33 =	vld [tilespmem:$0x3590]  }
0x49: {  	v34 =	vld [tilespmem:$0x3190]  }
0x4a: {  	v35 =	vld [tilespmem:$0x33A0]  }
0x4b: {  	v36 =	vld [tilespmem:$0x35A0]  }
0x4c: {  	v37 =	vld [tilespmem:$0x31A0]  }
0x4d: {  	v38 =	vld [tilespmem:$0x33B0]  }
0x4e: {  	v39 =	vld [tilespmem:$0x35B0]  }
0x4f: {  	v40 =	vld [tilespmem:$0x31B0]  }
0x50: {  	v41 =	vld [tilespmem:$0x33C0]  }
0x51: {  	v42 =	vld [tilespmem:$0x35C0]  }
0x52: {  	v43 =	vld [tilespmem:$0x31C0]  }
0x53: {  	v44 =	vld [tilespmem:$0x33D0]  }
0x54: {  	v45 =	vld [tilespmem:$0x35D0]  }
0x55: {  	v46 =	vld [tilespmem:$0x31D0]  }
0x56: {  	v47 =	vld [tilespmem:$0x33E0]  }
0x57: {  	v48 =	vld [tilespmem:$0x35E0]  }
0x58: {  	v49 =	vld [tilespmem:$0x31E0]  }
0x59: {  	v50 =	vld [tilespmem:$0x33F0]  }
0x5a: {  	v51 =	vld [tilespmem:$0x35F0]  }
0x5b: {  	v52 =	vld [tilespmem:$0x31F0]  }
0x5c: {  	v53 =	vld [tilespmem:$0x3400]  }
0x5d: {  	v54 =	vld [tilespmem:$0x3600]  }
0x5e: {  	v55 =	vld [tilespmem:$0x3200]  }
0x5f: {  	v56 =	vld [tilespmem:$0x3410]  }
0x60: {  	v57 =	vld [tilespmem:$0x3610]  }
0x61: {  	v58 =	vld [tilespmem:$0x3210]  }
0x62: {  	v59 =	vld [tilespmem:$0x3420]  }
0x63: {  	v60 =	vld [tilespmem:$0x3620]  }
0x64: {  	v61 =	vld [tilespmem:$0x3220]  }
0x65: {  	v5 =	vadd.f32 v6, v5;
	v6 =	vld [tilespmem:$0x3430]  }
0x66: {  	v8 =	vadd.f32 v9, v8;
	v9 =	vld [tilespmem:$0x3630]  }
0x67: {  	vm0 =	vgt.s32 v7, $0xFF;
	v7 =	vadd.f32 v12, v11;
	v11 =	vld [tilespmem:$0x3230];
	vm1 =	vgt.s32 v10, $0xFF  }
0x68: {  	v62 =	vadd.f32 v15, v14;
	v12 =	vld [tilespmem:$0x3440];
	vm10 =	vgt.s32 v13, $0xFF;
	v63 =	vadd.f32 v18, v17  }
0x69: {  	v13 =	vld [tilespmem:$0x3640];
	vm11 =	vgt.s32 v16, $0xFF;
	v21 =	vadd.f32 v21, v20;
	vm12 =	vgt.s32 v19, $0xFF  }
0x6a: {  	v15 =	vld [tilespmem:$0x3240];
	vm13 =	vgt.s32 v22, $0xFF;
	vm14 =	vgt.s32 v25, $0xFF;
	v30 =	vadd.f32 v30, v29  }
0x6b: {  	v17 =	vld [tilespmem:$0x3450];
	vm15 =	vgt.s32 v28, $0xFF;
	v33 =	vadd.f32 v33, v32;
	vm4 =	vgt.s32 v31, $0xFF  }
0x6c: {  	v18 =	vld [tilespmem:$0x3650];
	v36 =	vadd.f32 v36, v35;
	vm5 =	vgt.s32 v34, $0xFF;
	vm6 =	vgt.s32 v37, $0xFF  }
0x6d: {  	v20 =	vld [tilespmem:$0x3250];
	vm7 =	vgt.s32 v40, $0xFF;
	v41 =	vadd.f32 v42, v41;
	vm8 =	vgt.s32 v43, $0xFF  }
0x6e: {  	v22 =	vld [tilespmem:$0x3460];
	v43 =	vadd.f32 v45, v44;
	v45 =	vadd.f32 v48, v47;
	vm9 =	vgt.s32 v46, $0xFF  }
0x6f: {  	v29 =	vld [tilespmem:$0x3670];
	v47 =	vadd.f32 v51, v50;
	v51 =	vadd.f32 v54, v53;
	v5 =	vmul.f32 $5.000000000e-01, v5  }
0x70: {  	v28 =	vld [tilespmem:$0x3480];
	v53 =	vadd.f32 v57, v56;
	v8 =	vmul.f32 $5.000000000e-01, v8;
	v7 =	vmul.f32 $5.000000000e-01, v7  }
0x71: {  	v31 =	vld [tilespmem:$0x3680];
	v60 =	vadd.f32 v60, v59;
	v10 =	vmul.f32 $5.000000000e-01, v62;
	v14 =	vmul.f32 $5.000000000e-01, v63  }
0x72: {  	v32 =	vld [tilespmem:$0x3280];
	v16 =	vmul.f32 $5.000000000e-01, v21;
	v62 =	vadd.f32 v24, v23;
	v5 =	vsel vm0, $0x41200000, v5  }
0x73: {  	v34 =	vld [tilespmem:$0x3690];
	v63 =	vadd.f32 v27, v26;
	v23 =	vmul.f32 $5.000000000e-01, v30;
	v8 =	vsel vm1, $0x41200000, v8;
	[tilespmem:$0x3700] =	vst v5  }
0x74: {  	v35 =	vld [tilespmem:$0x34A0];
	v25 =	vmul.f32 $5.000000000e-01, v33;
	v44 =	vmul.f32 $5.000000000e-01, v41;
	v7 =	vsel vm10, $0x41200000, v7;
	[tilespmem:$0x3710] =	vst v8  }
0x75: {  	v54 =	vld [tilespmem:$0x36A0];
	v46 =	vmul.f32 $5.000000000e-01, v43;
	v48 =	vmul.f32 $5.000000000e-01, v45;
	v10 =	vsel vm11, $0x41200000, v10;
	[tilespmem:$0x3720] =	vst v7  }
0x76: {  	v24 =	vld [tilespmem:$0x3660];
	v50 =	vmul.f32 $5.000000000e-01, v47;
	v57 =	vmul.f32 $5.000000000e-01, v51;
	v14 =	vsel vm12, $0x41200000, v14;
	[tilespmem:$0x3730] =	vst v10  }
0x77: {  	v26 =	vld [tilespmem:$0x3260];
	v16 =	vsel vm13, $0x41200000, v16;
	v19 =	vmul.f32 $5.000000000e-01, v62;
	v21 =	vmul.f32 $5.000000000e-01, v63;
	[tilespmem:$0x3740] =	vst v14  }
0x78: {  	v27 =	vld [tilespmem:$0x3470];
	v62 =	vadd.f32 v39, v38;
	v63 =	vsel vm5, $0x41200000, v25;
	v39 =	vmul.f32 $5.000000000e-01, v36;
	[tilespmem:$0x3750] =	vst v16  }
0x79: {  	v30 =	vld [tilespmem:$0x3270];
	vm10 =	vgt.s32 v49, $0xFF;
	vm11 =	vgt.s32 v52, $0xFF;
	v5 =	vsel vm4, $0x41200000, v23;
	[tilespmem:$0x3790] =	vst v63  }
0x7a: {  	v33 =	vld [tilespmem:$0x3490];
	vm12 =	vgt.s32 v55, $0xFF;
	vm13 =	vgt.s32 v58, $0xFF;
	v14 =	vsel vm8, $0x41200000, v44;
	[tilespmem:$0x3780] =	vst v5  }
0x7b: {  	v41 =	vld [tilespmem:$0x34C0];
	v58 =	vmul.f32 $5.000000000e-01, v53;
	v38 =	vmul.f32 $5.000000000e-01, v60;
	v16 =	vsel vm9, $0x41200000, v46;
	[tilespmem:$0x37C0] =	vst v14  }
0x7c: {  	v45 =	vld [tilespmem:$0x32C0];
	v56 =	vsel vm11, $0x41200000, v50;
	v6 =	vadd.f32 v9, v6;
	v12 =	vadd.f32 v13, v12;
	[tilespmem:$0x37D0] =	vst v16  }
0x7d: {  	v51 =	vld [tilespmem:$0x34E0];
	v40 =	vadd.f32 v18, v17;
	vm4 =	vgt.s32 v15, $0xFF;
	v19 =	vsel vm14, $0x41200000, v19;
	[tilespmem:$0x37F0] =	vst v56  }
0x7e: {  	v25 =	vld [tilespmem:$0x32A0];
	vm5 =	vgt.s32 v20, $0xFF;
	vm8 =	vgt.s32 v32, $0xFF;
	v21 =	vsel vm15, $0x41200000, v21;
	[tilespmem:$0x3760] =	vst v19  }
0x7f: {  	v49 =	vld [tilespmem:$0x36D0];
	v54 =	vadd.f32 v54, v35;
	v7 =	vmul.f32 $5.000000000e-01, v62;
	v42 =	vsel vm6, $0x41200000, v39;
	[tilespmem:$0x3770] =	vst v21  }
0x80: {  	v53 =	vld [tilespmem:$0x36E0];
	v5 =	vsel vm10, $0x41200000, v48;
	vm14 =	vgt.s32 v61, $0xFF;
	v10 =	vsel vm13, $0x41200000, v58;
	[tilespmem:$0x37A0] =	vst v42  }
0x81: {  	v23 =	vld [tilespmem:$0x3290];
	vm15 =	vgt.s32 v11, $0xFF;
	v6 =	vmul.f32 $5.000000000e-01, v6;
	[tilespmem:$0x37E0] =	vst v5;
	v5 =	vsel vm14, $0x41200000, v38  }
0x82: {  	v63 =	vld [tilespmem:$0x36B0];
	v12 =	vmul.f32 $5.000000000e-01, v12;
	v43 =	vmul.f32 $5.000000000e-01, v40;
	v44 =	vadd.f32 v24, v22;
	[tilespmem:$0x3810] =	vst v10  }
0x83: {  	v62 =	vld [tilespmem:$0x34B0];
	vm6 =	vgt.s32 v26, $0xFF;
	v48 =	vadd.f32 v29, v27;
	v7 =	vsel vm7, $0x41200000, v7;
	[tilespmem:$0x3820] =	vst v5  }
0x84: {  	v39 =	vld [tilespmem:$0x32B0];
	v50 =	vadd.f32 v34, v33;
	vm7 =	vgt.s32 v30, $0xFF;
	[tilespmem:$0x37B0] =	vst v7;
	v7 =	vsel vm12, $0x41200000, v57  }
0x85: {  	v42 =	vld [tilespmem:$0x36C0];
	v5 =	vadd.f32 v31, v28;
	v6 =	vsel vm15, $0x41200000, v6;
	v8 =	vsel vm5, $0x41200000, v43;
	[tilespmem:$0x3800] =	vst v7  }
0x86: {  	v55 =	vld [tilespmem:$0x34F0];
	v47 =	vmul.f32 $5.000000000e-01, v44;
	v52 =	vmul.f32 $5.000000000e-01, v48;
	vm10 =	vgt.s32 v25, $0xFF;
	[tilespmem:$0x3830] =	vst v6  }
0x87: {  	v46 =	vld [tilespmem:$0x34D0];
	vm12 =	vgt.s32 v45, $0xFF;
	v7 =	vsel vm4, $0x41200000, v12;
	v5 =	vmul.f32 $5.000000000e-01, v5;
	[tilespmem:$0x3850] =	vst v8  }
0x88: {  	v57 =	vld [tilespmem:$0x36F0];
	vm9 =	vgt.s32 v23, $0xFF;
	v6 =	vsel vm6, $0x41200000, v47;
	[tilespmem:$0x3840] =	vst v7;
	v7 =	vmul.f32 $5.000000000e-01, v50  }
0x89: {  	v61 =	vld [tilespmem:$0x32E0];
	v56 =	vsel vm7, $0x41200000, v52;
	v9 =	vadd.f32 v63, v62;
	vm11 =	vgt.s32 v39, $0xFF;
	[tilespmem:$0x3860] =	vst v6  }
0x8a: {  	v58 =	vld [tilespmem:$0x32D0];
	[tilespmem:$0x3870] =	vst v56;
	v60 =	vadd.f32 v42, v41;
	v6 =	vsel vm9, $0x41200000, v7;
	v7 =	vmul.f32 $5.000000000e-01, v54  }
0x8b: {  	v62 =	vld [tilespmem:$0x32F0];
	v5 =	vsel vm8, $0x41200000, v5;
	v59 =	vmul.f32 $5.000000000e-01, v9;
	[tilespmem:$0x3890] =	vst v6;
	v6 =	vadd.f32 v53, v51  }
0x8c: {  	[tilespmem:$0x3880] =	vst v5;
	v9 =	vmul.f32 $5.000000000e-01, v60;
	v5 =	vsel vm10, $0x41200000, v7;
	v7 =	vadd.f32 v49, v46  }
0x8d: {  	v8 =	vsel vm11, $0x41200000, v59;
	[tilespmem:$0x38A0] =	vst v5;
	v5 =	vadd.f32 v57, v55;
	v6 =	vmul.f32 $5.000000000e-01, v6  }
0x8e: {  	vm14 =	vgt.s32 v61, $0xFF;
	[tilespmem:$0x38B0] =	vst v8;
	v63 =	vsel vm12, $0x41200000, v9;
	v7 =	vmul.f32 $5.000000000e-01, v7  }
0x8f: {  	vm13 =	vgt.s32 v58, $0xFF;
	[tilespmem:$0x38C0] =	vst v63;
	v5 =	vmul.f32 $5.000000000e-01, v5;
	v6 =	vsel vm14, $0x41200000, v6  }
0x90: {  	s25 =	sadd.s32 $0x1, s25;
	vm15 =	vgt.s32 v62, $0xFF;
	v7 =	vsel vm13, $0x41200000, v7;
	[tilespmem:$0x38E0] =	vst v6  }
0x91: {  	p0 =	sne.s32 s25, s12;
	[tilespmem:$0x38D0] =	vst v7;
	v5 =	vsel vm15, $0x41200000, v5  }
.Ltmp1:
0x92: {  	[tilespmem:$0x38F0] =	vst v5;
	(pc) =	sbr.rel @!p0 .LBB2_26-.Ltmp1, $4  }
0x93: {  	[hbm4b:s11+s4] =	stream.linear.scatter [tilespmem:s24], [sflag:$0x3], $0x200, $0x38;
	[tilespmem:$0x3900] =	vst v63  }
0x94: {  	_ =	swait.ge [sflag:s21], $0x200  }
0x95: {  	[sflag:s21] =	ssyncset.done $0x0  }
0x96: {  	[sflag:s21] =	ssyncadd.s32 $0xFFFFFE00  }
.LBB2_1:
0x97: {  	[tilespmem:s4], [sflag:$0x1] =	stream.strided.gather [hbm4b:s6+s13], $0x800, s14, s13, $0x38;
	[tilespmem:$0x3900] =	vst v63  }
0x98: {  	s2 =	simm.s32 $0x800  }
0x99: {  	[tilespmem:s2], [sflag:$0x1] =	stream.strided.gather [hbm4b:s7+s13], $0x800, s14, s13, $0x38;
	[tilespmem:$0x3900] =	vst v63  }
0x9a: {  	s29 =	simm.s32 $0x1000  }
0x9b: {  	[tilespmem:s29], [sflag:$0x1] =	stream.strided.gather [hbm4b:s8+s13], $0x800, s14, s13, $0x38;
	[tilespmem:$0x3900] =	vst v63  }
.Ltmp2:
0x9c: {  	s31 =	simm.s32 $0x1800;
	(pc) =	sbr.rel .LBB2_2-.Ltmp2, $4  }
0x9d: {  	[tilespmem:s31], [sflag:$0x1] =	stream.strided.gather [hbm4b:s9+s13], $0x800, s14, s13, $0x38;
	[tilespmem:$0x3900] =	vst v63  }
0x9e: {  	_ =	swait.ge [sflag:s18], $0x800  }
0x9f: {  	[sflag:s18] =	ssyncset.done $0x0  }
0xa0: {  	s28 =	simm.s32 $0x0;
	[sflag:s18] =	ssyncadd.s32 $0xFFFFF800  }
.LBB2_6:
0xa1: {  	s28 =	sadd.s32 $0x1, s28  }
0xa2: {  	p0 =	sne.s32 s28, $0x8  }
.Ltmp3:
0xa3: {  	_ = 	snop;
	(pc) =	sbr.rel @!p0 .LBB2_7-.Ltmp3, $1  }
0xa4: {  	_ =	sdelay $0x3  }
.LBB2_2:
0xa5: {  	s29 =	sshll.u32 s28, $0x4  }
0xa6: {  	v5 =	vmov s29  }
0xa7: {  	v5 =	vshll.u32 v5, $0x4  }
0xa8: {  	v5 =	vor.u32 v0, v5  }
0xa9: {  	v6 =	vor.u32 $0x1, v5;
	_ =	sdelay $0x1  }
0xaa: {  	v7 =	vor.u32 $0x2, v5;
	_ =	sdelay $0x1  }
0xab: {  	v9 =	vor.u32 $0x3, v5;
	v8 =	vld.idx.msk [tilespmem:v5+s4+$0x0], $0xffff  }
0xac: {  	v6 =	vld.idx.msk [tilespmem:v6+s4+$0x0], $0xffff  }
0xad: {  	v10 =	vor.u32 $0x4, v5  }
0xae: {  	v7 =	vld.idx.msk [tilespmem:v7+s4+$0x0], $0xffff  }
0xaf: {  	v11 =	vor.u32 $0x5, v5  }
0xb0: {  	v9 =	vld.idx.msk [tilespmem:v9+s4+$0x0], $0xffff  }
0xb1: {  	v12 =	vor.u32 $0x6, v5;
	v6 =	vadd.f32 v6, v8  }
0xb2: {  	v10 =	vld.idx.msk [tilespmem:v10+s4+$0x0], $0xffff  }
0xb3: {  	v13 =	vor.u32 $0x7, v5;
	v7 =	vadd.f32 v7, v6  }
0xb4: {  	v11 =	vld.idx.msk [tilespmem:v11+s4+$0x0], $0xffff  }
0xb5: {  	v14 =	vor.u32 $0x8, v5;
	v9 =	vadd.f32 v9, v7  }
0xb6: {  	v12 =	vld.idx.msk [tilespmem:v12+s4+$0x0], $0xffff  }
0xb7: {  	v15 =	vor.u32 $0x9, v5;
	v10 =	vadd.f32 v10, v9  }
0xb8: {  	v13 =	vld.idx.msk [tilespmem:v13+s4+$0x0], $0xffff  }
0xb9: {  	v16 =	vor.u32 $0xA, v5;
	v11 =	vadd.f32 v11, v10  }
0xba: {  	v14 =	vld.idx.msk [tilespmem:v14+s4+$0x0], $0xffff  }
0xbb: {  	v17 =	vor.u32 $0xB, v5;
	v12 =	vadd.f32 v12, v11  }
0xbc: {  	v15 =	vld.idx.msk [tilespmem:v15+s4+$0x0], $0xffff  }
0xbd: {  	v18 =	vor.u32 $0xC, v5;
	v13 =	vadd.f32 v13, v12  }
0xbe: {  	v16 =	vld.idx.msk [tilespmem:v16+s4+$0x0], $0xffff  }
0xbf: {  	v19 =	vor.u32 $0xD, v5;
	v14 =	vadd.f32 v14, v13  }
0xc0: {  	v17 =	vld.idx.msk [tilespmem:v17+s4+$0x0], $0xffff  }
0xc1: {  	v20 =	vor.u32 $0xE, v5;
	v15 =	vadd.f32 v15, v14  }
0xc2: {  	v18 =	vld.idx.msk [tilespmem:v18+s4+$0x0], $0xffff  }
0xc3: {  	v5 =	vor.u32 $0xF, v5;
	v16 =	vadd.f32 v16, v15  }
0xc4: {  	v19 =	vld.idx.msk [tilespmem:v19+s4+$0x0], $0xffff  }
0xc5: {  	v17 =	vadd.f32 v17, v16  }
0xc6: {  	v20 =	vld.idx.msk [tilespmem:v20+s4+$0x0], $0xffff  }
0xc7: {  	v18 =	vadd.f32 v18, v17  }
0xc8: {  	v5 =	vld.idx.msk [tilespmem:v5+s4+$0x0], $0xffff  }
0xc9: {  	v19 =	vadd.f32 v19, v18;
	_ =	sdelay $0x1  }
0xca: {  	v20 =	vadd.f32 v20, v19;
	_ =	sdelay $0x1  }
0xcb: {  	v5 =	vadd.f32 v5, v20;
	_ =	sdelay $0x1  }
0xcc: {  	vm0 =	vlt.f32 v5, $5.000000000e-01  }
0xcd: {  	v21 =	vsel vm0, $0x3F800000, v3  }
0xce: {  	(xrf0) =	vmax.scan.msk.f32 $0xffff, v21;
	_ =	sdelay $0x5  }
0xcf: {  	v21, _, _ =	vpop (xrf0)  }
0xd0: {  	(v2sf) =	vpush v21, $0xF;
	_ =	sdelay $0x2  }
0xd1: {  	vm1 =	vlt.f32 v8, $5.000000000e-01;
	vm2 =	vlt.f32 v6, $5.000000000e-01  }
0xd2: {  	v6 =	vsel vm1, $0x1, v1;
	v8 =	vsel vm2, $0x1, v1;
	vm15 =	vlt.f32 v7, $5.000000000e-01  }
0xd3: {  	v6 =	vadd.s32 v6, v8;
	v7 =	vsel vm15, $0x1, v1;
	vm4 =	vlt.f32 v9, $5.000000000e-01  }
0xd4: {  	v6 =	vadd.s32 v7, v6;
	v7 =	vsel vm4, $0x1, v1;
	vm5 =	vlt.f32 v10, $5.000000000e-01  }
0xd5: {  	v6 =	vadd.s32 v7, v6;
	v7 =	vsel vm5, $0x1, v1;
	vm6 =	vlt.f32 v11, $5.000000000e-01  }
0xd6: {  	v6 =	vadd.s32 v7, v6;
	v7 =	vsel vm6, $0x1, v1;
	vm7 =	vlt.f32 v12, $5.000000000e-01  }
0xd7: {  	v6 =	vadd.s32 v7, v6;
	v7 =	vsel vm7, $0x1, v1;
	vm8 =	vlt.f32 v13, $5.000000000e-01  }
0xd8: {  	v6 =	vadd.s32 v7, v6;
	v7 =	vsel vm8, $0x1, v1;
	vm9 =	vlt.f32 v14, $5.000000000e-01  }
0xd9: {  	v6 =	vadd.s32 v7, v6;
	v7 =	vsel vm9, $0x1, v1;
	vm10 =	vlt.f32 v15, $5.000000000e-01  }
0xda: {  	v6 =	vadd.s32 v7, v6;
	v7 =	vsel vm10, $0x1, v1;
	vm11 =	vlt.f32 v16, $5.000000000e-01  }
0xdb: {  	v6 =	vadd.s32 v7, v6;
	v7 =	vsel vm11, $0x1, v1;
	vm12 =	vlt.f32 v17, $5.000000000e-01  }
0xdc: {  	v6 =	vadd.s32 v7, v6;
	v7 =	vsel vm12, $0x1, v1;
	vm13 =	vlt.f32 v18, $5.000000000e-01  }
0xdd: {  	v6 =	vadd.s32 v7, v6;
	v7 =	vsel vm13, $0x1, v1;
	vm14 =	vlt.f32 v19, $5.000000000e-01;
	s2 =	spop (v2sf)  }
0xde: {  	s31 =	sor.u32 s5, s29;
	v6 =	vadd.s32 v7, v6;
	v7 =	vsel vm14, $0x1, v1;
	vm15 =	vlt.f32 v20, $5.000000000e-01;
	p0 =	sgt.f32 s2, $0.0e+00  }
.Ltmp4:
0xdf: {  	v6 =	vadd.s32 v7, v6;
	v7 =	vmov s31;
	v8 =	vsel vm15, $0x1, v1;
	(pc) =	sbr.rel @!p0 .LBB2_6-.Ltmp4, $4  }
0xe0: {  	v63 =	vshll.u32 v7, $0x8;
	v6 =	vadd.s32 v8, v6;
	v8 =	vsel vm0, $0x1, v1  }
0xe1: {  	v7 =	vadd.s32 v8, v6;
	v6 =	vor.u32 v2, v63  }
0xe2: {  	[tilespmem:s29+$0x3100] =	vst v7;
	v8 =	vadd.s32 v6, v7  }
0xe3: {  	[tilespmem:s29+$0x2F00] =	vst v8  }
0xe4: {  	s2 =	simm.s32 $0x0  }
0xe5: {  	v8 =	vmov s2  }
0xe6: {  	s15 =	sshll.u32 s31, $0x5;
	v8 =	vand.u32 $0xFF, v8  }
0xe7: {  	s2 =	sadd.s32 s15, s10;
	v8 =	vadd.s32 v4, v8  }
0xe8: {  	[tilespmem:s20], [sflag:$0x3] =	stream.strided.gather [hbm4b:s2+s19], $0xF00, s14, s19, $0x38;
	[tilespmem:$0x3900] =	vst v63  }
0xe9: {  	s15 =	simm.s32 $0x1;
	_ =	swait.ge [sflag:s21], $0xF00  }
0xea: {  	v9 =	vmov s15;
	[sflag:s21] =	ssyncset.done $0x0  }
0xeb: {  	v9 =	vand.u32 $0xFF, v9;
	[sflag:s21] =	ssyncadd.s32 $0xFFFFF100  }
0xec: {  	v9 =	vadd.s32 v4, v9;
	v8 =	vld.idx.msk [tilespmem:v8+s20+$0x0], $0xffff;
	_ =	sdelay $0x2  }
0xed: {  	s31 =	simm.s32 $0x2  }
.LBB2_4:
0xee: {  	v10 =	vmov s31;
	p0 =	sne.s32 s31, $0xEF;
	s31 =	sadd.s32 $0x1, s31  }
.Ltmp5:
0xef: {  	v5 =	vadd.f32 v8, v5;
	v10 =	vand.u32 $0xFF, v10;
	v8 =	vld.idx.msk [tilespmem:v9+s20+$0x0], $0xffff;
	(pc) =	sbr.rel @p0 .LBB2_4-.Ltmp5, $4  }
0xf0: {  	v9 =	vadd.s32 v4, v10  }
0xf1: {  	vm0 =	vlt.f32 v5, $5.000000000e-01  }
0xf2: {  	v10 =	vsel vm0, $0x1, v1  }
0xf3: {  	v7 =	vadd.s32 v10, v7  }
0xf4: {  	_ =	sdelay $0x3  }
0xf5: {  	v9 =	vld.idx.msk [tilespmem:v9+s20+$0x0], $0xffff;
	_ =	sdelay $0x2  }
0xf6: {  	v5 =	vadd.f32 v8, v5;
	_ =	sdelay $0x1  }
0xf7: {  	v8 =	vadd.f32 v9, v5  }
0xf8: {  	vm0 =	vlt.f32 v5, $5.000000000e-01  }
0xf9: {  	v5 =	vsel vm0, $0x1, v1;
	vm14 =	vlt.f32 v8, $5.000000000e-01  }
0xfa: {  	v5 =	vadd.s32 v5, v7;
	v7 =	vsel vm14, $0x1, v1  }
.Ltmp6:
0xfb: {  	v5 =	vadd.s32 v7, v5;
	(pc) =	sbr.rel .LBB2_6-.Ltmp6, $4  }
0xfc: {  	vm15 =	vlt.s32 v5, $0xFF  }
0xfd: {  	v7 =	vnsel vm15, $0xFF, v5  }
0xfe: {  	[tilespmem:s29+$0x3100] =	vst v5;
	v5 =	vadd.s32 v6, v7  }
0xff: {  	[tilespmem:s29+$0x2F00] =	vst v5  }
.LBB2_7:
0x100: {  	s2 =	simm.s32 $0x3300  }
0x101: {  	[tilespmem:s2], [sflag:$0x2] =	stream.indirect.gather [hbm4b:s1+s22], $0x1, s23, s22, $0xb8;
	[tilespmem:$0x3900] =	vst v63  }
.Ltmp7:
0x102: {  	s31 =	simm.s32 $0x3500;
	(pc) =	sbr.rel .LBB2_8-.Ltmp7, $4  }
0x103: {  	[tilespmem:s31], [sflag:$0x2] =	stream.indirect.gather [hbm4b:s3+s22], $0x1, s23, s22, $0xb8;
	[tilespmem:$0x3900] =	vst v63  }
0x104: {  	_ =	swait.ge [sflag:s18], $0x800  }
0x105: {  	[sflag:s18] =	ssyncset.done $0x0  }
0x106: {  	s28 =	simm.s32 $0x0;
	[sflag:s18] =	ssyncadd.s32 $0xFFFFF800  }
.LBB2_12:
0x107: {  	s28 =	sadd.s32 $0x1, s28  }
0x108: {  	p0 =	sne.s32 s28, $0x8  }
.Ltmp8:
0x109: {  	_ = 	snop;
	(pc) =	sbr.rel @!p0 .LBB2_13-.Ltmp8, $1  }
0x10a: {  	_ =	sdelay $0x3  }
.LBB2_8:
0x10b: {  	s31 =	sshll.u32 s28, $0x4  }
0x10c: {  	s29 =	sadd.s32 $0x80, s31  }
0x10d: {  	v5 =	vmov s29  }
0x10e: {  	v5 =	vshll.u32 v5, $0x4  }
0x10f: {  	v5 =	vor.u32 v0, v5  }
0x110: {  	v6 =	vor.u32 $0x1, v5;
	_ =	sdelay $0x1  }
0x111: {  	v7 =	vor.u32 $0x2, v5;
	_ =	sdelay $0x1  }
0x112: {  	v9 =	vor.u32 $0x3, v5;
	v8 =	vld.idx.msk [tilespmem:v5+s4+$0x0], $0xffff  }
0x113: {  	v6 =	vld.idx.msk [tilespmem:v6+s4+$0x0], $0xffff  }
0x114: {  	v10 =	vor.u32 $0x4, v5  }
0x115: {  	v7 =	vld.idx.msk [tilespmem:v7+s4+$0x0], $0xffff  }
0x116: {  	v11 =	vor.u32 $0x5, v5  }
0x117: {  	v9 =	vld.idx.msk [tilespmem:v9+s4+$0x0], $0xffff  }
0x118: {  	v12 =	vor.u32 $0x6, v5;
	v6 =	vadd.f32 v6, v8  }
0x119: {  	v10 =	vld.idx.msk [tilespmem:v10+s4+$0x0], $0xffff  }
0x11a: {  	v13 =	vor.u32 $0x7, v5;
	v7 =	vadd.f32 v7, v6  }
0x11b: {  	v11 =	vld.idx.msk [tilespmem:v11+s4+$0x0], $0xffff  }
0x11c: {  	v14 =	vor.u32 $0x8, v5;
	v9 =	vadd.f32 v9, v7  }
0x11d: {  	v12 =	vld.idx.msk [tilespmem:v12+s4+$0x0], $0xffff  }
0x11e: {  	v15 =	vor.u32 $0x9, v5;
	v10 =	vadd.f32 v10, v9  }
0x11f: {  	v13 =	vld.idx.msk [tilespmem:v13+s4+$0x0], $0xffff  }
0x120: {  	v16 =	vor.u32 $0xA, v5;
	v11 =	vadd.f32 v11, v10  }
0x121: {  	v14 =	vld.idx.msk [tilespmem:v14+s4+$0x0], $0xffff  }
0x122: {  	v17 =	vor.u32 $0xB, v5;
	v12 =	vadd.f32 v12, v11  }
0x123: {  	v15 =	vld.idx.msk [tilespmem:v15+s4+$0x0], $0xffff  }
0x124: {  	v18 =	vor.u32 $0xC, v5;
	v13 =	vadd.f32 v13, v12  }
0x125: {  	v16 =	vld.idx.msk [tilespmem:v16+s4+$0x0], $0xffff  }
0x126: {  	v19 =	vor.u32 $0xD, v5;
	v14 =	vadd.f32 v14, v13  }
0x127: {  	v17 =	vld.idx.msk [tilespmem:v17+s4+$0x0], $0xffff  }
0x128: {  	v20 =	vor.u32 $0xE, v5;
	v15 =	vadd.f32 v15, v14  }
0x129: {  	v18 =	vld.idx.msk [tilespmem:v18+s4+$0x0], $0xffff  }
0x12a: {  	v5 =	vor.u32 $0xF, v5;
	v16 =	vadd.f32 v16, v15  }
0x12b: {  	v19 =	vld.idx.msk [tilespmem:v19+s4+$0x0], $0xffff  }
0x12c: {  	v17 =	vadd.f32 v17, v16  }
0x12d: {  	v20 =	vld.idx.msk [tilespmem:v20+s4+$0x0], $0xffff  }
0x12e: {  	v18 =	vadd.f32 v18, v17  }
0x12f: {  	v5 =	vld.idx.msk [tilespmem:v5+s4+$0x0], $0xffff  }
0x130: {  	v19 =	vadd.f32 v19, v18;
	_ =	sdelay $0x1  }
0x131: {  	v20 =	vadd.f32 v20, v19;
	_ =	sdelay $0x1  }
0x132: {  	v5 =	vadd.f32 v5, v20;
	_ =	sdelay $0x1  }
0x133: {  	vm0 =	vlt.f32 v5, $5.000000000e-01  }
0x134: {  	v21 =	vsel vm0, $0x3F800000, v3  }
0x135: {  	(xrf0) =	vmax.scan.msk.f32 $0xffff, v21;
	_ =	sdelay $0x5  }
0x136: {  	v21, _, _ =	vpop (xrf0)  }
0x137: {  	(v2sf) =	vpush v21, $0xF;
	_ =	sdelay $0x2  }
0x138: {  	vm1 =	vlt.f32 v8, $5.000000000e-01;
	vm2 =	vlt.f32 v6, $5.000000000e-01  }
0x139: {  	v6 =	vsel vm1, $0x1, v1;
	v8 =	vsel vm2, $0x1, v1;
	vm15 =	vlt.f32 v7, $5.000000000e-01  }
0x13a: {  	v6 =	vadd.s32 v6, v8;
	v7 =	vsel vm15, $0x1, v1;
	vm4 =	vlt.f32 v9, $5.000000000e-01  }
0x13b: {  	v6 =	vadd.s32 v7, v6;
	v7 =	vsel vm4, $0x1, v1;
	vm5 =	vlt.f32 v10, $5.000000000e-01  }
0x13c: {  	v6 =	vadd.s32 v7, v6;
	v7 =	vsel vm5, $0x1, v1;
	vm6 =	vlt.f32 v11, $5.000000000e-01  }
0x13d: {  	v6 =	vadd.s32 v7, v6;
	v7 =	vsel vm6, $0x1, v1;
	vm7 =	vlt.f32 v12, $5.000000000e-01  }
0x13e: {  	v6 =	vadd.s32 v7, v6;
	v7 =	vsel vm7, $0x1, v1;
	vm8 =	vlt.f32 v13, $5.000000000e-01  }
0x13f: {  	v6 =	vadd.s32 v7, v6;
	v7 =	vsel vm8, $0x1, v1;
	vm9 =	vlt.f32 v14, $5.000000000e-01  }
0x140: {  	v6 =	vadd.s32 v7, v6;
	v7 =	vsel vm9, $0x1, v1;
	vm10 =	vlt.f32 v15, $5.000000000e-01  }
0x141: {  	v6 =	vadd.s32 v7, v6;
	v7 =	vsel vm10, $0x1, v1;
	vm11 =	vlt.f32 v16, $5.000000000e-01  }
0x142: {  	v6 =	vadd.s32 v7, v6;
	v7 =	vsel vm11, $0x1, v1;
	vm12 =	vlt.f32 v17, $5.000000000e-01  }
0x143: {  	v6 =	vadd.s32 v7, v6;
	v7 =	vsel vm12, $0x1, v1;
	vm13 =	vlt.f32 v18, $5.000000000e-01  }
0x144: {  	v6 =	vadd.s32 v7, v6;
	v7 =	vsel vm13, $0x1, v1;
	vm14 =	vlt.f32 v19, $5.000000000e-01;
	s15 =	spop (v2sf)  }
0x145: {  	s2 =	sor.u32 s5, s29;
	v6 =	vadd.s32 v7, v6;
	v7 =	vsel vm14, $0x1, v1;
	vm15 =	vlt.f32 v20, $5.000000000e-01;
	p0 =	sgt.f32 s15, $0.0e+00  }
.Ltmp9:
0x146: {  	v6 =	vadd.s32 v7, v6;
	v7 =	vmov s2;
	v8 =	vsel vm15, $0x1, v1;
	(pc) =	sbr.rel @!p0 .LBB2_12-.Ltmp9, $4  }
0x147: {  	v63 =	vshll.u32 v7, $0x8;
	v6 =	vadd.s32 v8, v6;
	v8 =	vsel vm0, $0x1, v1  }
0x148: {  	v7 =	vadd.s32 v8, v6;
	v6 =	vor.u32 v2, v63  }
0x149: {  	[tilespmem:s31+$0x3180] =	vst v7;
	v8 =	vadd.s32 v6, v7  }
0x14a: {  	[tilespmem:s31+$0x2F80] =	vst v8  }
0x14b: {  	s15 =	simm.s32 $0x0  }
0x14c: {  	v8 =	vmov s15  }
0x14d: {  	s2 =	sshll.u32 s2, $0x5;
	v8 =	vand.u32 $0xFF, v8  }
0x14e: {  	s2 =	sadd.s32 s2, s10;
	v8 =	vadd.s32 v4, v8  }
0x14f: {  	[tilespmem:s20], [sflag:$0x3] =	stream.strided.gather [hbm4b:s2+s19], $0xF00, s14, s19, $0x38;
	[tilespmem:$0x3900] =	vst v63  }
0x150: {  	s15 =	simm.s32 $0x1;
	_ =	swait.ge [sflag:s21], $0xF00  }
0x151: {  	v9 =	vmov s15;
	[sflag:s21] =	ssyncset.done $0x0  }
0x152: {  	v9 =	vand.u32 $0xFF, v9;
	[sflag:s21] =	ssyncadd.s32 $0xFFFFF100  }
0x153: {  	v9 =	vadd.s32 v4, v9;
	v8 =	vld.idx.msk [tilespmem:v8+s20+$0x0], $0xffff;
	_ =	sdelay $0x2  }
0x154: {  	s31 =	simm.s32 $0x2  }
.LBB2_10:
0x155: {  	v10 =	vmov s31;
	p0 =	sne.s32 s31, $0xEF;
	s31 =	sadd.s32 $0x1, s31  }
.Ltmp10:
0x156: {  	v5 =	vadd.f32 v8, v5;
	v10 =	vand.u32 $0xFF, v10;
	v8 =	vld.idx.msk [tilespmem:v9+s20+$0x0], $0xffff;
	(pc) =	sbr.rel @p0 .LBB2_10-.Ltmp10, $4  }
0x157: {  	v9 =	vadd.s32 v4, v10  }
0x158: {  	vm0 =	vlt.f32 v5, $5.000000000e-01  }
0x159: {  	v10 =	vsel vm0, $0x1, v1  }
0x15a: {  	v7 =	vadd.s32 v10, v7  }
0x15b: {  	_ =	sdelay $0x3  }
0x15c: {  	v9 =	vld.idx.msk [tilespmem:v9+s20+$0x0], $0xffff;
	_ =	sdelay $0x2  }
0x15d: {  	v5 =	vadd.f32 v8, v5;
	_ =	sdelay $0x1  }
0x15e: {  	v8 =	vadd.f32 v9, v5  }
0x15f: {  	vm0 =	vlt.f32 v5, $5.000000000e-01  }
0x160: {  	v5 =	vsel vm0, $0x1, v1;
	vm14 =	vlt.f32 v8, $5.000000000e-01  }
0x161: {  	v5 =	vadd.s32 v5, v7;
	v7 =	vsel vm14, $0x1, v1  }
.Ltmp11:
0x162: {  	v5 =	vadd.s32 v7, v5;
	(pc) =	sbr.rel .LBB2_12-.Ltmp11, $4  }
0x163: {  	vm15 =	vlt.s32 v5, $0xFF  }
0x164: {  	v7 =	vnsel vm15, $0xFF, v5  }
0x165: {  	[tilespmem:s29+$0x3100] =	vst v5;
	v5 =	vadd.s32 v6, v7  }
0x166: {  	[tilespmem:s29+$0x2F00] =	vst v5  }
.LBB2_13:
0x167: {  	s2 =	simm.s32 $0x3380  }
0x168: {  	[tilespmem:s2], [sflag:$0x2] =	stream.indirect.gather [hbm4b:s1+s22], $0x1, s26, s22, $0xb8;
	[tilespmem:$0x3900] =	vst v63  }
.Ltmp12:
0x169: {  	s31 =	simm.s32 $0x3580;
	(pc) =	sbr.rel .LBB2_14-.Ltmp12, $4  }
0x16a: {  	[tilespmem:s31], [sflag:$0x2] =	stream.indirect.gather [hbm4b:s3+s22], $0x1, s26, s22, $0xb8;
	[tilespmem:$0x3900] =	vst v63  }
0x16b: {  	_ =	swait.ge [sflag:s18], $0x800  }
0x16c: {  	[sflag:s18] =	ssyncset.done $0x0  }
0x16d: {  	s28 =	simm.s32 $0x0;
	[sflag:s18] =	ssyncadd.s32 $0xFFFFF800  }
.LBB2_18:
0x16e: {  	s28 =	sadd.s32 $0x1, s28  }
0x16f: {  	p0 =	sne.s32 s28, $0x8  }
.Ltmp13:
0x170: {  	_ = 	snop;
	(pc) =	sbr.rel @!p0 .LBB2_19-.Ltmp13, $1  }
0x171: {  	_ =	sdelay $0x3  }
.LBB2_14:
0x172: {  	s31 =	sshll.u32 s28, $0x4  }
0x173: {  	s29 =	sadd.s32 $0x100, s31  }
0x174: {  	v5 =	vmov s29  }
0x175: {  	v5 =	vshll.u32 v5, $0x4  }
0x176: {  	v5 =	vor.u32 v0, v5  }
0x177: {  	v6 =	vor.u32 $0x1, v5;
	_ =	sdelay $0x1  }
0x178: {  	v7 =	vor.u32 $0x2, v5;
	_ =	sdelay $0x1  }
0x179: {  	v9 =	vor.u32 $0x3, v5;
	v8 =	vld.idx.msk [tilespmem:v5+s4+$0x0], $0xffff  }
0x17a: {  	v6 =	vld.idx.msk [tilespmem:v6+s4+$0x0], $0xffff  }
0x17b: {  	v10 =	vor.u32 $0x4, v5  }
0x17c: {  	v7 =	vld.idx.msk [tilespmem:v7+s4+$0x0], $0xffff  }
0x17d: {  	v11 =	vor.u32 $0x5, v5  }
0x17e: {  	v9 =	vld.idx.msk [tilespmem:v9+s4+$0x0], $0xffff  }
0x17f: {  	v12 =	vor.u32 $0x6, v5;
	v6 =	vadd.f32 v6, v8  }
0x180: {  	v10 =	vld.idx.msk [tilespmem:v10+s4+$0x0], $0xffff  }
0x181: {  	v13 =	vor.u32 $0x7, v5;
	v7 =	vadd.f32 v7, v6  }
0x182: {  	v11 =	vld.idx.msk [tilespmem:v11+s4+$0x0], $0xffff  }
0x183: {  	v14 =	vor.u32 $0x8, v5;
	v9 =	vadd.f32 v9, v7  }
0x184: {  	v12 =	vld.idx.msk [tilespmem:v12+s4+$0x0], $0xffff  }
0x185: {  	v15 =	vor.u32 $0x9, v5;
	v10 =	vadd.f32 v10, v9  }
0x186: {  	v13 =	vld.idx.msk [tilespmem:v13+s4+$0x0], $0xffff  }
0x187: {  	v16 =	vor.u32 $0xA, v5;
	v11 =	vadd.f32 v11, v10  }
0x188: {  	v14 =	vld.idx.msk [tilespmem:v14+s4+$0x0], $0xffff  }
0x189: {  	v17 =	vor.u32 $0xB, v5;
	v12 =	vadd.f32 v12, v11  }
0x18a: {  	v15 =	vld.idx.msk [tilespmem:v15+s4+$0x0], $0xffff  }
0x18b: {  	v18 =	vor.u32 $0xC, v5;
	v13 =	vadd.f32 v13, v12  }
0x18c: {  	v16 =	vld.idx.msk [tilespmem:v16+s4+$0x0], $0xffff  }
0x18d: {  	v19 =	vor.u32 $0xD, v5;
	v14 =	vadd.f32 v14, v13  }
0x18e: {  	v17 =	vld.idx.msk [tilespmem:v17+s4+$0x0], $0xffff  }
0x18f: {  	v20 =	vor.u32 $0xE, v5;
	v15 =	vadd.f32 v15, v14  }
0x190: {  	v18 =	vld.idx.msk [tilespmem:v18+s4+$0x0], $0xffff  }
0x191: {  	v5 =	vor.u32 $0xF, v5;
	v16 =	vadd.f32 v16, v15  }
0x192: {  	v19 =	vld.idx.msk [tilespmem:v19+s4+$0x0], $0xffff  }
0x193: {  	v17 =	vadd.f32 v17, v16  }
0x194: {  	v20 =	vld.idx.msk [tilespmem:v20+s4+$0x0], $0xffff  }
0x195: {  	v18 =	vadd.f32 v18, v17  }
0x196: {  	v5 =	vld.idx.msk [tilespmem:v5+s4+$0x0], $0xffff  }
0x197: {  	v19 =	vadd.f32 v19, v18;
	_ =	sdelay $0x1  }
0x198: {  	v20 =	vadd.f32 v20, v19;
	_ =	sdelay $0x1  }
0x199: {  	v5 =	vadd.f32 v5, v20;
	_ =	sdelay $0x1  }
0x19a: {  	vm0 =	vlt.f32 v5, $5.000000000e-01  }
0x19b: {  	v21 =	vsel vm0, $0x3F800000, v3  }
0x19c: {  	(xrf0) =	vmax.scan.msk.f32 $0xffff, v21;
	_ =	sdelay $0x5  }
0x19d: {  	v21, _, _ =	vpop (xrf0)  }
0x19e: {  	(v2sf) =	vpush v21, $0xF;
	_ =	sdelay $0x2  }
0x19f: {  	vm1 =	vlt.f32 v8, $5.000000000e-01;
	vm2 =	vlt.f32 v6, $5.000000000e-01  }
0x1a0: {  	v6 =	vsel vm1, $0x1, v1;
	v8 =	vsel vm2, $0x1, v1;
	vm15 =	vlt.f32 v7, $5.000000000e-01  }
0x1a1: {  	v6 =	vadd.s32 v6, v8;
	v7 =	vsel vm15, $0x1, v1;
	vm4 =	vlt.f32 v9, $5.000000000e-01  }
0x1a2: {  	v6 =	vadd.s32 v7, v6;
	v7 =	vsel vm4, $0x1, v1;
	vm5 =	vlt.f32 v10, $5.000000000e-01  }
0x1a3: {  	v6 =	vadd.s32 v7, v6;
	v7 =	vsel vm5, $0x1, v1;
	vm6 =	vlt.f32 v11, $5.000000000e-01  }
0x1a4: {  	v6 =	vadd.s32 v7, v6;
	v7 =	vsel vm6, $0x1, v1;
	vm7 =	vlt.f32 v12, $5.000000000e-01  }
0x1a5: {  	v6 =	vadd.s32 v7, v6;
	v7 =	vsel vm7, $0x1, v1;
	vm8 =	vlt.f32 v13, $5.000000000e-01  }
0x1a6: {  	v6 =	vadd.s32 v7, v6;
	v7 =	vsel vm8, $0x1, v1;
	vm9 =	vlt.f32 v14, $5.000000000e-01  }
0x1a7: {  	v6 =	vadd.s32 v7, v6;
	v7 =	vsel vm9, $0x1, v1;
	vm10 =	vlt.f32 v15, $5.000000000e-01  }
0x1a8: {  	v6 =	vadd.s32 v7, v6;
	v7 =	vsel vm10, $0x1, v1;
	vm11 =	vlt.f32 v16, $5.000000000e-01  }
0x1a9: {  	v6 =	vadd.s32 v7, v6;
	v7 =	vsel vm11, $0x1, v1;
	vm12 =	vlt.f32 v17, $5.000000000e-01  }
0x1aa: {  	v6 =	vadd.s32 v7, v6;
	v7 =	vsel vm12, $0x1, v1;
	vm13 =	vlt.f32 v18, $5.000000000e-01  }
0x1ab: {  	v6 =	vadd.s32 v7, v6;
	v7 =	vsel vm13, $0x1, v1;
	vm14 =	vlt.f32 v19, $5.000000000e-01;
	s15 =	spop (v2sf)  }
0x1ac: {  	s2 =	sor.u32 s5, s29;
	v6 =	vadd.s32 v7, v6;
	v7 =	vsel vm14, $0x1, v1;
	vm15 =	vlt.f32 v20, $5.000000000e-01;
	p0 =	sgt.f32 s15, $0.0e+00  }
.Ltmp14:
0x1ad: {  	v6 =	vadd.s32 v7, v6;
	v7 =	vmov s2;
	v8 =	vsel vm15, $0x1, v1;
	(pc) =	sbr.rel @!p0 .LBB2_18-.Ltmp14, $4  }
0x1ae: {  	v63 =	vshll.u32 v7, $0x8;
	v6 =	vadd.s32 v8, v6;
	v8 =	vsel vm0, $0x1, v1  }
0x1af: {  	v7 =	vadd.s32 v8, v6;
	v6 =	vor.u32 v2, v63  }
0x1b0: {  	[tilespmem:s31+$0x3200] =	vst v7;
	v8 =	vadd.s32 v6, v7  }
0x1b1: {  	[tilespmem:s31+$0x3000] =	vst v8  }
0x1b2: {  	s15 =	simm.s32 $0x0  }
0x1b3: {  	v8 =	vmov s15  }
0x1b4: {  	s2 =	sshll.u32 s2, $0x5;
	v8 =	vand.u32 $0xFF, v8  }
0x1b5: {  	s2 =	sadd.s32 s2, s10;
	v8 =	vadd.s32 v4, v8  }
0x1b6: {  	[tilespmem:s20], [sflag:$0x3] =	stream.strided.gather [hbm4b:s2+s19], $0xF00, s14, s19, $0x38;
	[tilespmem:$0x3900] =	vst v63  }
0x1b7: {  	s15 =	simm.s32 $0x1;
	_ =	swait.ge [sflag:s21], $0xF00  }
0x1b8: {  	v9 =	vmov s15;
	[sflag:s21] =	ssyncset.done $0x0  }
0x1b9: {  	v9 =	vand.u32 $0xFF, v9;
	[sflag:s21] =	ssyncadd.s32 $0xFFFFF100  }
0x1ba: {  	v9 =	vadd.s32 v4, v9;
	v8 =	vld.idx.msk [tilespmem:v8+s20+$0x0], $0xffff;
	_ =	sdelay $0x2  }
0x1bb: {  	s31 =	simm.s32 $0x2  }
.LBB2_16:
0x1bc: {  	v10 =	vmov s31;
	p0 =	sne.s32 s31, $0xEF;
	s31 =	sadd.s32 $0x1, s31  }
.Ltmp15:
0x1bd: {  	v5 =	vadd.f32 v8, v5;
	v10 =	vand.u32 $0xFF, v10;
	v8 =	vld.idx.msk [tilespmem:v9+s20+$0x0], $0xffff;
	(pc) =	sbr.rel @p0 .LBB2_16-.Ltmp15, $4  }
0x1be: {  	v9 =	vadd.s32 v4, v10  }
0x1bf: {  	vm0 =	vlt.f32 v5, $5.000000000e-01  }
0x1c0: {  	v10 =	vsel vm0, $0x1, v1  }
0x1c1: {  	v7 =	vadd.s32 v10, v7  }
0x1c2: {  	_ =	sdelay $0x3  }
0x1c3: {  	v9 =	vld.idx.msk [tilespmem:v9+s20+$0x0], $0xffff;
	_ =	sdelay $0x2  }
0x1c4: {  	v5 =	vadd.f32 v8, v5;
	_ =	sdelay $0x1  }
0x1c5: {  	v8 =	vadd.f32 v9, v5  }
0x1c6: {  	vm0 =	vlt.f32 v5, $5.000000000e-01  }
0x1c7: {  	v5 =	vsel vm0, $0x1, v1;
	vm14 =	vlt.f32 v8, $5.000000000e-01  }
0x1c8: {  	v5 =	vadd.s32 v5, v7;
	v7 =	vsel vm14, $0x1, v1  }
.Ltmp16:
0x1c9: {  	v5 =	vadd.s32 v7, v5;
	(pc) =	sbr.rel .LBB2_18-.Ltmp16, $4  }
0x1ca: {  	vm15 =	vlt.s32 v5, $0xFF  }
0x1cb: {  	v7 =	vnsel vm15, $0xFF, v5  }
0x1cc: {  	[tilespmem:s29+$0x3100] =	vst v5;
	v5 =	vadd.s32 v6, v7  }
0x1cd: {  	[tilespmem:s29+$0x2F00] =	vst v5  }
.LBB2_19:
0x1ce: {  	s2 =	simm.s32 $0x3400  }
0x1cf: {  	[tilespmem:s2], [sflag:$0x2] =	stream.indirect.gather [hbm4b:s1+s22], $0x1, s30, s22, $0xb8;
	[tilespmem:$0x3900] =	vst v63  }
.Ltmp17:
0x1d0: {  	s31 =	simm.s32 $0x3600;
	(pc) =	sbr.rel .LBB2_20-.Ltmp17, $4  }
0x1d1: {  	[tilespmem:s31], [sflag:$0x2] =	stream.indirect.gather [hbm4b:s3+s22], $0x1, s30, s22, $0xb8;
	[tilespmem:$0x3900] =	vst v63  }
0x1d2: {  	_ =	swait.ge [sflag:s18], $0x800  }
0x1d3: {  	[sflag:s18] =	ssyncset.done $0x0  }
0x1d4: {  	s28 =	simm.s32 $0x0;
	[sflag:s18] =	ssyncadd.s32 $0xFFFFF800  }
.LBB2_24:
0x1d5: {  	s28 =	sadd.s32 $0x1, s28  }
0x1d6: {  	p0 =	sne.s32 s28, $0x8  }
.Ltmp18:
0x1d7: {  	_ = 	snop;
	(pc) =	sbr.rel @!p0 .LBB2_25-.Ltmp18, $1  }
0x1d8: {  	_ =	sdelay $0x3  }
.LBB2_20:
0x1d9: {  	s31 =	sshll.u32 s28, $0x4  }
0x1da: {  	s29 =	sadd.s32 $0x180, s31  }
0x1db: {  	v5 =	vmov s29  }
0x1dc: {  	v5 =	vshll.u32 v5, $0x4  }
0x1dd: {  	v5 =	vor.u32 v0, v5  }
0x1de: {  	v6 =	vor.u32 $0x1, v5;
	_ =	sdelay $0x1  }
0x1df: {  	v7 =	vor.u32 $0x2, v5;
	_ =	sdelay $0x1  }
0x1e0: {  	v9 =	vor.u32 $0x3, v5;
	v8 =	vld.idx.msk [tilespmem:v5+s4+$0x0], $0xffff  }
0x1e1: {  	v6 =	vld.idx.msk [tilespmem:v6+s4+$0x0], $0xffff  }
0x1e2: {  	v10 =	vor.u32 $0x4, v5  }
0x1e3: {  	v7 =	vld.idx.msk [tilespmem:v7+s4+$0x0], $0xffff  }
0x1e4: {  	v11 =	vor.u32 $0x5, v5  }
0x1e5: {  	v9 =	vld.idx.msk [tilespmem:v9+s4+$0x0], $0xffff  }
0x1e6: {  	v12 =	vor.u32 $0x6, v5;
	v6 =	vadd.f32 v6, v8  }
0x1e7: {  	v10 =	vld.idx.msk [tilespmem:v10+s4+$0x0], $0xffff  }
0x1e8: {  	v13 =	vor.u32 $0x7, v5;
	v7 =	vadd.f32 v7, v6  }
0x1e9: {  	v11 =	vld.idx.msk [tilespmem:v11+s4+$0x0], $0xffff  }
0x1ea: {  	v14 =	vor.u32 $0x8, v5;
	v9 =	vadd.f32 v9, v7  }
0x1eb: {  	v12 =	vld.idx.msk [tilespmem:v12+s4+$0x0], $0xffff  }
0x1ec: {  	v15 =	vor.u32 $0x9, v5;
	v10 =	vadd.f32 v10, v9  }
0x1ed: {  	v13 =	vld.idx.msk [tilespmem:v13+s4+$0x0], $0xffff  }
0x1ee: {  	v16 =	vor.u32 $0xA, v5;
	v11 =	vadd.f32 v11, v10  }
0x1ef: {  	v14 =	vld.idx.msk [tilespmem:v14+s4+$0x0], $0xffff  }
0x1f0: {  	v17 =	vor.u32 $0xB, v5;
	v12 =	vadd.f32 v12, v11  }
0x1f1: {  	v15 =	vld.idx.msk [tilespmem:v15+s4+$0x0], $0xffff  }
0x1f2: {  	v18 =	vor.u32 $0xC, v5;
	v13 =	vadd.f32 v13, v12  }
0x1f3: {  	v16 =	vld.idx.msk [tilespmem:v16+s4+$0x0], $0xffff  }
0x1f4: {  	v19 =	vor.u32 $0xD, v5;
	v14 =	vadd.f32 v14, v13  }
0x1f5: {  	v17 =	vld.idx.msk [tilespmem:v17+s4+$0x0], $0xffff  }
0x1f6: {  	v20 =	vor.u32 $0xE, v5;
	v15 =	vadd.f32 v15, v14  }
0x1f7: {  	v18 =	vld.idx.msk [tilespmem:v18+s4+$0x0], $0xffff  }
0x1f8: {  	v5 =	vor.u32 $0xF, v5;
	v16 =	vadd.f32 v16, v15  }
0x1f9: {  	v19 =	vld.idx.msk [tilespmem:v19+s4+$0x0], $0xffff  }
0x1fa: {  	v17 =	vadd.f32 v17, v16  }
0x1fb: {  	v20 =	vld.idx.msk [tilespmem:v20+s4+$0x0], $0xffff  }
0x1fc: {  	v18 =	vadd.f32 v18, v17  }
0x1fd: {  	v5 =	vld.idx.msk [tilespmem:v5+s4+$0x0], $0xffff  }
0x1fe: {  	v19 =	vadd.f32 v19, v18;
	_ =	sdelay $0x1  }
0x1ff: {  	v20 =	vadd.f32 v20, v19;
	_ =	sdelay $0x1  }
0x200: {  	v5 =	vadd.f32 v5, v20;
	_ =	sdelay $0x1  }
0x201: {  	vm0 =	vlt.f32 v5, $5.000000000e-01  }
0x202: {  	v21 =	vsel vm0, $0x3F800000, v3  }
0x203: {  	(xrf0) =	vmax.scan.msk.f32 $0xffff, v21;
	_ =	sdelay $0x5  }
0x204: {  	v21, _, _ =	vpop (xrf0)  }
0x205: {  	(v2sf) =	vpush v21, $0xF;
	_ =	sdelay $0x2  }
0x206: {  	vm1 =	vlt.f32 v8, $5.000000000e-01;
	vm2 =	vlt.f32 v6, $5.000000000e-01  }
0x207: {  	v6 =	vsel vm1, $0x1, v1;
	v8 =	vsel vm2, $0x1, v1;
	vm15 =	vlt.f32 v7, $5.000000000e-01  }
0x208: {  	v6 =	vadd.s32 v6, v8;
	v7 =	vsel vm15, $0x1, v1;
	vm4 =	vlt.f32 v9, $5.000000000e-01  }
0x209: {  	v6 =	vadd.s32 v7, v6;
	v7 =	vsel vm4, $0x1, v1;
	vm5 =	vlt.f32 v10, $5.000000000e-01  }
0x20a: {  	v6 =	vadd.s32 v7, v6;
	v7 =	vsel vm5, $0x1, v1;
	vm6 =	vlt.f32 v11, $5.000000000e-01  }
0x20b: {  	v6 =	vadd.s32 v7, v6;
	v7 =	vsel vm6, $0x1, v1;
	vm7 =	vlt.f32 v12, $5.000000000e-01  }
0x20c: {  	v6 =	vadd.s32 v7, v6;
	v7 =	vsel vm7, $0x1, v1;
	vm8 =	vlt.f32 v13, $5.000000000e-01  }
0x20d: {  	v6 =	vadd.s32 v7, v6;
	v7 =	vsel vm8, $0x1, v1;
	vm9 =	vlt.f32 v14, $5.000000000e-01  }
0x20e: {  	v6 =	vadd.s32 v7, v6;
	v7 =	vsel vm9, $0x1, v1;
	vm10 =	vlt.f32 v15, $5.000000000e-01  }
0x20f: {  	v6 =	vadd.s32 v7, v6;
	v7 =	vsel vm10, $0x1, v1;
	vm11 =	vlt.f32 v16, $5.000000000e-01  }
0x210: {  	v6 =	vadd.s32 v7, v6;
	v7 =	vsel vm11, $0x1, v1;
	vm12 =	vlt.f32 v17, $5.000000000e-01  }
0x211: {  	v6 =	vadd.s32 v7, v6;
	v7 =	vsel vm12, $0x1, v1;
	vm13 =	vlt.f32 v18, $5.000000000e-01  }
0x212: {  	v6 =	vadd.s32 v7, v6;
	v7 =	vsel vm13, $0x1, v1;
	vm14 =	vlt.f32 v19, $5.000000000e-01;
	s15 =	spop (v2sf)  }
0x213: {  	s2 =	sor.u32 s5, s29;
	v6 =	vadd.s32 v7, v6;
	v7 =	vsel vm14, $0x1, v1;
	vm15 =	vlt.f32 v20, $5.000000000e-01;
	p0 =	sgt.f32 s15, $0.0e+00  }
.Ltmp19:
0x214: {  	v6 =	vadd.s32 v7, v6;
	v7 =	vmov s2;
	v8 =	vsel vm15, $0x1, v1;
	(pc) =	sbr.rel @!p0 .LBB2_24-.Ltmp19, $4  }
0x215: {  	v63 =	vshll.u32 v7, $0x8;
	v6 =	vadd.s32 v8, v6;
	v8 =	vsel vm0, $0x1, v1  }
0x216: {  	v7 =	vadd.s32 v8, v6;
	v6 =	vor.u32 v2, v63  }
0x217: {  	[tilespmem:s31+$0x3280] =	vst v7;
	v8 =	vadd.s32 v6, v7  }
0x218: {  	[tilespmem:s31+$0x3080] =	vst v8  }
0x219: {  	s15 =	simm.s32 $0x0  }
0x21a: {  	v8 =	vmov s15  }
0x21b: {  	s2 =	sshll.u32 s2, $0x5;
	v8 =	vand.u32 $0xFF, v8  }
0x21c: {  	s2 =	sadd.s32 s2, s10;
	v8 =	vadd.s32 v4, v8  }
0x21d: {  	[tilespmem:s20], [sflag:$0x3] =	stream.strided.gather [hbm4b:s2+s19], $0xF00, s14, s19, $0x38;
	[tilespmem:$0x3900] =	vst v63  }
0x21e: {  	s15 =	simm.s32 $0x1;
	_ =	swait.ge [sflag:s21], $0xF00  }
0x21f: {  	v9 =	vmov s15;
	[sflag:s21] =	ssyncset.done $0x0  }
0x220: {  	v9 =	vand.u32 $0xFF, v9;
	[sflag:s21] =	ssyncadd.s32 $0xFFFFF100  }
0x221: {  	v9 =	vadd.s32 v4, v9;
	v8 =	vld.idx.msk [tilespmem:v8+s20+$0x0], $0xffff;
	_ =	sdelay $0x2  }
0x222: {  	s31 =	simm.s32 $0x2  }
.LBB2_22:
0x223: {  	v10 =	vmov s31;
	p0 =	sne.s32 s31, $0xEF;
	s31 =	sadd.s32 $0x1, s31  }
.Ltmp20:
0x224: {  	v5 =	vadd.f32 v8, v5;
	v10 =	vand.u32 $0xFF, v10;
	v8 =	vld.idx.msk [tilespmem:v9+s20+$0x0], $0xffff;
	(pc) =	sbr.rel @p0 .LBB2_22-.Ltmp20, $4  }
0x225: {  	v9 =	vadd.s32 v4, v10  }
0x226: {  	vm0 =	vlt.f32 v5, $5.000000000e-01  }
0x227: {  	v10 =	vsel vm0, $0x1, v1  }
0x228: {  	v7 =	vadd.s32 v10, v7  }
0x229: {  	_ =	sdelay $0x3  }
0x22a: {  	v9 =	vld.idx.msk [tilespmem:v9+s20+$0x0], $0xffff;
	_ =	sdelay $0x2  }
0x22b: {  	v5 =	vadd.f32 v8, v5;
	_ =	sdelay $0x1  }
0x22c: {  	v8 =	vadd.f32 v9, v5  }
0x22d: {  	vm0 =	vlt.f32 v5, $5.000000000e-01  }
0x22e: {  	v5 =	vsel vm0, $0x1, v1;
	vm14 =	vlt.f32 v8, $5.000000000e-01  }
0x22f: {  	v5 =	vadd.s32 v5, v7;
	v7 =	vsel vm14, $0x1, v1  }
.Ltmp21:
0x230: {  	v5 =	vadd.s32 v7, v5;
	(pc) =	sbr.rel .LBB2_24-.Ltmp21, $4  }
0x231: {  	vm15 =	vlt.s32 v5, $0xFF  }
0x232: {  	v7 =	vnsel vm15, $0xFF, v5  }
0x233: {  	[tilespmem:s29+$0x3100] =	vst v5;
	v5 =	vadd.s32 v6, v7  }
0x234: {  	[tilespmem:s29+$0x2F00] =	vst v5  }
.LBB2_26:
0x235: {  	_ =	sfence.sel $0x180000  }
0x236: {  	[bflag:$0x0] =	sbarrier.arrive $0xFFFF  }
0x237: {  	_ =	strace $0x90000047  }
0x238: {  	s0 =	stileid.u32;
	[bflag:$0x2] =	sbarrier.arrive $0xFFFF  }
0x239: {  	p0 =	sne.s32 s0, $0x0;
	s0 =	rddreg [dreg:$0x4]  }
0x23a: {  	s0 =	sadd.s32 @!p0 $0x100000, s0  }
0x23b: {  	[sflag:s0] =	ssyncadd.tile.s32 @!p0 $0x1;
	_ =	shalt  }
.Lfunc_end2:
_tile_overlayer_lowered:
.L_overlay_start_2:
0x23c: {  	(tag) =	ssettag $0x2  }
0x23d: {  	s0 =	rddreg [dreg:$0x0];
	s2 =	stileid.u32  }
0x23e: {  	s1 =	rddreg [dreg:$0x1];
	p0 =	sne.s32 s2, $0x0  }
0x23f: {  	s3 =	rddreg [dreg:$0x2];
	[bflag:$0x3] =	sbarrier.arrive $0xFFFF;
	s2 =	simm.s32 @!p0 $0x1C03  }
0x240: {  	[timem:s3], [sflag:s2] =	dma.local @!p0 [hbm:s0], s1  }
0x241: {  	s0 =	simm.s32 @!p0 $0x3  }
0x242: {  	_ =	swait.ge @!p0 [sflag:s0], s1  }
0x243: {  	s1 =	ssub.s32 @!p0 $0x0, s1;
	[sflag:s0] =	ssyncset.done @!p0 $0x0  }
0x244: {  	[sflag:s0] =	ssyncadd.s32 @!p0 s1  }
0x245: {  	[bflag:$0x3] =	sbarrier.arrive $0xFFFF  }
0x246: {  	_ =	shalt  }

</sc_bundles>
